<compile_context>
chip_gen: v7x
topology: tpu7x:2x2x1
jax: 0.10.2.dev20260603
libtpu: 0.0.44.dev20260713+nightly
codegen_flags: <defaults>
</compile_context>

<pallas_src>
import functools

import jax
import jax.numpy as jnp
from jax import lax
from jax.experimental import pallas as pl
from jax.experimental.pallas import tpu as pltpu
from jax.experimental.pallas import tpu_sc as plsc

BATCH = 256
N_CODES = 64
BOOK = 1024
D = 64
ROWS = BATCH * N_CODES

G = 8
BB = 32
_CH = 128

_DIST_PREC = jax.lax.Precision.DEFAULT


def _argmin_body(wq_ref, cb_ref, idx_ref, tab_ref):
    j = pl.program_id(0)
    iota2 = jax.lax.broadcasted_iota(jnp.int32, (BATCH, BOOK), 1)
    idx_cols = []
    for g in range(G):
        x = wq_ref[:, g * D:(g + 1) * D]
        cb = cb_ref[g]
        xc = jax.lax.dot_general(
            x, cb, (((1,), (0,)), ((), ())),
            precision=_DIST_PREC, preferred_element_type=jnp.float32)
        x_sq = jnp.sum(x * x, axis=1, keepdims=True)
        c_sq = jnp.sum(cb * cb, axis=0)[None, :]
        dist = x_sq + c_sq - 2.0 * xc
        m = jnp.min(dist, axis=1, keepdims=True)
        idx_cols.append(
            jnp.min(jnp.where(dist == m, iota2, BOOK), axis=1, keepdims=True))
        tab_ref[g * BOOK:(g + 1) * BOOK, 0:D] = jnp.transpose(cb, (1, 0))
    idxg = jnp.concatenate(idx_cols, axis=1)
    for jj in range(N_CODES // G):
        @pl.when(j == jj)
        def _():
            idx_ref[:, jj * G:(jj + 1) * G] = idxg


def _argmin_call(w_q, codebook):
    cb_t = jnp.transpose(codebook, (0, 2, 1))
    return pl.pallas_call(
        _argmin_body,
        grid=(N_CODES // G,),
        in_specs=[
            pl.BlockSpec((BATCH, G * D), lambda j: (0, j)),
            pl.BlockSpec((G, D, BOOK), lambda j: (j, 0, 0)),
        ],
        out_specs=[
            pl.BlockSpec((BATCH, N_CODES), lambda j: (0, 0)),
            pl.BlockSpec((G * BOOK, 2 * D), lambda j: (j, 0)),
        ],
        out_shape=[
            jax.ShapeDtypeStruct((BATCH, N_CODES), jnp.int32),
            jax.ShapeDtypeStruct((N_CODES * BOOK, 2 * D), jnp.float32),
        ],
    )(w_q, cb_t)


def _onehot_body(idx_ref, oh_ref):
    idx2 = idx_ref[...]
    iota3 = jax.lax.broadcasted_iota(jnp.int32, (BB, N_CODES, BOOK), 2)
    oh_ref[...] = (idx2[:, :, None] == iota3).astype(jnp.float32)


def _onehot_call(idx):
    return pl.pallas_call(
        _onehot_body,
        grid=(BATCH // BB,),
        in_specs=[pl.BlockSpec((BB, N_CODES), lambda i: (i, 0))],
        out_specs=pl.BlockSpec((BB, N_CODES, BOOK), lambda i: (i, 0, 0)),
        out_shape=jax.ShapeDtypeStruct((BATCH, N_CODES, BOOK), jnp.float32),
    )(idx)


def _sc_gather(table, w_q, idx):
    info = plsc.get_sparse_core_info()
    nw = info.num_cores * info.num_subcores
    rpw = ROWS // nw
    n_chunks = rpw // _CH
    rows_per_chunk = _CH // N_CODES
    mesh = plsc.VectorSubcoreMesh(core_axis_name="c", subcore_axis_name="s")

    @functools.partial(
        pl.kernel, mesh=mesh,
        out_type=[
            jax.ShapeDtypeStruct((BATCH, N_CODES * D), jnp.float32),
            jax.ShapeDtypeStruct((BATCH, N_CODES * D), jnp.float32),
        ],
        scratch_types=[
            pltpu.VMEM((rows_per_chunk, N_CODES), jnp.int32),
            pltpu.VMEM((_CH,), jnp.int32),
            pltpu.VMEM((_CH, 2 * D), jnp.float32),
            pltpu.VMEM((rows_per_chunk, N_CODES * D), jnp.float32),
            pltpu.VMEM((rows_per_chunk, N_CODES * D), jnp.float32),
            pltpu.SemaphoreType.DMA,
        ],
    )
    def k(table_hbm, wq_hbm, idx_hbm, w_hbm, we_hbm,
          idx_v, gidx_v, rows_v, wq_v, we_v, sem):
        wid = lax.axis_index("s") * info.num_cores + lax.axis_index("c")
        lane_iota = lax.iota(jnp.int32, 16)
        base_row = wid * (rpw // N_CODES)

        def chunk_body(c, _):
            crow = base_row + c * rows_per_chunk
            pltpu.sync_copy(idx_hbm.at[pl.ds(crow, rows_per_chunk)], idx_v)
            for v in range(_CH // 16):
                row = v * 16 // N_CODES
                sl = pl.ds((v * 16) % N_CODES, 16)
                slot16 = (v * 16) % N_CODES + lane_iota
                gidx_v[pl.ds(v * 16, 16)] = idx_v[row, sl] + slot16 * BOOK
            gather = pltpu.async_copy(table_hbm.at[gidx_v], rows_v, sem)
            pltpu.sync_copy(wq_hbm.at[pl.ds(crow, rows_per_chunk)], wq_v)
            gather.wait()

            def grp(g, _):
                row_g = g * 16 // N_CODES
                for lane in range(16):
                    r = g * 16 + lane
                    col = ((g * 16) % N_CODES + lane) * D
                    for d4 in range(D // 16):
                        val = rows_v[r, pl.ds(d4 * 16, 16)]
                        csl = pl.ds(col + d4 * 16, 16)
                        we_v[row_g, csl] = val
                        q = wq_v[row_g, csl]
                        wq_v[row_g, csl] = q + (val - q)
                return 0

            lax.fori_loop(0, _CH // 16, grp, 0)
            pltpu.sync_copy(we_v, we_hbm.at[pl.ds(crow, rows_per_chunk)])
            pltpu.sync_copy(wq_v, w_hbm.at[pl.ds(crow, rows_per_chunk)])
            return 0

        lax.fori_loop(0, n_chunks, chunk_body, 0)

    return k(table, w_q, idx)


def kernel(w_q, codebook):
    idx, table = _argmin_call(w_q, codebook)
    one_hot = _onehot_call(idx)
    w, w_e = _sc_gather(table, w_q, idx)
    return w, w_e, one_hot

# --- scband reference (transcript-rebuilt; emitter-appended) ---
"""Pipeline reference for scband-abstract-vqvae-3435973837034 (READ-ONLY COPY).

The authoritative reference and input builder live on the scoring server;
editing this copy changes nothing except your own understanding.
"""

import jax, jax.numpy as jnp
import numpy as np

BATCH = 256
N_CODES = 64
BOOK_SIZE = 1024
EMBED_DIM = 64


def setup_inputs(seed: int = 0) -> dict:
    key = jax.random.key(seed)
    k1, k2 = jax.random.split(key)
    w_q = jax.random.normal(k1, (BATCH, N_CODES * EMBED_DIM), dtype=jnp.float32)
    # learned parameter: per-slot codebook [n_codes, book_size, embedding_dim]
    codebook = jax.random.normal(k2, (N_CODES, BOOK_SIZE, EMBED_DIM), dtype=jnp.float32)
    return {"w_q": w_q, "codebook": codebook}


def _quantize(w_q, codebook):
    # Faithful to VectorQuantizer.quantize: each of the n_codes slots has its own
    # book of BOOK_SIZE vectors; codebook.repeat(batch,1,1) in torch tiles the
    # [n_codes, book_size, d] block per batch element, so slot i of every batch
    # element is matched against codebook[i].
    batch = w_q.shape[0]
    n_codes, book_size, d = codebook.shape
    x = w_q.reshape(batch, n_codes, d)
    # exact squared euclidean distance via expansion (same math as pykeops_square_distance)
    x_sq = jnp.sum(x * x, axis=-1, keepdims=True)              # [B, n_codes, 1]
    c_sq = jnp.sum(codebook * codebook, axis=-1)[None, :, :]    # [1, n_codes, book_size]
    xc = jnp.einsum('bnd,nkd->bnk', x, codebook)                # [B, n_codes, book_size]
    dist = x_sq + c_sq - 2.0 * xc
    idx = jnp.argmin(dist, axis=-1)                             # [B, n_codes]
    # gather: book.gather(1, idx_expanded)
    emb = codebook[jnp.arange(n_codes)[None, :], idx]           # [B, n_codes, d]
    w_e = emb.reshape(batch, n_codes * d)
    # one_hot.scatter_(2, idx, 1)
    one_hot = jax.nn.one_hot(idx, book_size, dtype=jnp.float32)  # [B, n_codes, book_size]
    return w_e, one_hot


def reference(w_q, codebook):
    w_e, one_hot = _quantize(w_q, codebook)
    # TransferGrad: forward returns w_e, gradient flows to w_q (straight-through)
    w = w_q + jax.lax.stop_gradient(w_e - w_q)
    return (w, w_e, one_hot)

if __name__ == "__main__":
    import jax
    _d = setup_inputs()
    print(jax.jit(kernel)(*tuple(_d.values())))

</pallas_src>

<mosaic_0001>
#map = affine_map<(d0, d1) -> (0, 0)>
module attributes {stable_mosaic.version = 14 : i64} {
  func.func @k(%arg0: i32, %arg1: i32, %arg2: memref<65536x128xf32, #tpu.memory_space<hbm>>, %arg3: memref<256x4096xf32, #tpu.memory_space<hbm>>, %arg4: memref<256x64xi32, #tpu.memory_space<hbm>>, %arg5: memref<256x4096xf32, #tpu.memory_space<hbm>>, %arg6: memref<256x4096xf32, #tpu.memory_space<hbm>>, %arg7: memref<2x64xi32, #tpu.memory_space<vmem>>, %arg8: memref<128xi32, #tpu.memory_space<vmem>>, %arg9: memref<128x128xf32, #tpu.memory_space<vmem>>, %arg10: memref<2x4096xf32, #tpu.memory_space<vmem>>, %arg11: memref<2x4096xf32, #tpu.memory_space<vmem>>, %arg12: memref<!tpu.dma_semaphore, #tpu.memory_space<semaphore_mem>>) attributes {dimension_semantics = [#tpu.dimension_semantics<core_parallel>, #tpu.dimension_semantics<subcore_parallel>], iteration_bounds = array<i64: 2, 16>, scalar_prefetch = 0 : i64, scratch_operands = 6 : i64, tpu.core_type = #tpu.core_type<sc_vector_subcore>, window_params = [{transform_indices = #map}, {transform_indices = #map}, {transform_indices = #map}, {transform_indices = #map}, {transform_indices = #map}]} {
    %mul3A = arith.constant 2 : i32
    %mul3A_0 = arith.muli %arg1, %mul3A : i32
    %add3A = arith.addi %mul3A_0, %arg0 : i32
    %iota3A = tpu.iota {dimensions = array<i32: 0>} : vector<16xi32>
    %mul3A_1 = arith.constant 8 : i32
    %mul3A_2 = arith.muli %add3A, %mul3A_1 : i32
    %scan3A = arith.constant 0 : i32
    %scan3A_3 = arith.constant 0 : i32
    %scan3A_4 = arith.constant 4 : i32
    %scan3A_5 = arith.addi %scan3A_3, %scan3A_4 : i32
    %scan3A_6 = arith.constant 1 : i32
    %scan3A_7 = scf.for %scan3A_9 = %scan3A_3 to %scan3A_5 step %scan3A_6 iter_args(%scan3A_10 = %scan3A) -> (i32)  : i32 {
      %mul3A_11 = arith.constant 2 : i32
      %mul3A_12 = arith.muli %scan3A_9, %mul3A_11 : i32
      %add3A_13 = arith.addi %mul3A_2, %mul3A_12 : i32
      "tpu.region"() ({
        %run_scoped3A = tpu.sem_alloc : memref<!tpu.dma_semaphore, #tpu.memory_space<semaphore_mem>>
        %dma_start3A_152 = arith.constant 0 : i32
        %dma_start3A_153 = tpu.memref_slice %arg4[%add3A_13, %dma_start3A_152] : memref<256x64xi32, #tpu.memory_space<hbm>> -> memref<2x64xi32, #tpu.memory_space<hbm>>
        %dma_start3A_154 = arith.constant 0 : i32
        %dma_start3A_155 = tpu.memref_slice %arg4[%add3A_13, %dma_start3A_154] : memref<256x64xi32, #tpu.memory_space<hbm>> -> memref<2x64xi32, #tpu.memory_space<hbm>>
        tpu.enqueue_dma source(%dma_start3A_155 : memref<2x64xi32, #tpu.memory_space<hbm>>) target(%arg7 : memref<2x64xi32, #tpu.memory_space<vmem>>) target_semaphore(%run_scoped3A : memref<!tpu.dma_semaphore, #tpu.memory_space<semaphore_mem>>)
        %dma_wait3A_156 = arith.constant 0 : i32
        %dma_wait3A_157 = tpu.memref_slice %arg4[%add3A_13, %dma_wait3A_156] : memref<256x64xi32, #tpu.memory_space<hbm>> -> memref<2x64xi32, #tpu.memory_space<hbm>>
        %dma_wait3A_158 = arith.constant 0 : i32
        %dma_wait3A_159 = tpu.memref_slice %arg4[%add3A_13, %dma_wait3A_158] : memref<256x64xi32, #tpu.memory_space<hbm>> -> memref<2x64xi32, #tpu.memory_space<hbm>>
        tpu.wait_dma2 semaphore(%run_scoped3A : memref<!tpu.dma_semaphore, #tpu.memory_space<semaphore_mem>>) src(%dma_wait3A_159 : memref<2x64xi32, #tpu.memory_space<hbm>>) dst(%arg7 : memref<2x64xi32, #tpu.memory_space<vmem>>)
        tpu.yield
      }) : () -> ()
      %add3A_14 = arith.constant 0 : i32
      %add3A_15 = vector.broadcast %add3A_14 : i32 to vector<16xi32>
      %add3A_16 = arith.addi %add3A_15, %iota3A : vector<16xi32>
      %get3A = arith.constant 0 : i32
      %get3A_17 = arith.index_cast %get3A : i32 to index
      %get3A_18 = arith.constant 0 : index
      %get3A_19 = tpu.vector_load %arg7[%get3A_17, %get3A_18] {strides = array<i32>} : memref<2x64xi32, #tpu.memory_space<vmem>>, vector<1x16xi32>,
      %get3A_20 = vector.shape_cast %get3A_19 : vector<1x16xi32> to vector<16xi32>
      %mul3A_21 = arith.constant 1024 : i32
      %mul3A_22 = vector.broadcast %mul3A_21 : i32 to vector<16xi32>
      %mul3A_23 = arith.muli %add3A_16, %mul3A_22 : vector<16xi32>
      %add3A_24 = arith.addi %get3A_20, %mul3A_23 : vector<16xi32>
      %swap3A = arith.constant 0 : index
      %swap3A_25 = tpu.vector_load %arg8[%swap3A] {strides = array<i32>} : memref<128xi32, #tpu.memory_space<vmem>>, vector<16xi32>,
      %swap3A_26 = vector.shape_cast %swap3A_25 : vector<16xi32> to vector<16xi32>
      %swap3A_27 = vector.shape_cast %add3A_24 : vector<16xi32> to vector<16xi32>
      tpu.vector_store %arg8[%swap3A], %swap3A_27 {strides = array<i32>} : memref<128xi32, #tpu.memory_space<vmem>>, vector<16xi32>,
      %add3A_28 = arith.constant 16 : i32
      %add3A_29 = vector.broadcast %add3A_28 : i32 to vector<16xi32>
      %add3A_30 = arith.addi %add3A_29, %iota3A : vector<16xi32>
      %get3A_31 = arith.constant 0 : i32
      %get3A_32 = arith.index_cast %get3A_31 : i32 to index
      %get3A_33 = arith.constant 16 : index
      %get3A_34 = tpu.vector_load %arg7[%get3A_32, %get3A_33] {strides = array<i32>} : memref<2x64xi32, #tpu.memory_space<vmem>>, vector<1x16xi32>,
      %get3A_35 = vector.shape_cast %get3A_34 : vector<1x16xi32> to vector<16xi32>
      %mul3A_36 = arith.constant 1024 : i32
      %mul3A_37 = vector.broadcast %mul3A_36 : i32 to vector<16xi32>
      %mul3A_38 = arith.muli %add3A_30, %mul3A_37 : vector<16xi32>
      %add3A_39 = arith.addi %get3A_35, %mul3A_38 : vector<16xi32>
      %swap3A_40 = arith.constant 16 : index
      %swap3A_41 = tpu.vector_load %arg8[%swap3A_40] {strides = array<i32>} : memref<128xi32, #tpu.memory_space<vmem>>, vector<16xi32>,
      %swap3A_42 = vector.shape_cast %swap3A_41 : vector<16xi32> to vector<16xi32>
      %swap3A_43 = vector.shape_cast %add3A_39 : vector<16xi32> to vector<16xi32>
      tpu.vector_store %arg8[%swap3A_40], %swap3A_43 {strides = array<i32>} : memref<128xi32, #tpu.memory_space<vmem>>, vector<16xi32>,
      %add3A_44 = arith.constant 32 : i32
      %add3A_45 = vector.broadcast %add3A_44 : i32 to vector<16xi32>
      %add3A_46 = arith.addi %add3A_45, %iota3A : vector<16xi32>
      %get3A_47 = arith.constant 0 : i32
      %get3A_48 = arith.index_cast %get3A_47 : i32 to index
      %get3A_49 = arith.constant 32 : index
      %get3A_50 = tpu.vector_load %arg7[%get3A_48, %get3A_49] {strides = array<i32>} : memref<2x64xi32, #tpu.memory_space<vmem>>, vector<1x16xi32>,
      %get3A_51 = vector.shape_cast %get3A_50 : vector<1x16xi32> to vector<16xi32>
      %mul3A_52 = arith.constant 1024 : i32
      %mul3A_53 = vector.broadcast %mul3A_52 : i32 to vector<16xi32>
      %mul3A_54 = arith.muli %add3A_46, %mul3A_53 : vector<16xi32>
      %add3A_55 = arith.addi %get3A_51, %mul3A_54 : vector<16xi32>
      %swap3A_56 = arith.constant 32 : index
      %swap3A_57 = tpu.vector_load %arg8[%swap3A_56] {strides = array<i32>} : memref<128xi32, #tpu.memory_space<vmem>>, vector<16xi32>,
      %swap3A_58 = vector.shape_cast %swap3A_57 : vector<16xi32> to vector<16xi32>
      %swap3A_59 = vector.shape_cast %add3A_55 : vector<16xi32> to vector<16xi32>
      tpu.vector_store %arg8[%swap3A_56], %swap3A_59 {strides = array<i32>} : memref<128xi32, #tpu.memory_space<vmem>>, vector<16xi32>,
      %add3A_60 = arith.constant 48 : i32
      %add3A_61 = vector.broadcast %add3A_60 : i32 to vector<16xi32>
      %add3A_62 = arith.addi %add3A_61, %iota3A : vector<16xi32>
      %get3A_63 = arith.constant 0 : i32
      %get3A_64 = arith.index_cast %get3A_63 : i32 to index
      %get3A_65 = arith.constant 48 : index
      %get3A_66 = tpu.vector_load %arg7[%get3A_64, %get3A_65] {strides = array<i32>} : memref<2x64xi32, #tpu.memory_space<vmem>>, vector<1x16xi32>,
      %get3A_67 = vector.shape_cast %get3A_66 : vector<1x16xi32> to vector<16xi32>
      %mul3A_68 = arith.constant 1024 : i32
      %mul3A_69 = vector.broadcast %mul3A_68 : i32 to vector<16xi32>
      %mul3A_70 = arith.muli %add3A_62, %mul3A_69 : vector<16xi32>
      %add3A_71 = arith.addi %get3A_67, %mul3A_70 : vector<16xi32>
      %swap3A_72 = arith.constant 48 : index
      %swap3A_73 = tpu.vector_load %arg8[%swap3A_72] {strides = array<i32>} : memref<128xi32, #tpu.memory_space<vmem>>, vector<16xi32>,
      %swap3A_74 = vector.shape_cast %swap3A_73 : vector<16xi32> to vector<16xi32>
      %swap3A_75 = vector.shape_cast %add3A_71 : vector<16xi32> to vector<16xi32>
      tpu.vector_store %arg8[%swap3A_72], %swap3A_75 {strides = array<i32>} : memref<128xi32, #tpu.memory_space<vmem>>, vector<16xi32>,
      %add3A_76 = arith.constant 0 : i32
      %add3A_77 = vector.broadcast %add3A_76 : i32 to vector<16xi32>
      %add3A_78 = arith.addi %add3A_77, %iota3A : vector<16xi32>
      %get3A_79 = arith.constant 1 : i32
      %get3A_80 = arith.index_cast %get3A_79 : i32 to index
      %get3A_81 = arith.constant 0 : index
      %get3A_82 = tpu.vector_load %arg7[%get3A_80, %get3A_81] {strides = array<i32>} : memref<2x64xi32, #tpu.memory_space<vmem>>, vector<1x16xi32>,
      %get3A_83 = vector.shape_cast %get3A_82 : vector<1x16xi32> to vector<16xi32>
      %mul3A_84 = arith.constant 1024 : i32
      %mul3A_85 = vector.broadcast %mul3A_84 : i32 to vector<16xi32>
      %mul3A_86 = arith.muli %add3A_78, %mul3A_85 : vector<16xi32>
      %add3A_87 = arith.addi %get3A_83, %mul3A_86 : vector<16xi32>
      %swap3A_88 = arith.constant 64 : index
      %swap3A_89 = tpu.vector_load %arg8[%swap3A_88] {strides = array<i32>} : memref<128xi32, #tpu.memory_space<vmem>>, vector<16xi32>,
      %swap3A_90 = vector.shape_cast %swap3A_89 : vector<16xi32> to vector<16xi32>
      %swap3A_91 = vector.shape_cast %add3A_87 : vector<16xi32> to vector<16xi32>
      tpu.vector_store %arg8[%swap3A_88], %swap3A_91 {strides = array<i32>} : memref<128xi32, #tpu.memory_space<vmem>>, vector<16xi32>,
      %add3A_92 = arith.constant 16 : i32
      %add3A_93 = vector.broadcast %add3A_92 : i32 to vector<16xi32>
      %add3A_94 = arith.addi %add3A_93, %iota3A : vector<16xi32>
      %get3A_95 = arith.constant 1 : i32
      %get3A_96 = arith.index_cast %get3A_95 : i32 to index
      %get3A_97 = arith.constant 16 : index
      %get3A_98 = tpu.vector_load %arg7[%get3A_96, %get3A_97] {strides = array<i32>} : memref<2x64xi32, #tpu.memory_space<vmem>>, vector<1x16xi32>,
      %get3A_99 = vector.shape_cast %get3A_98 : vector<1x16xi32> to vector<16xi32>
      %mul3A_100 = arith.constant 1024 : i32
      %mul3A_101 = vector.broadcast %mul3A_100 : i32 to vector<16xi32>
      %mul3A_102 = arith.muli %add3A_94, %mul3A_101 : vector<16xi32>
      %add3A_103 = arith.addi %get3A_99, %mul3A_102 : vector<16xi32>
      %swap3A_104 = arith.constant 80 : index
      %swap3A_105 = tpu.vector_load %arg8[%swap3A_104] {strides = array<i32>} : memref<128xi32, #tpu.memory_space<vmem>>, vector<16xi32>,
      %swap3A_106 = vector.shape_cast %swap3A_105 : vector<16xi32> to vector<16xi32>
      %swap3A_107 = vector.shape_cast %add3A_103 : vector<16xi32> to vector<16xi32>
      tpu.vector_store %arg8[%swap3A_104], %swap3A_107 {strides = array<i32>} : memref<128xi32, #tpu.memory_space<vmem>>, vector<16xi32>,
      %add3A_108 = arith.constant 32 : i32
      %add3A_109 = vector.broadcast %add3A_108 : i32 to vector<16xi32>
      %add3A_110 = arith.addi %add3A_109, %iota3A : vector<16xi32>
      %get3A_111 = arith.constant 1 : i32
      %get3A_112 = arith.index_cast %get3A_111 : i32 to index
      %get3A_113 = arith.constant 32 : index
      %get3A_114 = tpu.vector_load %arg7[%get3A_112, %get3A_113] {strides = array<i32>} : memref<2x64xi32, #tpu.memory_space<vmem>>, vector<1x16xi32>,
      %get3A_115 = vector.shape_cast %get3A_114 : vector<1x16xi32> to vector<16xi32>
      %mul3A_116 = arith.constant 1024 : i32
      %mul3A_117 = vector.broadcast %mul3A_116 : i32 to vector<16xi32>
      %mul3A_118 = arith.muli %add3A_110, %mul3A_117 : vector<16xi32>
      %add3A_119 = arith.addi %get3A_115, %mul3A_118 : vector<16xi32>
      %swap3A_120 = arith.constant 96 : index
      %swap3A_121 = tpu.vector_load %arg8[%swap3A_120] {strides = array<i32>} : memref<128xi32, #tpu.memory_space<vmem>>, vector<16xi32>,
      %swap3A_122 = vector.shape_cast %swap3A_121 : vector<16xi32> to vector<16xi32>
      %swap3A_123 = vector.shape_cast %add3A_119 : vector<16xi32> to vector<16xi32>
      tpu.vector_store %arg8[%swap3A_120], %swap3A_123 {strides = array<i32>} : memref<128xi32, #tpu.memory_space<vmem>>, vector<16xi32>,
      %add3A_124 = arith.constant 48 : i32
      %add3A_125 = vector.broadcast %add3A_124 : i32 to vector<16xi32>
      %add3A_126 = arith.addi %add3A_125, %iota3A : vector<16xi32>
      %get3A_127 = arith.constant 1 : i32
      %get3A_128 = arith.index_cast %get3A_127 : i32 to index
      %get3A_129 = arith.constant 48 : index
      %get3A_130 = tpu.vector_load %arg7[%get3A_128, %get3A_129] {strides = array<i32>} : memref<2x64xi32, #tpu.memory_space<vmem>>, vector<1x16xi32>,
      %get3A_131 = vector.shape_cast %get3A_130 : vector<1x16xi32> to vector<16xi32>
      %mul3A_132 = arith.constant 1024 : i32
      %mul3A_133 = vector.broadcast %mul3A_132 : i32 to vector<16xi32>
      %mul3A_134 = arith.muli %add3A_126, %mul3A_133 : vector<16xi32>
      %add3A_135 = arith.addi %get3A_131, %mul3A_134 : vector<16xi32>
      %swap3A_136 = arith.constant 112 : index
      %swap3A_137 = tpu.vector_load %arg8[%swap3A_136] {strides = array<i32>} : memref<128xi32, #tpu.memory_space<vmem>>, vector<16xi32>,
      %swap3A_138 = vector.shape_cast %swap3A_137 : vector<16xi32> to vector<16xi32>
      %swap3A_139 = vector.shape_cast %add3A_135 : vector<16xi32> to vector<16xi32>
      tpu.vector_store %arg8[%swap3A_136], %swap3A_139 {strides = array<i32>} : memref<128xi32, #tpu.memory_space<vmem>>, vector<16xi32>,
      %dma_start3A = arith.constant 0 : i32
      %dma_start3A_140 = arith.constant 0 : i32
      %dma_start3A_141 = tpu.memref_slice %arg2[%dma_start3A, %dma_start3A_140] : memref<65536x128xf32, #tpu.memory_space<hbm>> -> memref<65536x128xf32, #tpu.memory_space<hbm>>
      tpu.enqueue_indirect_dma source(%dma_start3A_141 : memref<65536x128xf32, #tpu.memory_space<hbm>>) target(%arg9 : memref<128x128xf32, #tpu.memory_space<vmem>>) offsets(%arg8 : memref<128xi32, #tpu.memory_space<vmem>>) semaphore(%arg12 : memref<!tpu.dma_semaphore, #tpu.memory_space<semaphore_mem>>)
      "tpu.region"() ({
        %run_scoped3A = tpu.sem_alloc : memref<!tpu.dma_semaphore, #tpu.memory_space<semaphore_mem>>
        %dma_start3A_152 = arith.constant 0 : i32
        %dma_start3A_153 = tpu.memref_slice %arg3[%add3A_13, %dma_start3A_152] : memref<256x4096xf32, #tpu.memory_space<hbm>> -> memref<2x4096xf32, #tpu.memory_space<hbm>>
        %dma_start3A_154 = arith.constant 0 : i32
        %dma_start3A_155 = tpu.memref_slice %arg3[%add3A_13, %dma_start3A_154] : memref<256x4096xf32, #tpu.memory_space<hbm>> -> memref<2x4096xf32, #tpu.memory_space<hbm>>
        tpu.enqueue_dma source(%dma_start3A_155 : memref<2x4096xf32, #tpu.memory_space<hbm>>) target(%arg10 : memref<2x4096xf32, #tpu.memory_space<vmem>>) target_semaphore(%run_scoped3A : memref<!tpu.dma_semaphore, #tpu.memory_space<semaphore_mem>>)
        %dma_wait3A_156 = arith.constant 0 : i32
        %dma_wait3A_157 = tpu.memref_slice %arg3[%add3A_13, %dma_wait3A_156] : memref<256x4096xf32, #tpu.memory_space<hbm>> -> memref<2x4096xf32, #tpu.memory_space<hbm>>
        %dma_wait3A_158 = arith.constant 0 : i32
        %dma_wait3A_159 = tpu.memref_slice %arg3[%add3A_13, %dma_wait3A_158] : memref<256x4096xf32, #tpu.memory_space<hbm>> -> memref<2x4096xf32, #tpu.memory_space<hbm>>
        tpu.wait_dma2 semaphore(%run_scoped3A : memref<!tpu.dma_semaphore, #tpu.memory_space<semaphore_mem>>) src(%dma_wait3A_159 : memref<2x4096xf32, #tpu.memory_space<hbm>>) dst(%arg10 : memref<2x4096xf32, #tpu.memory_space<vmem>>)
        tpu.yield
      }) : () -> ()
      %dma_wait3A = arith.constant 0 : i32
      %dma_wait3A_142 = arith.constant 0 : i32
      %dma_wait3A_143 = tpu.memref_slice %arg2[%dma_wait3A, %dma_wait3A_142] : memref<65536x128xf32, #tpu.memory_space<hbm>> -> memref<65536x128xf32, #tpu.memory_space<hbm>>
      tpu.wait_indirect_dma semaphore(%arg12 : memref<!tpu.dma_semaphore, #tpu.memory_space<semaphore_mem>>) src(%dma_wait3A_143 : memref<65536x128xf32, #tpu.memory_space<hbm>>) dst(%arg9 : memref<128x128xf32, #tpu.memory_space<vmem>>)
      %scan3A_144 = arith.constant 0 : i32
      %scan3A_145 = arith.constant 0 : i32
      %scan3A_146 = arith.constant 8 : i32
      %scan3A_147 = arith.addi %scan3A_145, %scan3A_146 : i32
      %scan3A_148 = arith.constant 1 : i32
      %scan3A_149 = scf.for %scan3A_152 = %scan3A_145 to %scan3A_147 step %scan3A_148 iter_args(%scan3A_153 = %scan3A_144) -> (i32)  : i32 {
        %mul3A_154 = arith.constant 16 : i32
        %mul3A_155 = arith.muli %scan3A_152, %mul3A_154 : i32
        %jit3A = arith.constant 64 : i32
        %div3A = arith.divsi %mul3A_155, %jit3A : i32
        %sign3A = arith.constant 0 : i32
        %sign3A_156 = arith.cmpi sgt, %mul3A_155, %sign3A : i32
        %sign3A_157 = arith.extui %sign3A_156 : i1 to i32
        %sign3A_158 = arith.constant 0 : i32
        %sign3A_159 = arith.cmpi slt, %mul3A_155, %sign3A_158 : i32
        %sign3A_160 = arith.extui %sign3A_159 : i1 to i32
        %sign3A_161 = arith.subi %sign3A_157, %sign3A_160 : i32
        %sign3A_162 = arith.constant 0 : i32
        %sign3A_163 = arith.cmpi sgt, %jit3A, %sign3A_162 : i32
        %sign3A_164 = arith.extui %sign3A_163 : i1 to i32
        %sign3A_165 = arith.constant 0 : i32
        %sign3A_166 = arith.cmpi slt, %jit3A, %sign3A_165 : i32
        %sign3A_167 = arith.extui %sign3A_166 : i1 to i32
        %sign3A_168 = arith.subi %sign3A_164, %sign3A_167 : i32
        %ne3A = arith.cmpi ne, %sign3A_161, %sign3A_168 : i32
        %rem3A = arith.remsi %mul3A_155, %jit3A : i32
        %ne3A_169 = arith.constant 0 : i32
        %ne3A_170 = arith.cmpi ne, %rem3A, %ne3A_169 : i32
        %and3A = arith.andi %ne3A, %ne3A_170 : i1
        %sub3A = arith.constant 1 : i32
        %sub3A_171 = arith.subi %div3A, %sub3A : i32
        %select_n3A = arith.select %and3A, %sub3A_171, %div3A : i32
        %mul3A_172 = arith.constant 16 : i32
        %mul3A_173 = arith.muli %scan3A_152, %mul3A_172 : i32
        %add3A_174 = arith.constant 0 : i32
        %add3A_175 = arith.addi %mul3A_173, %add3A_174 : i32
        %mul3A_176 = arith.constant 16 : i32
        %mul3A_177 = arith.muli %scan3A_152, %mul3A_176 : i32
        %jit3A_178 = arith.constant 64 : i32
        %eq3A = arith.constant 0 : i32
        %eq3A_179 = arith.cmpi eq, %jit3A_178, %eq3A : i32
        %jit3A_180 = arith.constant 1 : i32
        %select_n3A_181 = arith.select %eq3A_179, %jit3A_180, %jit3A_178 : i32
        %rem3A_182 = arith.remsi %mul3A_177, %select_n3A_181 : i32
        %ne3A_183 = arith.constant 0 : i32
        %ne3A_184 = arith.cmpi ne, %rem3A_182, %ne3A_183 : i32
        %lt3A = arith.constant 0 : i32
        %lt3A_185 = arith.cmpi slt, %rem3A_182, %lt3A : i32
        %lt3A_186 = arith.constant 0 : i32
        %lt3A_187 = arith.cmpi slt, %select_n3A_181, %lt3A_186 : i32
        %ne3A_188 = arith.xori %lt3A_185, %lt3A_187 : i1
        %and3A_189 = arith.andi %ne3A_188, %ne3A_184 : i1
        %add3A_190 = arith.addi %rem3A_182, %select_n3A_181 : i32
        %select_n3A_191 = arith.select %and3A_189, %add3A_190, %rem3A_182 : i32
        %add3A_192 = arith.constant 0 : i32
        %add3A_193 = arith.addi %select_n3A_191, %add3A_192 : i32
        %mul3A_194 = arith.constant 64 : i32
        %mul3A_195 = arith.muli %add3A_193, %mul3A_194 : i32
        %get3A_196 = arith.index_cast %add3A_175 : i32 to index
        %get3A_197 = arith.constant 0 : index
        %get3A_198 = tpu.vector_load %arg9[%get3A_196, %get3A_197] {strides = array<i32>} : memref<128x128xf32, #tpu.memory_space<vmem>>, vector<1x16xf32>,
        %get3A_199 = vector.shape_cast %get3A_198 : vector<1x16xf32> to vector<16xf32>
        %add3A_200 = arith.constant 0 : i32
        %add3A_201 = arith.addi %mul3A_195, %add3A_200 : i32
        %swap3A_202 = arith.index_cast %select_n3A : i32 to index
        %swap3A_203 = arith.index_cast %add3A_201 : i32 to index
        %swap3A_204 = tpu.vector_load %arg11[%swap3A_202, %swap3A_203] {strides = array<i32>} : memref<2x4096xf32, #tpu.memory_space<vmem>>, vector<1x16xf32>,
        %swap3A_205 = vector.shape_cast %swap3A_204 : vector<1x16xf32> to vector<16xf32>
        %swap3A_206 = vector.shape_cast %get3A_199 : vector<16xf32> to vector<1x16xf32>
        tpu.vector_store %arg11[%swap3A_202, %swap3A_203], %swap3A_206 {strides = array<i32>} : memref<2x4096xf32, #tpu.memory_space<vmem>>, vector<1x16xf32>,
        %get3A_207 = arith.index_cast %select_n3A : i32 to index
        %get3A_208 = arith.index_cast %add3A_201 : i32 to index
        %get3A_209 = tpu.vector_load %arg10[%get3A_207, %get3A_208] {strides = array<i32>} : memref<2x4096xf32, #tpu.memory_space<vmem>>, vector<1x16xf32>,
        %get3A_210 = vector.shape_cast %get3A_209 : vector<1x16xf32> to vector<16xf32>
        %sub3A_211 = arith.subf %get3A_199, %get3A_210 : vector<16xf32>
        %add3A_212 = arith.addf %get3A_210, %sub3A_211 : vector<16xf32>
        %swap3A_213 = arith.index_cast %select_n3A : i32 to index
        %swap3A_214 = arith.index_cast %add3A_201 : i32 to index
        %swap3A_215 = tpu.vector_load %arg10[%swap3A_213, %swap3A_214] {strides = array<i32>} : memref<2x4096xf32, #tpu.memory_space<vmem>>, vector<1x16xf32>,
        %swap3A_216 = vector.shape_cast %swap3A_215 : vector<1x16xf32> to vector<16xf32>
        %swap3A_217 = vector.shape_cast %add3A_212 : vector<16xf32> to vector<1x16xf32>
        tpu.vector_store %arg10[%swap3A_213, %swap3A_214], %swap3A_217 {strides = array<i32>} : memref<2x4096xf32, #tpu.memory_space<vmem>>, vector<1x16xf32>,
        %get3A_218 = arith.index_cast %add3A_175 : i32 to index
        %get3A_219 = arith.constant 16 : index
        %get3A_220 = tpu.vector_load %arg9[%get3A_218, %get3A_219] {strides = array<i32>} : memref<128x128xf32, #tpu.memory_space<vmem>>, vector<1x16xf32>,
        %get3A_221 = vector.shape_cast %get3A_220 : vector<1x16xf32> to vector<16xf32>
        %add3A_222 = arith.constant 16 : i32
        %add3A_223 = arith.addi %mul3A_195, %add3A_222 : i32
        %swap3A_224 = arith.index_cast %select_n3A : i32 to index
        %swap3A_225 = arith.index_cast %add3A_223 : i32 to index
        %swap3A_226 = tpu.vector_load %arg11[%swap3A_224, %swap3A_225] {strides = array<i32>} : memref<2x4096xf32, #tpu.memory_space<vmem>>, vector<1x16xf32>,
        %swap3A_227 = vector.shape_cast %swap3A_226 : vector<1x16xf32> to vector<16xf32>
        %swap3A_228 = vector.shape_cast %get3A_221 : vector<16xf32> to vector<1x16xf32>
        tpu.vector_store %arg11[%swap3A_224, %swap3A_225], %swap3A_228 {strides = array<i32>} : memref<2x4096xf32, #tpu.memory_space<vmem>>, vector<1x16xf32>,
        %get3A_229 = arith.index_cast %select_n3A : i32 to index
        %get3A_230 = arith.index_cast %add3A_223 : i32 to index
        %get3A_231 = tpu.vector_load %arg10[%get3A_229, %get3A_230] {strides = array<i32>} : memref<2x4096xf32, #tpu.memory_space<vmem>>, vector<1x16xf32>,
        %get3A_232 = vector.shape_cast %get3A_231 : vector<1x16xf32> to vector<16xf32>
        %sub3A_233 = arith.subf %get3A_221, %get3A_232 : vector<16xf32>
        %add3A_234 = arith.addf %get3A_232, %sub3A_233 : vector<16xf32>
        %swap3A_235 = arith.index_cast %select_n3A : i32 to index
        %swap3A_236 = arith.index_cast %add3A_223 : i32 to index
        %swap3A_237 = tpu.vector_load %arg10[%swap3A_235, %swap3A_236] {strides = array<i32>} : memref<2x4096xf32, #tpu.memory_space<vmem>>, vector<1x16xf32>,
        %swap3A_238 = vector.shape_cast %swap3A_237 : vector<1x16xf32> to vector<16xf32>
        %swap3A_239 = vector.shape_cast %add3A_234 : vector<16xf32> to vector<1x16xf32>
        tpu.vector_store %arg10[%swap3A_235, %swap3A_236], %swap3A_239 {strides = array<i32>} : memref<2x4096xf32, #tpu.memory_space<vmem>>, vector<1x16xf32>,
        %get3A_240 = arith.index_cast %add3A_175 : i32 to index
        %get3A_241 = arith.constant 32 : index
        %get3A_242 = tpu.vector_load %arg9[%get3A_240, %get3A_241] {strides = array<i32>} : memref<128x128xf32, #tpu.memory_space<vmem>>, vector<1x16xf32>,
        %get3A_243 = vector.shape_cast %get3A_242 : vector<1x16xf32> to vector<16xf32>
        %add3A_244 = arith.constant 32 : i32
        %add3A_245 = arith.addi %mul3A_195, %add3A_244 : i32
        %swap3A_246 = arith.index_cast %select_n3A : i32 to index
        %swap3A_247 = arith.index_cast %add3A_245 : i32 to index
        %swap3A_248 = tpu.vector_load %arg11[%swap3A_246, %swap3A_247] {strides = array<i32>} : memref<2x4096xf32, #tpu.memory_space<vmem>>, vector<1x16xf32>,
        %swap3A_249 = vector.shape_cast %swap3A_248 : vector<1x16xf32> to vector<16xf32>
        %swap3A_250 = vector.shape_cast %get3A_243 : vector<16xf32> to vector<1x16xf32>
        tpu.vector_store %arg11[%swap3A_246, %swap3A_247], %swap3A_250 {strides = array<i32>} : memref<2x4096xf32, #tpu.memory_space<vmem>>, vector<1x16xf32>,
        %get3A_251 = arith.index_cast %select_n3A : i32 to index
        %get3A_252 = arith.index_cast %add3A_245 : i32 to index
        %get3A_253 = tpu.vector_load %arg10[%get3A_251, %get3A_252] {strides = array<i32>} : memref<2x4096xf32, #tpu.memory_space<vmem>>, vector<1x16xf32>,
        %get3A_254 = vector.shape_cast %get3A_253 : vector<1x16xf32> to vector<16xf32>
        %sub3A_255 = arith.subf %get3A_243, %get3A_254 : vector<16xf32>
        %add3A_256 = arith.addf %get3A_254, %sub3A_255 : vector<16xf32>
        %swap3A_257 = arith.index_cast %select_n3A : i32 to index
        %swap3A_258 = arith.index_cast %add3A_245 : i32 to index
        %swap3A_259 = tpu.vector_load %arg10[%swap3A_257, %swap3A_258] {strides = array<i32>} : memref<2x4096xf32, #tpu.memory_space<vmem>>, vector<1x16xf32>,
        %swap3A_260 = vector.shape_cast %swap3A_259 : vector<1x16xf32> to vector<16xf32>
        %swap3A_261 = vector.shape_cast %add3A_256 : vector<16xf32> to vector<1x16xf32>
        tpu.vector_store %arg10[%swap3A_257, %swap3A_258], %swap3A_261 {strides = array<i32>} : memref<2x4096xf32, #tpu.memory_space<vmem>>, vector<1x16xf32>,
        %get3A_262 = arith.index_cast %add3A_175 : i32 to index
        %get3A_263 = arith.constant 48 : index
        %get3A_264 = tpu.vector_load %arg9[%get3A_262, %get3A_263] {strides = array<i32>} : memref<128x128xf32, #tpu.memory_space<vmem>>, vector<1x16xf32>,
        %get3A_265 = vector.shape_cast %get3A_264 : vector<1x16xf32> to vector<16xf32>
        %add3A_266 = arith.constant 48 : i32
        %add3A_267 = arith.addi %mul3A_195, %add3A_266 : i32
        %swap3A_268 = arith.index_cast %select_n3A : i32 to index
        %swap3A_269 = arith.index_cast %add3A_267 : i32 to index
        %swap3A_270 = tpu.vector_load %arg11[%swap3A_268, %swap3A_269] {strides = array<i32>} : memref<2x4096xf32, #tpu.memory_space<vmem>>, vector<1x16xf32>,
        %swap3A_271 = vector.shape_cast %swap3A_270 : vector<1x16xf32> to vector<16xf32>
        %swap3A_272 = vector.shape_cast %get3A_265 : vector<16xf32> to vector<1x16xf32>
        tpu.vector_store %arg11[%swap3A_268, %swap3A_269], %swap3A_272 {strides = array<i32>} : memref<2x4096xf32, #tpu.memory_space<vmem>>, vector<1x16xf32>,
        %get3A_273 = arith.index_cast %select_n3A : i32 to index
        %get3A_274 = arith.index_cast %add3A_267 : i32 to index
        %get3A_275 = tpu.vector_load %arg10[%get3A_273, %get3A_274] {strides = array<i32>} : memref<2x4096xf32, #tpu.memory_space<vmem>>, vector<1x16xf32>,
        %get3A_276 = vector.shape_cast %get3A_275 : vector<1x16xf32> to vector<16xf32>
        %sub3A_277 = arith.subf %get3A_265, %get3A_276 : vector<16xf32>
        %add3A_278 = arith.addf %get3A_276, %sub3A_277 : vector<16xf32>
        %swap3A_279 = arith.index_cast %select_n3A : i32 to index
        %swap3A_280 = arith.index_cast %add3A_267 : i32 to index
        %swap3A_281 = tpu.vector_load %arg10[%swap3A_279, %swap3A_280] {strides = array<i32>} : memref<2x4096xf32, #tpu.memory_space<vmem>>, vector<1x16xf32>,
        %swap3A_282 = vector.shape_cast %swap3A_281 : vector<1x16xf32> to vector<16xf32>
        %swap3A_283 = vector.shape_cast %add3A_278 : vector<16xf32> to vector<1x16xf32>
        tpu.vector_store %arg10[%swap3A_279, %swap3A_280], %swap3A_283 {strides = array<i32>} : memref<2x4096xf32, #tpu.memory_space<vmem>>, vector<1x16xf32>,
        %mul3A_284 = arith.constant 16 : i32
        %mul3A_285 = arith.muli %scan3A_152, %mul3A_284 : i32
        %add3A_286 = arith.constant 1 : i32
        %add3A_287 = arith.addi %mul3A_285, %add3A_286 : i32
        %mul3A_288 = arith.constant 16 : i32
        %mul3A_289 = arith.muli %scan3A_152, %mul3A_288 : i32
        %jit3A_290 = arith.constant 64 : i32
        %eq3A_291 = arith.constant 0 : i32
        %eq3A_292 = arith.cmpi eq, %jit3A_290, %eq3A_291 : i32
        %jit3A_293 = arith.constant 1 : i32
        %select_n3A_294 = arith.select %eq3A_292, %jit3A_293, %jit3A_290 : i32
        %rem3A_295 = arith.remsi %mul3A_289, %select_n3A_294 : i32
        %ne3A_296 = arith.constant 0 : i32
        %ne3A_297 = arith.cmpi ne, %rem3A_295, %ne3A_296 : i32
        %lt3A_298 = arith.constant 0 : i32
        %lt3A_299 = arith.cmpi slt, %rem3A_295, %lt3A_298 : i32
        %lt3A_300 = arith.constant 0 : i32
        %lt3A_301 = arith.cmpi slt, %select_n3A_294, %lt3A_300 : i32
        %ne3A_302 = arith.xori %lt3A_299, %lt3A_301 : i1
        %and3A_303 = arith.andi %ne3A_302, %ne3A_297 : i1
        %add3A_304 = arith.addi %rem3A_295, %select_n3A_294 : i32
        %select_n3A_305 = arith.select %and3A_303, %add3A_304, %rem3A_295 : i32
        %add3A_306 = arith.constant 1 : i32
        %add3A_307 = arith.addi %select_n3A_305, %add3A_306 : i32
        %mul3A_308 = arith.constant 64 : i32
        %mul3A_309 = arith.muli %add3A_307, %mul3A_308 : i32
        %get3A_310 = arith.index_cast %add3A_287 : i32 to index
        %get3A_311 = arith.constant 0 : index
        %get3A_312 = tpu.vector_load %arg9[%get3A_310, %get3A_311] {strides = array<i32>} : memref<128x128xf32, #tpu.memory_space<vmem>>, vector<1x16xf32>,
        %get3A_313 = vector.shape_cast %get3A_312 : vector<1x16xf32> to vector<16xf32>
        %add3A_314 = arith.constant 0 : i32
        %add3A_315 = arith.addi %mul3A_309, %add3A_314 : i32
        %swap3A_316 = arith.index_cast %select_n3A : i32 to index
        %swap3A_317 = arith.index_cast %add3A_315 : i32 to index
        %swap3A_318 = tpu.vector_load %arg11[%swap3A_316, %swap3A_317] {strides = array<i32>} : memref<2x4096xf32, #tpu.memory_space<vmem>>, vector<1x16xf32>,
        %swap3A_319 = vector.shape_cast %swap3A_318 : vector<1x16xf32> to vector<16xf32>
        %swap3A_320 = vector.shape_cast %get3A_313 : vector<16xf32> to vector<1x16xf32>
        tpu.vector_store %arg11[%swap3A_316, %swap3A_317], %swap3A_320 {strides = array<i32>} : memref<2x4096xf32, #tpu.memory_space<vmem>>, vector<1x16xf32>,
        %get3A_321 = arith.index_cast %select_n3A : i32 to index
        %get3A_322 = arith.index_cast %add3A_315 : i32 to index
        %get3A_323 = tpu.vector_load %arg10[%get3A_321, %get3A_322] {strides = array<i32>} : memref<2x4096xf32, #tpu.memory_space<vmem>>, vector<1x16xf32>,
        %get3A_324 = vector.shape_cast %get3A_323 : vector<1x16xf32> to vector<16xf32>
        %sub3A_325 = arith.subf %get3A_313, %get3A_324 : vector<16xf32>
        %add3A_326 = arith.addf %get3A_324, %sub3A_325 : vector<16xf32>
        %swap3A_327 = arith.index_cast %select_n3A : i32 to index
        %swap3A_328 = arith.index_cast %add3A_315 : i32 to index
        %swap3A_329 = tpu.vector_load %arg10[%swap3A_327, %swap3A_328] {strides = array<i32>} : memref<2x4096xf32, #tpu.memory_space<vmem>>, vector<1x16xf32>,
        %swap3A_330 = vector.shape_cast %swap3A_329 : vector<1x16xf32> to vector<16xf32>
        %swap3A_331 = vector.shape_cast %add3A_326 : vector<16xf32> to vector<1x16xf32>
        tpu.vector_store %arg10[%swap3A_327, %swap3A_328], %swap3A_331 {strides = array<i32>} : memref<2x4096xf32, #tpu.memory_space<vmem>>, vector<1x16xf32>,
        %get3A_332 = arith.index_cast %add3A_287 : i32 to index
        %get3A_333 = arith.constant 16 : index
        %get3A_334 = tpu.vector_load %arg9[%get3A_332, %get3A_333] {strides = array<i32>} : memref<128x128xf32, #tpu.memory_space<vmem>>, vector<1x16xf32>,
        %get3A_335 = vector.shape_cast %get3A_334 : vector<1x16xf32> to vector<16xf32>
        %add3A_336 = arith.constant 16 : i32
        %add3A_337 = arith.addi %mul3A_309, %add3A_336 : i32
        %swap3A_338 = arith.index_cast %select_n3A : i32 to index
        %swap3A_339 = arith.index_cast %add3A_337 : i32 to index
        %swap3A_340 = tpu.vector_load %arg11[%swap3A_338, %swap3A_339] {strides = array<i32>} : memref<2x4096xf32, #tpu.memory_space<vmem>>, vector<1x16xf32>,
        %swap3A_341 = vector.shape_cast %swap3A_340 : vector<1x16xf32> to vector<16xf32>
        %swap3A_342 = vector.shape_cast %get3A_335 : vector<16xf32> to vector<1x16xf32>
        tpu.vector_store %arg11[%swap3A_338, %swap3A_339], %swap3A_342 {strides = array<i32>} : memref<2x4096xf32, #tpu.memory_space<vmem>>, vector<1x16xf32>,
        %get3A_343 = arith.index_cast %select_n3A : i32 to index
        %get3A_344 = arith.index_cast %add3A_337 : i32 to index
        %get3A_345 = tpu.vector_load %arg10[%get3A_343, %get3A_344] {strides = array<i32>} : memref<2x4096xf32, #tpu.memory_space<vmem>>, vector<1x16xf32>,
        %get3A_346 = vector.shape_cast %get3A_345 : vector<1x16xf32> to vector<16xf32>
        %sub3A_347 = arith.subf %get3A_335, %get3A_346 : vector<16xf32>
        %add3A_348 = arith.addf %get3A_346, %sub3A_347 : vector<16xf32>
        %swap3A_349 = arith.index_cast %select_n3A : i32 to index
        %swap3A_350 = arith.index_cast %add3A_337 : i32 to index
        %swap3A_351 = tpu.vector_load %arg10[%swap3A_349, %swap3A_350] {strides = array<i32>} : memref<2x4096xf32, #tpu.memory_space<vmem>>, vector<1x16xf32>,
        %swap3A_352 = vector.shape_cast %swap3A_351 : vector<1x16xf32> to vector<16xf32>
        %swap3A_353 = vector.shape_cast %add3A_348 : vector<16xf32> to vector<1x16xf32>
        tpu.vector_store %arg10[%swap3A_349, %swap3A_350], %swap3A_353 {strides = array<i32>} : memref<2x4096xf32, #tpu.memory_space<vmem>>, vector<1x16xf32>,
        %get3A_354 = arith.index_cast %add3A_287 : i32 to index
        %get3A_355 = arith.constant 32 : index
        %get3A_356 = tpu.vector_load %arg9[%get3A_354, %get3A_355] {strides = array<i32>} : memref<128x128xf32, #tpu.memory_space<vmem>>, vector<1x16xf32>,
        %get3A_357 = vector.shape_cast %get3A_356 : vector<1x16xf32> to vector<16xf32>
        %add3A_358 = arith.constant 32 : i32
        %add3A_359 = arith.addi %mul3A_309, %add3A_358 : i32
        %swap3A_360 = arith.index_cast %select_n3A : i32 to index
        %swap3A_361 = arith.index_cast %add3A_359 : i32 to index
        %swap3A_362 = tpu.vector_load %arg11[%swap3A_360, %swap3A_361] {strides = array<i32>} : memref<2x4096xf32, #tpu.memory_space<vmem>>, vector<1x16xf32>,
        %swap3A_363 = vector.shape_cast %swap3A_362 : vector<1x16xf32> to vector<16xf32>
        %swap3A_364 = vector.shape_cast %get3A_357 : vector<16xf32> to vector<1x16xf32>
        tpu.vector_store %arg11[%swap3A_360, %swap3A_361], %swap3A_364 {strides = array<i32>} : memref<2x4096xf32, #tpu.memory_space<vmem>>, vector<1x16xf32>,
        %get3A_365 = arith.index_cast %select_n3A : i32 to index
        %get3A_366 = arith.index_cast %add3A_359 : i32 to index
        %get3A_367 = tpu.vector_load %arg10[%get3A_365, %get3A_366] {strides = array<i32>} : memref<2x4096xf32, #tpu.memory_space<vmem>>, vector<1x16xf32>,
        %get3A_368 = vector.shape_cast %get3A_367 : vector<1x16xf32> to vector<16xf32>
        %sub3A_369 = arith.subf %get3A_357, %get3A_368 : vector<16xf32>
        %add3A_370 = arith.addf %get3A_368, %sub3A_369 : vector<16xf32>
        %swap3A_371 = arith.index_cast %select_n3A : i32 to index
        %swap3A_372 = arith.index_cast %add3A_359 : i32 to index
        %swap3A_373 = tpu.vector_load %arg10[%swap3A_371, %swap3A_372] {strides = array<i32>} : memref<2x4096xf32, #tpu.memory_space<vmem>>, vector<1x16xf32>,
        %swap3A_374 = vector.shape_cast %swap3A_373 : vector<1x16xf32> to vector<16xf32>
        %swap3A_375 = vector.shape_cast %add3A_370 : vector<16xf32> to vector<1x16xf32>
        tpu.vector_store %arg10[%swap3A_371, %swap3A_372], %swap3A_375 {strides = array<i32>} : memref<2x4096xf32, #tpu.memory_space<vmem>>, vector<1x16xf32>,
        %get3A_376 = arith.index_cast %add3A_287 : i32 to index
        %get3A_377 = arith.constant 48 : index
        %get3A_378 = tpu.vector_load %arg9[%get3A_376, %get3A_377] {strides = array<i32>} : memref<128x128xf32, #tpu.memory_space<vmem>>, vector<1x16xf32>,
        %get3A_379 = vector.shape_cast %get3A_378 : vector<1x16xf32> to vector<16xf32>
        %add3A_380 = arith.constant 48 : i32
        %add3A_381 = arith.addi %mul3A_309, %add3A_380 : i32
        %swap3A_382 = arith.index_cast %select_n3A : i32 to index
        %swap3A_383 = arith.index_cast %add3A_381 : i32 to index
        %swap3A_384 = tpu.vector_load %arg11[%swap3A_382, %swap3A_383] {strides = array<i32>} : memref<2x4096xf32, #tpu.memory_space<vmem>>, vector<1x16xf32>,
        %swap3A_385 = vector.shape_cast %swap3A_384 : vector<1x16xf32> to vector<16xf32>
        %swap3A_386 = vector.shape_cast %get3A_379 : vector<16xf32> to vector<1x16xf32>
        tpu.vector_store %arg11[%swap3A_382, %swap3A_383], %swap3A_386 {strides = array<i32>} : memref<2x4096xf32, #tpu.memory_space<vmem>>, vector<1x16xf32>,
        %get3A_387 = arith.index_cast %select_n3A : i32 to index
        %get3A_388 = arith.index_cast %add3A_381 : i32 to index
        %get3A_389 = tpu.vector_load %arg10[%get3A_387, %get3A_388] {strides = array<i32>} : memref<2x4096xf32, #tpu.memory_space<vmem>>, vector<1x16xf32>,
        %get3A_390 = vector.shape_cast %get3A_389 : vector<1x16xf32> to vector<16xf32>
        %sub3A_391 = arith.subf %get3A_379, %get3A_390 : vector<16xf32>
        %add3A_392 = arith.addf %get3A_390, %sub3A_391 : vector<16xf32>
        %swap3A_393 = arith.index_cast %select_n3A : i32 to index
        %swap3A_394 = arith.index_cast %add3A_381 : i32 to index
        %swap3A_395 = tpu.vector_load %arg10[%swap3A_393, %swap3A_394] {strides = array<i32>} : memref<2x4096xf32, #tpu.memory_space<vmem>>, vector<1x16xf32>,
        %swap3A_396 = vector.shape_cast %swap3A_395 : vector<1x16xf32> to vector<16xf32>
        %swap3A_397 = vector.shape_cast %add3A_392 : vector<16xf32> to vector<1x16xf32>
        tpu.vector_store %arg10[%swap3A_393, %swap3A_394], %swap3A_397 {strides = array<i32>} : memref<2x4096xf32, #tpu.memory_space<vmem>>, vector<1x16xf32>,
        %mul3A_398 = arith.constant 16 : i32
        %mul3A_399 = arith.muli %scan3A_152, %mul3A_398 : i32
        %add3A_400 = arith.constant 2 : i32
        %add3A_401 = arith.addi %mul3A_399, %add3A_400 : i32
        %mul3A_402 = arith.constant 16 : i32
        %mul3A_403 = arith.muli %scan3A_152, %mul3A_402 : i32
        %jit3A_404 = arith.constant 64 : i32
        %eq3A_405 = arith.constant 0 : i32
        %eq3A_406 = arith.cmpi eq, %jit3A_404, %eq3A_405 : i32
        %jit3A_407 = arith.constant 1 : i32
        %select_n3A_408 = arith.select %eq3A_406, %jit3A_407, %jit3A_404 : i32
        %rem3A_409 = arith.remsi %mul3A_403, %select_n3A_408 : i32
        %ne3A_410 = arith.constant 0 : i32
        %ne3A_411 = arith.cmpi ne, %rem3A_409, %ne3A_410 : i32
        %lt3A_412 = arith.constant 0 : i32
        %lt3A_413 = arith.cmpi slt, %rem3A_409, %lt3A_412 : i32
        %lt3A_414 = arith.constant 0 : i32
        %lt3A_415 = arith.cmpi slt, %select_n3A_408, %lt3A_414 : i32
        %ne3A_416 = arith.xori %lt3A_413, %lt3A_415 : i1
        %and3A_417 = arith.andi %ne3A_416, %ne3A_411 : i1
        %add3A_418 = arith.addi %rem3A_409, %select_n3A_408 : i32
        %select_n3A_419 = arith.select %and3A_417, %add3A_418, %rem3A_409 : i32
        %add3A_420 = arith.constant 2 : i32
        %add3A_421 = arith.addi %select_n3A_419, %add3A_420 : i32
        %mul3A_422 = arith.constant 64 : i32
        %mul3A_423 = arith.muli %add3A_421, %mul3A_422 : i32
        %get3A_424 = arith.index_cast %add3A_401 : i32 to index
        %get3A_425 = arith.constant 0 : index
        %get3A_426 = tpu.vector_load %arg9[%get3A_424, %get3A_425] {strides = array<i32>} : memref<128x128xf32, #tpu.memory_space<vmem>>, vector<1x16xf32>,
        %get3A_427 = vector.shape_cast %get3A_426 : vector<1x16xf32> to vector<16xf32>
        %add3A_428 = arith.constant 0 : i32
        %add3A_429 = arith.addi %mul3A_423, %add3A_428 : i32
        %swap3A_430 = arith.index_cast %select_n3A : i32 to index
        %swap3A_431 = arith.index_cast %add3A_429 : i32 to index
        %swap3A_432 = tpu.vector_load %arg11[%swap3A_430, %swap3A_431] {strides = array<i32>} : memref<2x4096xf32, #tpu.memory_space<vmem>>, vector<1x16xf32>,
        %swap3A_433 = vector.shape_cast %swap3A_432 : vector<1x16xf32> to vector<16xf32>
        %swap3A_434 = vector.shape_cast %get3A_427 : vector<16xf32> to vector<1x16xf32>
        tpu.vector_store %arg11[%swap3A_430, %swap3A_431], %swap3A_434 {strides = array<i32>} : memref<2x4096xf32, #tpu.memory_space<vmem>>, vector<1x16xf32>,
        %get3A_435 = arith.index_cast %select_n3A : i32 to index
        %get3A_436 = arith.index_cast %add3A_429 : i32 to index
        %get3A_437 = tpu.vector_load %arg10[%get3A_435, %get3A_436] {strides = array<i32>} : memref<2x4096xf32, #tpu.memory_space<vmem>>, vector<1x16xf32>,
        %get3A_438 = vector.shape_cast %get3A_437 : vector<1x16xf32> to vector<16xf32>
        %sub3A_439 = arith.subf %get3A_427, %get3A_438 : vector<16xf32>
        %add3A_440 = arith.addf %get3A_438, %sub3A_439 : vector<16xf32>
        %swap3A_441 = arith.index_cast %select_n3A : i32 to index
        %swap3A_442 = arith.index_cast %add3A_429 : i32 to index
        %swap3A_443 = tpu.vector_load %arg10[%swap3A_441, %swap3A_442] {strides = array<i32>} : memref<2x4096xf32, #tpu.memory_space<vmem>>, vector<1x16xf32>,
        %swap3A_444 = vector.shape_cast %swap3A_443 : vector<1x16xf32> to vector<16xf32>
        %swap3A_445 = vector.shape_cast %add3A_440 : vector<16xf32> to vector<1x16xf32>
        tpu.vector_store %arg10[%swap3A_441, %swap3A_442], %swap3A_445 {strides = array<i32>} : memref<2x4096xf32, #tpu.memory_space<vmem>>, vector<1x16xf32>,
        %get3A_446 = arith.index_cast %add3A_401 : i32 to index
        %get3A_447 = arith.constant 16 : index
        %get3A_448 = tpu.vector_load %arg9[%get3A_446, %get3A_447] {strides = array<i32>} : memref<128x128xf32, #tpu.memory_space<vmem>>, vector<1x16xf32>,
        %get3A_449 = vector.shape_cast %get3A_448 : vector<1x16xf32> to vector<16xf32>
        %add3A_450 = arith.constant 16 : i32
        %add3A_451 = arith.addi %mul3A_423, %add3A_450 : i32
        %swap3A_452 = arith.index_cast %select_n3A : i32 to index
        %swap3A_453 = arith.index_cast %add3A_451 : i32 to index
        %swap3A_454 = tpu.vector_load %arg11[%swap3A_452, %swap3A_453] {strides = array<i32>} : memref<2x4096xf32, #tpu.memory_space<vmem>>, vector<1x16xf32>,
        %swap3A_455 = vector.shape_cast %swap3A_454 : vector<1x16xf32> to vector<16xf32>
        %swap3A_456 = vector.shape_cast %get3A_449 : vector<16xf32> to vector<1x16xf32>
        tpu.vector_store %arg11[%swap3A_452, %swap3A_453], %swap3A_456 {strides = array<i32>} : memref<2x4096xf32, #tpu.memory_space<vmem>>, vector<1x16xf32>,
        %get3A_457 = arith.index_cast %select_n3A : i32 to index
        %get3A_458 = arith.index_cast %add3A_451 : i32 to index
        %get3A_459 = tpu.vector_load %arg10[%get3A_457, %get3A_458] {strides = array<i32>} : memref<2x4096xf32, #tpu.memory_space<vmem>>, vector<1x16xf32>,
        %get3A_460 = vector.shape_cast %get3A_459 : vector<1x16xf32> to vector<16xf32>
        %sub3A_461 = arith.subf %get3A_449, %get3A_460 : vector<16xf32>
        %add3A_462 = arith.addf %get3A_460, %sub3A_461 : vector<16xf32>
        %swap3A_463 = arith.index_cast %select_n3A : i32 to index
        %swap3A_464 = arith.index_cast %add3A_451 : i32 to index
        %swap3A_465 = tpu.vector_load %arg10[%swap3A_463, %swap3A_464] {strides = array<i32>} : memref<2x4096xf32, #tpu.memory_space<vmem>>, vector<1x16xf32>,
        %swap3A_466 = vector.shape_cast %swap3A_465 : vector<1x16xf32> to vector<16xf32>
        %swap3A_467 = vector.shape_cast %add3A_462 : vector<16xf32> to vector<1x16xf32>
        tpu.vector_store %arg10[%swap3A_463, %swap3A_464], %swap3A_467 {strides = array<i32>} : memref<2x4096xf32, #tpu.memory_space<vmem>>, vector<1x16xf32>,
        %get3A_468 = arith.index_cast %add3A_401 : i32 to index
        %get3A_469 = arith.constant 32 : index
        %get3A_470 = tpu.vector_load %arg9[%get3A_468, %get3A_469] {strides = array<i32>} : memref<128x128xf32, #tpu.memory_space<vmem>>, vector<1x16xf32>,
        %get3A_471 = vector.shape_cast %get3A_470 : vector<1x16xf32> to vector<16xf32>
        %add3A_472 = arith.constant 32 : i32
        %add3A_473 = arith.addi %mul3A_423, %add3A_472 : i32
        %swap3A_474 = arith.index_cast %select_n3A : i32 to index
        %swap3A_475 = arith.index_cast %add3A_473 : i32 to index
        %swap3A_476 = tpu.vector_load %arg11[%swap3A_474, %swap3A_475] {strides = array<i32>} : memref<2x4096xf32, #tpu.memory_space<vmem>>, vector<1x16xf32>,
        %swap3A_477 = vector.shape_cast %swap3A_476 : vector<1x16xf32> to vector<16xf32>
        %swap3A_478 = vector.shape_cast %get3A_471 : vector<16xf32> to vector<1x16xf32>
        tpu.vector_store %arg11[%swap3A_474, %swap3A_475], %swap3A_478 {strides = array<i32>} : memref<2x4096xf32, #tpu.memory_space<vmem>>, vector<1x16xf32>,
        %get3A_479 = arith.index_cast %select_n3A : i32 to index
        %get3A_480 = arith.index_cast %add3A_473 : i32 to index
        %get3A_481 = tpu.vector_load %arg10[%get3A_479, %get3A_480] {strides = array<i32>} : memref<2x4096xf32, #tpu.memory_space<vmem>>, vector<1x16xf32>,
        %get3A_482 = vector.shape_cast %get3A_481 : vector<1x16xf32> to vector<16xf32>
        %sub3A_483 = arith.subf %get3A_471, %get3A_482 : vector<16xf32>
        %add3A_484 = arith.addf %get3A_482, %sub3A_483 : vector<16xf32>
        %swap3A_485 = arith.index_cast %select_n3A : i32 to index
        %swap3A_486 = arith.index_cast %add3A_473 : i32 to index
        %swap3A_487 = tpu.vector_load %arg10[%swap3A_485, %swap3A_486] {strides = array<i32>} : memref<2x4096xf32, #tpu.memory_space<vmem>>, vector<1x16xf32>,
        %swap3A_488 = vector.shape_cast %swap3A_487 : vector<1x16xf32> to vector<16xf32>
        %swap3A_489 = vector.shape_cast %add3A_484 : vector<16xf32> to vector<1x16xf32>
        tpu.vector_store %arg10[%swap3A_485, %swap3A_486], %swap3A_489 {strides = array<i32>} : memref<2x4096xf32, #tpu.memory_space<vmem>>, vector<1x16xf32>,
        %get3A_490 = arith.index_cast %add3A_401 : i32 to index
        %get3A_491 = arith.constant 48 : index
        %get3A_492 = tpu.vector_load %arg9[%get3A_490, %get3A_491] {strides = array<i32>} : memref<128x128xf32, #tpu.memory_space<vmem>>, vector<1x16xf32>,
        %get3A_493 = vector.shape_cast %get3A_492 : vector<1x16xf32> to vector<16xf32>
        %add3A_494 = arith.constant 48 : i32
        %add3A_495 = arith.addi %mul3A_423, %add3A_494 : i32
        %swap3A_496 = arith.index_cast %select_n3A : i32 to index
        %swap3A_497 = arith.index_cast %add3A_495 : i32 to index
        %swap3A_498 = tpu.vector_load %arg11[%swap3A_496, %swap3A_497] {strides = array<i32>} : memref<2x4096xf32, #tpu.memory_space<vmem>>, vector<1x16xf32>,
        %swap3A_499 = vector.shape_cast %swap3A_498 : vector<1x16xf32> to vector<16xf32>
        %swap3A_500 = vector.shape_cast %get3A_493 : vector<16xf32> to vector<1x16xf32>
        tpu.vector_store %arg11[%swap3A_496, %swap3A_497], %swap3A_500 {strides = array<i32>} : memref<2x4096xf32, #tpu.memory_space<vmem>>, vector<1x16xf32>,
        %get3A_501 = arith.index_cast %select_n3A : i32 to index
        %get3A_502 = arith.index_cast %add3A_495 : i32 to index
        %get3A_503 = tpu.vector_load %arg10[%get3A_501, %get3A_502] {strides = array<i32>} : memref<2x4096xf32, #tpu.memory_space<vmem>>, vector<1x16xf32>,
        %get3A_504 = vector.shape_cast %get3A_503 : vector<1x16xf32> to vector<16xf32>
        %sub3A_505 = arith.subf %get3A_493, %get3A_504 : vector<16xf32>
        %add3A_506 = arith.addf %get3A_504, %sub3A_505 : vector<16xf32>
        %swap3A_507 = arith.index_cast %select_n3A : i32 to index
        %swap3A_508 = arith.index_cast %add3A_495 : i32 to index
        %swap3A_509 = tpu.vector_load %arg10[%swap3A_507, %swap3A_508] {strides = array<i32>} : memref<2x4096xf32, #tpu.memory_space<vmem>>, vector<1x16xf32>,
        %swap3A_510 = vector.shape_cast %swap3A_509 : vector<1x16xf32> to vector<16xf32>
        %swap3A_511 = vector.shape_cast %add3A_506 : vector<16xf32> to vector<1x16xf32>
        tpu.vector_store %arg10[%swap3A_507, %swap3A_508], %swap3A_511 {strides = array<i32>} : memref<2x4096xf32, #tpu.memory_space<vmem>>, vector<1x16xf32>,
        %mul3A_512 = arith.constant 16 : i32
        %mul3A_513 = arith.muli %scan3A_152, %mul3A_512 : i32
        %add3A_514 = arith.constant 3 : i32
        %add3A_515 = arith.addi %mul3A_513, %add3A_514 : i32
        %mul3A_516 = arith.constant 16 : i32
        %mul3A_517 = arith.muli %scan3A_152, %mul3A_516 : i32
        %jit3A_518 = arith.constant 64 : i32
        %eq3A_519 = arith.constant 0 : i32
        %eq3A_520 = arith.cmpi eq, %jit3A_518, %eq3A_519 : i32
        %jit3A_521 = arith.constant 1 : i32
        %select_n3A_522 = arith.select %eq3A_520, %jit3A_521, %jit3A_518 : i32
        %rem3A_523 = arith.remsi %mul3A_517, %select_n3A_522 : i32
        %ne3A_524 = arith.constant 0 : i32
        %ne3A_525 = arith.cmpi ne, %rem3A_523, %ne3A_524 : i32
        %lt3A_526 = arith.constant 0 : i32
        %lt3A_527 = arith.cmpi slt, %rem3A_523, %lt3A_526 : i32
        %lt3A_528 = arith.constant 0 : i32
        %lt3A_529 = arith.cmpi slt, %select_n3A_522, %lt3A_528 : i32
        %ne3A_530 = arith.xori %lt3A_527, %lt3A_529 : i1
        %and3A_531 = arith.andi %ne3A_530, %ne3A_525 : i1
        %add3A_532 = arith.addi %rem3A_523, %select_n3A_522 : i32
        %select_n3A_533 = arith.select %and3A_531, %add3A_532, %rem3A_523 : i32
        %add3A_534 = arith.constant 3 : i32
        %add3A_535 = arith.addi %select_n3A_533, %add3A_534 : i32
        %mul3A_536 = arith.constant 64 : i32
        %mul3A_537 = arith.muli %add3A_535, %mul3A_536 : i32
        %get3A_538 = arith.index_cast %add3A_515 : i32 to index
        %get3A_539 = arith.constant 0 : index
        %get3A_540 = tpu.vector_load %arg9[%get3A_538, %get3A_539] {strides = array<i32>} : memref<128x128xf32, #tpu.memory_space<vmem>>, vector<1x16xf32>,
        %get3A_541 = vector.shape_cast %get3A_540 : vector<1x16xf32> to vector<16xf32>
        %add3A_542 = arith.constant 0 : i32
        %add3A_543 = arith.addi %mul3A_537, %add3A_542 : i32
        %swap3A_544 = arith.index_cast %select_n3A : i32 to index
        %swap3A_545 = arith.index_cast %add3A_543 : i32 to index
        %swap3A_546 = tpu.vector_load %arg11[%swap3A_544, %swap3A_545] {strides = array<i32>} : memref<2x4096xf32, #tpu.memory_space<vmem>>, vector<1x16xf32>,
        %swap3A_547 = vector.shape_cast %swap3A_546 : vector<1x16xf32> to vector<16xf32>
        %swap3A_548 = vector.shape_cast %get3A_541 : vector<16xf32> to vector<1x16xf32>
        tpu.vector_store %arg11[%swap3A_544, %swap3A_545], %swap3A_548 {strides = array<i32>} : memref<2x4096xf32, #tpu.memory_space<vmem>>, vector<1x16xf32>,
        %get3A_549 = arith.index_cast %select_n3A : i32 to index
        %get3A_550 = arith.index_cast %add3A_543 : i32 to index
        %get3A_551 = tpu.vector_load %arg10[%get3A_549, %get3A_550] {strides = array<i32>} : memref<2x4096xf32, #tpu.memory_space<vmem>>, vector<1x16xf32>,
        %get3A_552 = vector.shape_cast %get3A_551 : vector<1x16xf32> to vector<16xf32>
        %sub3A_553 = arith.subf %get3A_541, %get3A_552 : vector<16xf32>
        %add3A_554 = arith.addf %get3A_552, %sub3A_553 : vector<16xf32>
        %swap3A_555 = arith.index_cast %select_n3A : i32 to index
        %swap3A_556 = arith.index_cast %add3A_543 : i32 to index
        %swap3A_557 = tpu.vector_load %arg10[%swap3A_555, %swap3A_556] {strides = array<i32>} : memref<2x4096xf32, #tpu.memory_space<vmem>>, vector<1x16xf32>,
        %swap3A_558 = vector.shape_cast %swap3A_557 : vector<1x16xf32> to vector<16xf32>
        %swap3A_559 = vector.shape_cast %add3A_554 : vector<16xf32> to vector<1x16xf32>
        tpu.vector_store %arg10[%swap3A_555, %swap3A_556], %swap3A_559 {strides = array<i32>} : memref<2x4096xf32, #tpu.memory_space<vmem>>, vector<1x16xf32>,
        %get3A_560 = arith.index_cast %add3A_515 : i32 to index
        %get3A_561 = arith.constant 16 : index
        %get3A_562 = tpu.vector_load %arg9[%get3A_560, %get3A_561] {strides = array<i32>} : memref<128x128xf32, #tpu.memory_space<vmem>>, vector<1x16xf32>,
        %get3A_563 = vector.shape_cast %get3A_562 : vector<1x16xf32> to vector<16xf32>
        %add3A_564 = arith.constant 16 : i32
        %add3A_565 = arith.addi %mul3A_537, %add3A_564 : i32
        %swap3A_566 = arith.index_cast %select_n3A : i32 to index
        %swap3A_567 = arith.index_cast %add3A_565 : i32 to index
        %swap3A_568 = tpu.vector_load %arg11[%swap3A_566, %swap3A_567] {strides = array<i32>} : memref<2x4096xf32, #tpu.memory_space<vmem>>, vector<1x16xf32>,
        %swap3A_569 = vector.shape_cast %swap3A_568 : vector<1x16xf32> to vector<16xf32>
        %swap3A_570 = vector.shape_cast %get3A_563 : vector<16xf32> to vector<1x16xf32>
        tpu.vector_store %arg11[%swap3A_566, %swap3A_567], %swap3A_570 {strides = array<i32>} : memref<2x4096xf32, #tpu.memory_space<vmem>>, vector<1x16xf32>,
        %get3A_571 = arith.index_cast %select_n3A : i32 to index
        %get3A_572 = arith.index_cast %add3A_565 : i32 to index
        %get3A_573 = tpu.vector_load %arg10[%get3A_571, %get3A_572] {strides = array<i32>} : memref<2x4096xf32, #tpu.memory_space<vmem>>, vector<1x16xf32>,
        %get3A_574 = vector.shape_cast %get3A_573 : vector<1x16xf32> to vector<16xf32>
        %sub3A_575 = arith.subf %get3A_563, %get3A_574 : vector<16xf32>
        %add3A_576 = arith.addf %get3A_574, %sub3A_575 : vector<16xf32>
        %swap3A_577 = arith.index_cast %select_n3A : i32 to index
        %swap3A_578 = arith.index_cast %add3A_565 : i32 to index
        %swap3A_579 = tpu.vector_load %arg10[%swap3A_577, %swap3A_578] {strides = array<i32>} : memref<2x4096xf32, #tpu.memory_space<vmem>>, vector<1x16xf32>,
        %swap3A_580 = vector.shape_cast %swap3A_579 : vector<1x16xf32> to vector<16xf32>
        %swap3A_581 = vector.shape_cast %add3A_576 : vector<16xf32> to vector<1x16xf32>
        tpu.vector_store %arg10[%swap3A_577, %swap3A_578], %swap3A_581 {strides = array<i32>} : memref<2x4096xf32, #tpu.memory_space<vmem>>, vector<1x16xf32>,
        %get3A_582 = arith.index_cast %add3A_515 : i32 to index
        %get3A_583 = arith.constant 32 : index
        %get3A_584 = tpu.vector_load %arg9[%get3A_582, %get3A_583] {strides = array<i32>} : memref<128x128xf32, #tpu.memory_space<vmem>>, vector<1x16xf32>,
        %get3A_585 = vector.shape_cast %get3A_584 : vector<1x16xf32> to vector<16xf32>
        %add3A_586 = arith.constant 32 : i32
        %add3A_587 = arith.addi %mul3A_537, %add3A_586 : i32
        %swap3A_588 = arith.index_cast %select_n3A : i32 to index
        %swap3A_589 = arith.index_cast %add3A_587 : i32 to index
        %swap3A_590 = tpu.vector_load %arg11[%swap3A_588, %swap3A_589] {strides = array<i32>} : memref<2x4096xf32, #tpu.memory_space<vmem>>, vector<1x16xf32>,
        %swap3A_591 = vector.shape_cast %swap3A_590 : vector<1x16xf32> to vector<16xf32>
        %swap3A_592 = vector.shape_cast %get3A_585 : vector<16xf32> to vector<1x16xf32>
        tpu.vector_store %arg11[%swap3A_588, %swap3A_589], %swap3A_592 {strides = array<i32>} : memref<2x4096xf32, #tpu.memory_space<vmem>>, vector<1x16xf32>,
        %get3A_593 = arith.index_cast %select_n3A : i32 to index
        %get3A_594 = arith.index_cast %add3A_587 : i32 to index
        %get3A_595 = tpu.vector_load %arg10[%get3A_593, %get3A_594] {strides = array<i32>} : memref<2x4096xf32, #tpu.memory_space<vmem>>, vector<1x16xf32>,
        %get3A_596 = vector.shape_cast %get3A_595 : vector<1x16xf32> to vector<16xf32>
        %sub3A_597 = arith.subf %get3A_585, %get3A_596 : vector<16xf32>
        %add3A_598 = arith.addf %get3A_596, %sub3A_597 : vector<16xf32>
        %swap3A_599 = arith.index_cast %select_n3A : i32 to index
        %swap3A_600 = arith.index_cast %add3A_587 : i32 to index
        %swap3A_601 = tpu.vector_load %arg10[%swap3A_599, %swap3A_600] {strides = array<i32>} : memref<2x4096xf32, #tpu.memory_space<vmem>>, vector<1x16xf32>,
        %swap3A_602 = vector.shape_cast %swap3A_601 : vector<1x16xf32> to vector<16xf32>
        %swap3A_603 = vector.shape_cast %add3A_598 : vector<16xf32> to vector<1x16xf32>
        tpu.vector_store %arg10[%swap3A_599, %swap3A_600], %swap3A_603 {strides = array<i32>} : memref<2x4096xf32, #tpu.memory_space<vmem>>, vector<1x16xf32>,
        %get3A_604 = arith.index_cast %add3A_515 : i32 to index
        %get3A_605 = arith.constant 48 : index
        %get3A_606 = tpu.vector_load %arg9[%get3A_604, %get3A_605] {strides = array<i32>} : memref<128x128xf32, #tpu.memory_space<vmem>>, vector<1x16xf32>,
        %get3A_607 = vector.shape_cast %get3A_606 : vector<1x16xf32> to vector<16xf32>
        %add3A_608 = arith.constant 48 : i32
        %add3A_609 = arith.addi %mul3A_537, %add3A_608 : i32
        %swap3A_610 = arith.index_cast %select_n3A : i32 to index
        %swap3A_611 = arith.index_cast %add3A_609 : i32 to index
        %swap3A_612 = tpu.vector_load %arg11[%swap3A_610, %swap3A_611] {strides = array<i32>} : memref<2x4096xf32, #tpu.memory_space<vmem>>, vector<1x16xf32>,
        %swap3A_613 = vector.shape_cast %swap3A_612 : vector<1x16xf32> to vector<16xf32>
        %swap3A_614 = vector.shape_cast %get3A_607 : vector<16xf32> to vector<1x16xf32>
        tpu.vector_store %arg11[%swap3A_610, %swap3A_611], %swap3A_614 {strides = array<i32>} : memref<2x4096xf32, #tpu.memory_space<vmem>>, vector<1x16xf32>,
        %get3A_615 = arith.index_cast %select_n3A : i32 to index
        %get3A_616 = arith.index_cast %add3A_609 : i32 to index
        %get3A_617 = tpu.vector_load %arg10[%get3A_615, %get3A_616] {strides = array<i32>} : memref<2x4096xf32, #tpu.memory_space<vmem>>, vector<1x16xf32>,
        %get3A_618 = vector.shape_cast %get3A_617 : vector<1x16xf32> to vector<16xf32>
        %sub3A_619 = arith.subf %get3A_607, %get3A_618 : vector<16xf32>
        %add3A_620 = arith.addf %get3A_618, %sub3A_619 : vector<16xf32>
        %swap3A_621 = arith.index_cast %select_n3A : i32 to index
        %swap3A_622 = arith.index_cast %add3A_609 : i32 to index
        %swap3A_623 = tpu.vector_load %arg10[%swap3A_621, %swap3A_622] {strides = array<i32>} : memref<2x4096xf32, #tpu.memory_space<vmem>>, vector<1x16xf32>,
        %swap3A_624 = vector.shape_cast %swap3A_623 : vector<1x16xf32> to vector<16xf32>
        %swap3A_625 = vector.shape_cast %add3A_620 : vector<16xf32> to vector<1x16xf32>
        tpu.vector_store %arg10[%swap3A_621, %swap3A_622], %swap3A_625 {strides = array<i32>} : memref<2x4096xf32, #tpu.memory_space<vmem>>, vector<1x16xf32>,
        %mul3A_626 = arith.constant 16 : i32
        %mul3A_627 = arith.muli %scan3A_152, %mul3A_626 : i32
        %add3A_628 = arith.constant 4 : i32
        %add3A_629 = arith.addi %mul3A_627, %add3A_628 : i32
        %mul3A_630 = arith.constant 16 : i32
        %mul3A_631 = arith.muli %scan3A_152, %mul3A_630 : i32
        %jit3A_632 = arith.constant 64 : i32
        %eq3A_633 = arith.constant 0 : i32
        %eq3A_634 = arith.cmpi eq, %jit3A_632, %eq3A_633 : i32
        %jit3A_635 = arith.constant 1 : i32
        %select_n3A_636 = arith.select %eq3A_634, %jit3A_635, %jit3A_632 : i32
        %rem3A_637 = arith.remsi %mul3A_631, %select_n3A_636 : i32
        %ne3A_638 = arith.constant 0 : i32
        %ne3A_639 = arith.cmpi ne, %rem3A_637, %ne3A_638 : i32
        %lt3A_640 = arith.constant 0 : i32
        %lt3A_641 = arith.cmpi slt, %rem3A_637, %lt3A_640 : i32
        %lt3A_642 = arith.constant 0 : i32
        %lt3A_643 = arith.cmpi slt, %select_n3A_636, %lt3A_642 : i32
        %ne3A_644 = arith.xori %lt3A_641, %lt3A_643 : i1
        %and3A_645 = arith.andi %ne3A_644, %ne3A_639 : i1
        %add3A_646 = arith.addi %rem3A_637, %select_n3A_636 : i32
        %select_n3A_647 = arith.select %and3A_645, %add3A_646, %rem3A_637 : i32
        %add3A_648 = arith.constant 4 : i32
        %add3A_649 = arith.addi %select_n3A_647, %add3A_648 : i32
        %mul3A_650 = arith.constant 64 : i32
        %mul3A_651 = arith.muli %add3A_649, %mul3A_650 : i32
        %get3A_652 = arith.index_cast %add3A_629 : i32 to index
        %get3A_653 = arith.constant 0 : index
        %get3A_654 = tpu.vector_load %arg9[%get3A_652, %get3A_653] {strides = array<i32>} : memref<128x128xf32, #tpu.memory_space<vmem>>, vector<1x16xf32>,
        %get3A_655 = vector.shape_cast %get3A_654 : vector<1x16xf32> to vector<16xf32>
        %add3A_656 = arith.constant 0 : i32
        %add3A_657 = arith.addi %mul3A_651, %add3A_656 : i32
        %swap3A_658 = arith.index_cast %select_n3A : i32 to index
        %swap3A_659 = arith.index_cast %add3A_657 : i32 to index
        %swap3A_660 = tpu.vector_load %arg11[%swap3A_658, %swap3A_659] {strides = array<i32>} : memref<2x4096xf32, #tpu.memory_space<vmem>>, vector<1x16xf32>,
        %swap3A_661 = vector.shape_cast %swap3A_660 : vector<1x16xf32> to vector<16xf32>
        %swap3A_662 = vector.shape_cast %get3A_655 : vector<16xf32> to vector<1x16xf32>
        tpu.vector_store %arg11[%swap3A_658, %swap3A_659], %swap3A_662 {strides = array<i32>} : memref<2x4096xf32, #tpu.memory_space<vmem>>, vector<1x16xf32>,
        %get3A_663 = arith.index_cast %select_n3A : i32 to index
        %get3A_664 = arith.index_cast %add3A_657 : i32 to index
        %get3A_665 = tpu.vector_load %arg10[%get3A_663, %get3A_664] {strides = array<i32>} : memref<2x4096xf32, #tpu.memory_space<vmem>>, vector<1x16xf32>,
        %get3A_666 = vector.shape_cast %get3A_665 : vector<1x16xf32> to vector<16xf32>
        %sub3A_667 = arith.subf %get3A_655, %get3A_666 : vector<16xf32>
        %add3A_668 = arith.addf %get3A_666, %sub3A_667 : vector<16xf32>
        %swap3A_669 = arith.index_cast %select_n3A : i32 to index
        %swap3A_670 = arith.index_cast %add3A_657 : i32 to index
        %swap3A_671 = tpu.vector_load %arg10[%swap3A_669, %swap3A_670] {strides = array<i32>} : memref<2x4096xf32, #tpu.memory_space<vmem>>, vector<1x16xf32>,
        %swap3A_672 = vector.shape_cast %swap3A_671 : vector<1x16xf32> to vector<16xf32>
        %swap3A_673 = vector.shape_cast %add3A_668 : vector<16xf32> to vector<1x16xf32>
        tpu.vector_store %arg10[%swap3A_669, %swap3A_670], %swap3A_673 {strides = array<i32>} : memref<2x4096xf32, #tpu.memory_space<vmem>>, vector<1x16xf32>,
        %get3A_674 = arith.index_cast %add3A_629 : i32 to index
        %get3A_675 = arith.constant 16 : index
        %get3A_676 = tpu.vector_load %arg9[%get3A_674, %get3A_675] {strides = array<i32>} : memref<128x128xf32, #tpu.memory_space<vmem>>, vector<1x16xf32>,
        %get3A_677 = vector.shape_cast %get3A_676 : vector<1x16xf32> to vector<16xf32>
        %add3A_678 = arith.constant 16 : i32
        %add3A_679 = arith.addi %mul3A_651, %add3A_678 : i32
        %swap3A_680 = arith.index_cast %select_n3A : i32 to index
        %swap3A_681 = arith.index_cast %add3A_679 : i32 to index
        %swap3A_682 = tpu.vector_load %arg11[%swap3A_680, %swap3A_681] {strides = array<i32>} : memref<2x4096xf32, #tpu.memory_space<vmem>>, vector<1x16xf32>,
        %swap3A_683 = vector.shape_cast %swap3A_682 : vector<1x16xf32> to vector<16xf32>
        %swap3A_684 = vector.shape_cast %get3A_677 : vector<16xf32> to vector<1x16xf32>
        tpu.vector_store %arg11[%swap3A_680, %swap3A_681], %swap3A_684 {strides = array<i32>} : memref<2x4096xf32, #tpu.memory_space<vmem>>, vector<1x16xf32>,
        %get3A_685 = arith.index_cast %select_n3A : i32 to index
        %get3A_686 = arith.index_cast %add3A_679 : i32 to index
        %get3A_687 = tpu.vector_load %arg10[%get3A_685, %get3A_686] {strides = array<i32>} : memref<2x4096xf32, #tpu.memory_space<vmem>>, vector<1x16xf32>,
        %get3A_688 = vector.shape_cast %get3A_687 : vector<1x16xf32> to vector<16xf32>
        %sub3A_689 = arith.subf %get3A_677, %get3A_688 : vector<16xf32>
        %add3A_690 = arith.addf %get3A_688, %sub3A_689 : vector<16xf32>
        %swap3A_691 = arith.index_cast %select_n3A : i32 to index
        %swap3A_692 = arith.index_cast %add3A_679 : i32 to index
        %swap3A_693 = tpu.vector_load %arg10[%swap3A_691, %swap3A_692] {strides = array<i32>} : memref<2x4096xf32, #tpu.memory_space<vmem>>, vector<1x16xf32>,
        %swap3A_694 = vector.shape_cast %swap3A_693 : vector<1x16xf32> to vector<16xf32>
        %swap3A_695 = vector.shape_cast %add3A_690 : vector<16xf32> to vector<1x16xf32>
        tpu.vector_store %arg10[%swap3A_691, %swap3A_692], %swap3A_695 {strides = array<i32>} : memref<2x4096xf32, #tpu.memory_space<vmem>>, vector<1x16xf32>,
        %get3A_696 = arith.index_cast %add3A_629 : i32 to index
        %get3A_697 = arith.constant 32 : index
        %get3A_698 = tpu.vector_load %arg9[%get3A_696, %get3A_697] {strides = array<i32>} : memref<128x128xf32, #tpu.memory_space<vmem>>, vector<1x16xf32>,
        %get3A_699 = vector.shape_cast %get3A_698 : vector<1x16xf32> to vector<16xf32>
        %add3A_700 = arith.constant 32 : i32
        %add3A_701 = arith.addi %mul3A_651, %add3A_700 : i32
        %swap3A_702 = arith.index_cast %select_n3A : i32 to index
        %swap3A_703 = arith.index_cast %add3A_701 : i32 to index
        %swap3A_704 = tpu.vector_load %arg11[%swap3A_702, %swap3A_703] {strides = array<i32>} : memref<2x4096xf32, #tpu.memory_space<vmem>>, vector<1x16xf32>,
        %swap3A_705 = vector.shape_cast %swap3A_704 : vector<1x16xf32> to vector<16xf32>
        %swap3A_706 = vector.shape_cast %get3A_699 : vector<16xf32> to vector<1x16xf32>
        tpu.vector_store %arg11[%swap3A_702, %swap3A_703], %swap3A_706 {strides = array<i32>} : memref<2x4096xf32, #tpu.memory_space<vmem>>, vector<1x16xf32>,
        %get3A_707 = arith.index_cast %select_n3A : i32 to index
        %get3A_708 = arith.index_cast %add3A_701 : i32 to index
        %get3A_709 = tpu.vector_load %arg10[%get3A_707, %get3A_708] {strides = array<i32>} : memref<2x4096xf32, #tpu.memory_space<vmem>>, vector<1x16xf32>,
        %get3A_710 = vector.shape_cast %get3A_709 : vector<1x16xf32> to vector<16xf32>
        %sub3A_711 = arith.subf %get3A_699, %get3A_710 : vector<16xf32>
        %add3A_712 = arith.addf %get3A_710, %sub3A_711 : vector<16xf32>
        %swap3A_713 = arith.index_cast %select_n3A : i32 to index
        %swap3A_714 = arith.index_cast %add3A_701 : i32 to index
        %swap3A_715 = tpu.vector_load %arg10[%swap3A_713, %swap3A_714] {strides = array<i32>} : memref<2x4096xf32, #tpu.memory_space<vmem>>, vector<1x16xf32>,
        %swap3A_716 = vector.shape_cast %swap3A_715 : vector<1x16xf32> to vector<16xf32>
        %swap3A_717 = vector.shape_cast %add3A_712 : vector<16xf32> to vector<1x16xf32>
        tpu.vector_store %arg10[%swap3A_713, %swap3A_714], %swap3A_717 {strides = array<i32>} : memref<2x4096xf32, #tpu.memory_space<vmem>>, vector<1x16xf32>,
        %get3A_718 = arith.index_cast %add3A_629 : i32 to index
        %get3A_719 = arith.constant 48 : index
        %get3A_720 = tpu.vector_load %arg9[%get3A_718, %get3A_719] {strides = array<i32>} : memref<128x128xf32, #tpu.memory_space<vmem>>, vector<1x16xf32>,
        %get3A_721 = vector.shape_cast %get3A_720 : vector<1x16xf32> to vector<16xf32>
        %add3A_722 = arith.constant 48 : i32
        %add3A_723 = arith.addi %mul3A_651, %add3A_722 : i32
        %swap3A_724 = arith.index_cast %select_n3A : i32 to index
        %swap3A_725 = arith.index_cast %add3A_723 : i32 to index
        %swap3A_726 = tpu.vector_load %arg11[%swap3A_724, %swap3A_725] {strides = array<i32>} : memref<2x4096xf32, #tpu.memory_space<vmem>>, vector<1x16xf32>,
        %swap3A_727 = vector.shape_cast %swap3A_726 : vector<1x16xf32> to vector<16xf32>
        %swap3A_728 = vector.shape_cast %get3A_721 : vector<16xf32> to vector<1x16xf32>
        tpu.vector_store %arg11[%swap3A_724, %swap3A_725], %swap3A_728 {strides = array<i32>} : memref<2x4096xf32, #tpu.memory_space<vmem>>, vector<1x16xf32>,
        %get3A_729 = arith.index_cast %select_n3A : i32 to index
        %get3A_730 = arith.index_cast %add3A_723 : i32 to index
        %get3A_731 = tpu.vector_load %arg10[%get3A_729, %get3A_730] {strides = array<i32>} : memref<2x4096xf32, #tpu.memory_space<vmem>>, vector<1x16xf32>,
        %get3A_732 = vector.shape_cast %get3A_731 : vector<1x16xf32> to vector<16xf32>
        %sub3A_733 = arith.subf %get3A_721, %get3A_732 : vector<16xf32>
        %add3A_734 = arith.addf %get3A_732, %sub3A_733 : vector<16xf32>
        %swap3A_735 = arith.index_cast %select_n3A : i32 to index
        %swap3A_736 = arith.index_cast %add3A_723 : i32 to index
        %swap3A_737 = tpu.vector_load %arg10[%swap3A_735, %swap3A_736] {strides = array<i32>} : memref<2x4096xf32, #tpu.memory_space<vmem>>, vector<1x16xf32>,
        %swap3A_738 = vector.shape_cast %swap3A_737 : vector<1x16xf32> to vector<16xf32>
        %swap3A_739 = vector.shape_cast %add3A_734 : vector<16xf32> to vector<1x16xf32>
        tpu.vector_store %arg10[%swap3A_735, %swap3A_736], %swap3A_739 {strides = array<i32>} : memref<2x4096xf32, #tpu.memory_space<vmem>>, vector<1x16xf32>,
        %mul3A_740 = arith.constant 16 : i32
        %mul3A_741 = arith.muli %scan3A_152, %mul3A_740 : i32
        %add3A_742 = arith.constant 5 : i32
        %add3A_743 = arith.addi %mul3A_741, %add3A_742 : i32
        %mul3A_744 = arith.constant 16 : i32
        %mul3A_745 = arith.muli %scan3A_152, %mul3A_744 : i32
        %jit3A_746 = arith.constant 64 : i32
        %eq3A_747 = arith.constant 0 : i32
        %eq3A_748 = arith.cmpi eq, %jit3A_746, %eq3A_747 : i32
        %jit3A_749 = arith.constant 1 : i32
        %select_n3A_750 = arith.select %eq3A_748, %jit3A_749, %jit3A_746 : i32
        %rem3A_751 = arith.remsi %mul3A_745, %select_n3A_750 : i32
        %ne3A_752 = arith.constant 0 : i32
        %ne3A_753 = arith.cmpi ne, %rem3A_751, %ne3A_752 : i32
        %lt3A_754 = arith.constant 0 : i32
        %lt3A_755 = arith.cmpi slt, %rem3A_751, %lt3A_754 : i32
        %lt3A_756 = arith.constant 0 : i32
        %lt3A_757 = arith.cmpi slt, %select_n3A_750, %lt3A_756 : i32
        %ne3A_758 = arith.xori %lt3A_755, %lt3A_757 : i1
        %and3A_759 = arith.andi %ne3A_758, %ne3A_753 : i1
        %add3A_760 = arith.addi %rem3A_751, %select_n3A_750 : i32
        %select_n3A_761 = arith.select %and3A_759, %add3A_760, %rem3A_751 : i32
        %add3A_762 = arith.constant 5 : i32
        %add3A_763 = arith.addi %select_n3A_761, %add3A_762 : i32
        %mul3A_764 = arith.constant 64 : i32
        %mul3A_765 = arith.muli %add3A_763, %mul3A_764 : i32
        %get3A_766 = arith.index_cast %add3A_743 : i32 to index
        %get3A_767 = arith.constant 0 : index
        %get3A_768 = tpu.vector_load %arg9[%get3A_766, %get3A_767] {strides = array<i32>} : memref<128x128xf32, #tpu.memory_space<vmem>>, vector<1x16xf32>,
        %get3A_769 = vector.shape_cast %get3A_768 : vector<1x16xf32> to vector<16xf32>
        %add3A_770 = arith.constant 0 : i32
        %add3A_771 = arith.addi %mul3A_765, %add3A_770 : i32
        %swap3A_772 = arith.index_cast %select_n3A : i32 to index
        %swap3A_773 = arith.index_cast %add3A_771 : i32 to index
        %swap3A_774 = tpu.vector_load %arg11[%swap3A_772, %swap3A_773] {strides = array<i32>} : memref<2x4096xf32, #tpu.memory_space<vmem>>, vector<1x16xf32>,
        %swap3A_775 = vector.shape_cast %swap3A_774 : vector<1x16xf32> to vector<16xf32>
        %swap3A_776 = vector.shape_cast %get3A_769 : vector<16xf32> to vector<1x16xf32>
        tpu.vector_store %arg11[%swap3A_772, %swap3A_773], %swap3A_776 {strides = array<i32>} : memref<2x4096xf32, #tpu.memory_space<vmem>>, vector<1x16xf32>,
        %get3A_777 = arith.index_cast %select_n3A : i32 to index
        %get3A_778 = arith.index_cast %add3A_771 : i32 to index
        %get3A_779 = tpu.vector_load %arg10[%get3A_777, %get3A_778] {strides = array<i32>} : memref<2x4096xf32, #tpu.memory_space<vmem>>, vector<1x16xf32>,
        %get3A_780 = vector.shape_cast %get3A_779 : vector<1x16xf32> to vector<16xf32>
        %sub3A_781 = arith.subf %get3A_769, %get3A_780 : vector<16xf32>
        %add3A_782 = arith.addf %get3A_780, %sub3A_781 : vector<16xf32>
        %swap3A_783 = arith.index_cast %select_n3A : i32 to index
        %swap3A_784 = arith.index_cast %add3A_771 : i32 to index
        %swap3A_785 = tpu.vector_load %arg10[%swap3A_783, %swap3A_784] {strides = array<i32>} : memref<2x4096xf32, #tpu.memory_space<vmem>>, vector<1x16xf32>,
        %swap3A_786 = vector.shape_cast %swap3A_785 : vector<1x16xf32> to vector<16xf32>
        %swap3A_787 = vector.shape_cast %add3A_782 : vector<16xf32> to vector<1x16xf32>
        tpu.vector_store %arg10[%swap3A_783, %swap3A_784], %swap3A_787 {strides = array<i32>} : memref<2x4096xf32, #tpu.memory_space<vmem>>, vector<1x16xf32>,
        %get3A_788 = arith.index_cast %add3A_743 : i32 to index
        %get3A_789 = arith.constant 16 : index
        %get3A_790 = tpu.vector_load %arg9[%get3A_788, %get3A_789] {strides = array<i32>} : memref<128x128xf32, #tpu.memory_space<vmem>>, vector<1x16xf32>,
        %get3A_791 = vector.shape_cast %get3A_790 : vector<1x16xf32> to vector<16xf32>
        %add3A_792 = arith.constant 16 : i32
        %add3A_793 = arith.addi %mul3A_765, %add3A_792 : i32
        %swap3A_794 = arith.index_cast %select_n3A : i32 to index
        %swap3A_795 = arith.index_cast %add3A_793 : i32 to index
        %swap3A_796 = tpu.vector_load %arg11[%swap3A_794, %swap3A_795] {strides = array<i32>} : memref<2x4096xf32, #tpu.memory_space<vmem>>, vector<1x16xf32>,
        %swap3A_797 = vector.shape_cast %swap3A_796 : vector<1x16xf32> to vector<16xf32>
        %swap3A_798 = vector.shape_cast %get3A_791 : vector<16xf32> to vector<1x16xf32>
        tpu.vector_store %arg11[%swap3A_794, %swap3A_795], %swap3A_798 {strides = array<i32>} : memref<2x4096xf32, #tpu.memory_space<vmem>>, vector<1x16xf32>,
        %get3A_799 = arith.index_cast %select_n3A : i32 to index
        %get3A_800 = arith.index_cast %add3A_793 : i32 to index
        %get3A_801 = tpu.vector_load %arg10[%get3A_799, %get3A_800] {strides = array<i32>} : memref<2x4096xf32, #tpu.memory_space<vmem>>, vector<1x16xf32>,
        %get3A_802 = vector.shape_cast %get3A_801 : vector<1x16xf32> to vector<16xf32>
        %sub3A_803 = arith.subf %get3A_791, %get3A_802 : vector<16xf32>
        %add3A_804 = arith.addf %get3A_802, %sub3A_803 : vector<16xf32>
        %swap3A_805 = arith.index_cast %select_n3A : i32 to index
        %swap3A_806 = arith.index_cast %add3A_793 : i32 to index
        %swap3A_807 = tpu.vector_load %arg10[%swap3A_805, %swap3A_806] {strides = array<i32>} : memref<2x4096xf32, #tpu.memory_space<vmem>>, vector<1x16xf32>,
        %swap3A_808 = vector.shape_cast %swap3A_807 : vector<1x16xf32> to vector<16xf32>
        %swap3A_809 = vector.shape_cast %add3A_804 : vector<16xf32> to vector<1x16xf32>
        tpu.vector_store %arg10[%swap3A_805, %swap3A_806], %swap3A_809 {strides = array<i32>} : memref<2x4096xf32, #tpu.memory_space<vmem>>, vector<1x16xf32>,
        %get3A_810 = arith.index_cast %add3A_743 : i32 to index
        %get3A_811 = arith.constant 32 : index
        %get3A_812 = tpu.vector_load %arg9[%get3A_810, %get3A_811] {strides = array<i32>} : memref<128x128xf32, #tpu.memory_space<vmem>>, vector<1x16xf32>,
        %get3A_813 = vector.shape_cast %get3A_812 : vector<1x16xf32> to vector<16xf32>
        %add3A_814 = arith.constant 32 : i32
        %add3A_815 = arith.addi %mul3A_765, %add3A_814 : i32
        %swap3A_816 = arith.index_cast %select_n3A : i32 to index
        %swap3A_817 = arith.index_cast %add3A_815 : i32 to index
        %swap3A_818 = tpu.vector_load %arg11[%swap3A_816, %swap3A_817] {strides = array<i32>} : memref<2x4096xf32, #tpu.memory_space<vmem>>, vector<1x16xf32>,
        %swap3A_819 = vector.shape_cast %swap3A_818 : vector<1x16xf32> to vector<16xf32>
        %swap3A_820 = vector.shape_cast %get3A_813 : vector<16xf32> to vector<1x16xf32>
        tpu.vector_store %arg11[%swap3A_816, %swap3A_817], %swap3A_820 {strides = array<i32>} : memref<2x4096xf32, #tpu.memory_space<vmem>>, vector<1x16xf32>,
        %get3A_821 = arith.index_cast %select_n3A : i32 to index
        %get3A_822 = arith.index_cast %add3A_815 : i32 to index
        %get3A_823 = tpu.vector_load %arg10[%get3A_821, %get3A_822] {strides = array<i32>} : memref<2x4096xf32, #tpu.memory_space<vmem>>, vector<1x16xf32>,
        %get3A_824 = vector.shape_cast %get3A_823 : vector<1x16xf32> to vector<16xf32>
        %sub3A_825 = arith.subf %get3A_813, %get3A_824 : vector<16xf32>
        %add3A_826 = arith.addf %get3A_824, %sub3A_825 : vector<16xf32>
        %swap3A_827 = arith.index_cast %select_n3A : i32 to index
        %swap3A_828 = arith.index_cast %add3A_815 : i32 to index
        %swap3A_829 = tpu.vector_load %arg10[%swap3A_827, %swap3A_828] {strides = array<i32>} : memref<2x4096xf32, #tpu.memory_space<vmem>>, vector<1x16xf32>,
        %swap3A_830 = vector.shape_cast %swap3A_829 : vector<1x16xf32> to vector<16xf32>
        %swap3A_831 = vector.shape_cast %add3A_826 : vector<16xf32> to vector<1x16xf32>
        tpu.vector_store %arg10[%swap3A_827, %swap3A_828], %swap3A_831 {strides = array<i32>} : memref<2x4096xf32, #tpu.memory_space<vmem>>, vector<1x16xf32>,
        %get3A_832 = arith.index_cast %add3A_743 : i32 to index
        %get3A_833 = arith.constant 48 : index
        %get3A_834 = tpu.vector_load %arg9[%get3A_832, %get3A_833] {strides = array<i32>} : memref<128x128xf32, #tpu.memory_space<vmem>>, vector<1x16xf32>,
        %get3A_835 = vector.shape_cast %get3A_834 : vector<1x16xf32> to vector<16xf32>
        %add3A_836 = arith.constant 48 : i32
        %add3A_837 = arith.addi %mul3A_765, %add3A_836 : i32
        %swap3A_838 = arith.index_cast %select_n3A : i32 to index
        %swap3A_839 = arith.index_cast %add3A_837 : i32 to index
        %swap3A_840 = tpu.vector_load %arg11[%swap3A_838, %swap3A_839] {strides = array<i32>} : memref<2x4096xf32, #tpu.memory_space<vmem>>, vector<1x16xf32>,
        %swap3A_841 = vector.shape_cast %swap3A_840 : vector<1x16xf32> to vector<16xf32>
        %swap3A_842 = vector.shape_cast %get3A_835 : vector<16xf32> to vector<1x16xf32>
        tpu.vector_store %arg11[%swap3A_838, %swap3A_839], %swap3A_842 {strides = array<i32>} : memref<2x4096xf32, #tpu.memory_space<vmem>>, vector<1x16xf32>,
        %get3A_843 = arith.index_cast %select_n3A : i32 to index
        %get3A_844 = arith.index_cast %add3A_837 : i32 to index
        %get3A_845 = tpu.vector_load %arg10[%get3A_843, %get3A_844] {strides = array<i32>} : memref<2x4096xf32, #tpu.memory_space<vmem>>, vector<1x16xf32>,
        %get3A_846 = vector.shape_cast %get3A_845 : vector<1x16xf32> to vector<16xf32>
        %sub3A_847 = arith.subf %get3A_835, %get3A_846 : vector<16xf32>
        %add3A_848 = arith.addf %get3A_846, %sub3A_847 : vector<16xf32>
        %swap3A_849 = arith.index_cast %select_n3A : i32 to index
        %swap3A_850 = arith.index_cast %add3A_837 : i32 to index
        %swap3A_851 = tpu.vector_load %arg10[%swap3A_849, %swap3A_850] {strides = array<i32>} : memref<2x4096xf32, #tpu.memory_space<vmem>>, vector<1x16xf32>,
        %swap3A_852 = vector.shape_cast %swap3A_851 : vector<1x16xf32> to vector<16xf32>
        %swap3A_853 = vector.shape_cast %add3A_848 : vector<16xf32> to vector<1x16xf32>
        tpu.vector_store %arg10[%swap3A_849, %swap3A_850], %swap3A_853 {strides = array<i32>} : memref<2x4096xf32, #tpu.memory_space<vmem>>, vector<1x16xf32>,
        %mul3A_854 = arith.constant 16 : i32
        %mul3A_855 = arith.muli %scan3A_152, %mul3A_854 : i32
        %add3A_856 = arith.constant 6 : i32
        %add3A_857 = arith.addi %mul3A_855, %add3A_856 : i32
        %mul3A_858 = arith.constant 16 : i32
        %mul3A_859 = arith.muli %scan3A_152, %mul3A_858 : i32
        %jit3A_860 = arith.constant 64 : i32
        %eq3A_861 = arith.constant 0 : i32
        %eq3A_862 = arith.cmpi eq, %jit3A_860, %eq3A_861 : i32
        %jit3A_863 = arith.constant 1 : i32
        %select_n3A_864 = arith.select %eq3A_862, %jit3A_863, %jit3A_860 : i32
        %rem3A_865 = arith.remsi %mul3A_859, %select_n3A_864 : i32
        %ne3A_866 = arith.constant 0 : i32
        %ne3A_867 = arith.cmpi ne, %rem3A_865, %ne3A_866 : i32
        %lt3A_868 = arith.constant 0 : i32
        %lt3A_869 = arith.cmpi slt, %rem3A_865, %lt3A_868 : i32
        %lt3A_870 = arith.constant 0 : i32
        %lt3A_871 = arith.cmpi slt, %select_n3A_864, %lt3A_870 : i32
        %ne3A_872 = arith.xori %lt3A_869, %lt3A_871 : i1
        %and3A_873 = arith.andi %ne3A_872, %ne3A_867 : i1
        %add3A_874 = arith.addi %rem3A_865, %select_n3A_864 : i32
        %select_n3A_875 = arith.select %and3A_873, %add3A_874, %rem3A_865 : i32
        %add3A_876 = arith.constant 6 : i32
        %add3A_877 = arith.addi %select_n3A_875, %add3A_876 : i32
        %mul3A_878 = arith.constant 64 : i32
        %mul3A_879 = arith.muli %add3A_877, %mul3A_878 : i32
        %get3A_880 = arith.index_cast %add3A_857 : i32 to index
        %get3A_881 = arith.constant 0 : index
        %get3A_882 = tpu.vector_load %arg9[%get3A_880, %get3A_881] {strides = array<i32>} : memref<128x128xf32, #tpu.memory_space<vmem>>, vector<1x16xf32>,
        %get3A_883 = vector.shape_cast %get3A_882 : vector<1x16xf32> to vector<16xf32>
        %add3A_884 = arith.constant 0 : i32
        %add3A_885 = arith.addi %mul3A_879, %add3A_884 : i32
        %swap3A_886 = arith.index_cast %select_n3A : i32 to index
        %swap3A_887 = arith.index_cast %add3A_885 : i32 to index
        %swap3A_888 = tpu.vector_load %arg11[%swap3A_886, %swap3A_887] {strides = array<i32>} : memref<2x4096xf32, #tpu.memory_space<vmem>>, vector<1x16xf32>,
        %swap3A_889 = vector.shape_cast %swap3A_888 : vector<1x16xf32> to vector<16xf32>
        %swap3A_890 = vector.shape_cast %get3A_883 : vector<16xf32> to vector<1x16xf32>
        tpu.vector_store %arg11[%swap3A_886, %swap3A_887], %swap3A_890 {strides = array<i32>} : memref<2x4096xf32, #tpu.memory_space<vmem>>, vector<1x16xf32>,
        %get3A_891 = arith.index_cast %select_n3A : i32 to index
        %get3A_892 = arith.index_cast %add3A_885 : i32 to index
        %get3A_893 = tpu.vector_load %arg10[%get3A_891, %get3A_892] {strides = array<i32>} : memref<2x4096xf32, #tpu.memory_space<vmem>>, vector<1x16xf32>,
        %get3A_894 = vector.shape_cast %get3A_893 : vector<1x16xf32> to vector<16xf32>
        %sub3A_895 = arith.subf %get3A_883, %get3A_894 : vector<16xf32>
        %add3A_896 = arith.addf %get3A_894, %sub3A_895 : vector<16xf32>
        %swap3A_897 = arith.index_cast %select_n3A : i32 to index
        %swap3A_898 = arith.index_cast %add3A_885 : i32 to index
        %swap3A_899 = tpu.vector_load %arg10[%swap3A_897, %swap3A_898] {strides = array<i32>} : memref<2x4096xf32, #tpu.memory_space<vmem>>, vector<1x16xf32>,
        %swap3A_900 = vector.shape_cast %swap3A_899 : vector<1x16xf32> to vector<16xf32>
        %swap3A_901 = vector.shape_cast %add3A_896 : vector<16xf32> to vector<1x16xf32>
        tpu.vector_store %arg10[%swap3A_897, %swap3A_898], %swap3A_901 {strides = array<i32>} : memref<2x4096xf32, #tpu.memory_space<vmem>>, vector<1x16xf32>,
        %get3A_902 = arith.index_cast %add3A_857 : i32 to index
        %get3A_903 = arith.constant 16 : index
        %get3A_904 = tpu.vector_load %arg9[%get3A_902, %get3A_903] {strides = array<i32>} : memref<128x128xf32, #tpu.memory_space<vmem>>, vector<1x16xf32>,
        %get3A_905 = vector.shape_cast %get3A_904 : vector<1x16xf32> to vector<16xf32>
        %add3A_906 = arith.constant 16 : i32
        %add3A_907 = arith.addi %mul3A_879, %add3A_906 : i32
        %swap3A_908 = arith.index_cast %select_n3A : i32 to index
        %swap3A_909 = arith.index_cast %add3A_907 : i32 to index
        %swap3A_910 = tpu.vector_load %arg11[%swap3A_908, %swap3A_909] {strides = array<i32>} : memref<2x4096xf32, #tpu.memory_space<vmem>>, vector<1x16xf32>,
        %swap3A_911 = vector.shape_cast %swap3A_910 : vector<1x16xf32> to vector<16xf32>
        %swap3A_912 = vector.shape_cast %get3A_905 : vector<16xf32> to vector<1x16xf32>
        tpu.vector_store %arg11[%swap3A_908, %swap3A_909], %swap3A_912 {strides = array<i32>} : memref<2x4096xf32, #tpu.memory_space<vmem>>, vector<1x16xf32>,
        %get3A_913 = arith.index_cast %select_n3A : i32 to index
        %get3A_914 = arith.index_cast %add3A_907 : i32 to index
        %get3A_915 = tpu.vector_load %arg10[%get3A_913, %get3A_914] {strides = array<i32>} : memref<2x4096xf32, #tpu.memory_space<vmem>>, vector<1x16xf32>,
        %get3A_916 = vector.shape_cast %get3A_915 : vector<1x16xf32> to vector<16xf32>
        %sub3A_917 = arith.subf %get3A_905, %get3A_916 : vector<16xf32>
        %add3A_918 = arith.addf %get3A_916, %sub3A_917 : vector<16xf32>
        %swap3A_919 = arith.index_cast %select_n3A : i32 to index
        %swap3A_920 = arith.index_cast %add3A_907 : i32 to index
        %swap3A_921 = tpu.vector_load %arg10[%swap3A_919, %swap3A_920] {strides = array<i32>} : memref<2x4096xf32, #tpu.memory_space<vmem>>, vector<1x16xf32>,
        %swap3A_922 = vector.shape_cast %swap3A_921 : vector<1x16xf32> to vector<16xf32>
        %swap3A_923 = vector.shape_cast %add3A_918 : vector<16xf32> to vector<1x16xf32>
        tpu.vector_store %arg10[%swap3A_919, %swap3A_920], %swap3A_923 {strides = array<i32>} : memref<2x4096xf32, #tpu.memory_space<vmem>>, vector<1x16xf32>,
        %get3A_924 = arith.index_cast %add3A_857 : i32 to index
        %get3A_925 = arith.constant 32 : index
        %get3A_926 = tpu.vector_load %arg9[%get3A_924, %get3A_925] {strides = array<i32>} : memref<128x128xf32, #tpu.memory_space<vmem>>, vector<1x16xf32>,
        %get3A_927 = vector.shape_cast %get3A_926 : vector<1x16xf32> to vector<16xf32>
        %add3A_928 = arith.constant 32 : i32
        %add3A_929 = arith.addi %mul3A_879, %add3A_928 : i32
        %swap3A_930 = arith.index_cast %select_n3A : i32 to index
        %swap3A_931 = arith.index_cast %add3A_929 : i32 to index
        %swap3A_932 = tpu.vector_load %arg11[%swap3A_930, %swap3A_931] {strides = array<i32>} : memref<2x4096xf32, #tpu.memory_space<vmem>>, vector<1x16xf32>,
        %swap3A_933 = vector.shape_cast %swap3A_932 : vector<1x16xf32> to vector<16xf32>
        %swap3A_934 = vector.shape_cast %get3A_927 : vector<16xf32> to vector<1x16xf32>
        tpu.vector_store %arg11[%swap3A_930, %swap3A_931], %swap3A_934 {strides = array<i32>} : memref<2x4096xf32, #tpu.memory_space<vmem>>, vector<1x16xf32>,
        %get3A_935 = arith.index_cast %select_n3A : i32 to index
        %get3A_936 = arith.index_cast %add3A_929 : i32 to index
        %get3A_937 = tpu.vector_load %arg10[%get3A_935, %get3A_936] {strides = array<i32>} : memref<2x4096xf32, #tpu.memory_space<vmem>>, vector<1x16xf32>,
        %get3A_938 = vector.shape_cast %get3A_937 : vector<1x16xf32> to vector<16xf32>
        %sub3A_939 = arith.subf %get3A_927, %get3A_938 : vector<16xf32>
        %add3A_940 = arith.addf %get3A_938, %sub3A_939 : vector<16xf32>
        %swap3A_941 = arith.index_cast %select_n3A : i32 to index
        %swap3A_942 = arith.index_cast %add3A_929 : i32 to index
        %swap3A_943 = tpu.vector_load %arg10[%swap3A_941, %swap3A_942] {strides = array<i32>} : memref<2x4096xf32, #tpu.memory_space<vmem>>, vector<1x16xf32>,
        %swap3A_944 = vector.shape_cast %swap3A_943 : vector<1x16xf32> to vector<16xf32>
        %swap3A_945 = vector.shape_cast %add3A_940 : vector<16xf32> to vector<1x16xf32>
        tpu.vector_store %arg10[%swap3A_941, %swap3A_942], %swap3A_945 {strides = array<i32>} : memref<2x4096xf32, #tpu.memory_space<vmem>>, vector<1x16xf32>,
        %get3A_946 = arith.index_cast %add3A_857 : i32 to index
        %get3A_947 = arith.constant 48 : index
        %get3A_948 = tpu.vector_load %arg9[%get3A_946, %get3A_947] {strides = array<i32>} : memref<128x128xf32, #tpu.memory_space<vmem>>, vector<1x16xf32>,
        %get3A_949 = vector.shape_cast %get3A_948 : vector<1x16xf32> to vector<16xf32>
        %add3A_950 = arith.constant 48 : i32
        %add3A_951 = arith.addi %mul3A_879, %add3A_950 : i32
        %swap3A_952 = arith.index_cast %select_n3A : i32 to index
        %swap3A_953 = arith.index_cast %add3A_951 : i32 to index
        %swap3A_954 = tpu.vector_load %arg11[%swap3A_952, %swap3A_953] {strides = array<i32>} : memref<2x4096xf32, #tpu.memory_space<vmem>>, vector<1x16xf32>,
        %swap3A_955 = vector.shape_cast %swap3A_954 : vector<1x16xf32> to vector<16xf32>
        %swap3A_956 = vector.shape_cast %get3A_949 : vector<16xf32> to vector<1x16xf32>
        tpu.vector_store %arg11[%swap3A_952, %swap3A_953], %swap3A_956 {strides = array<i32>} : memref<2x4096xf32, #tpu.memory_space<vmem>>, vector<1x16xf32>,
        %get3A_957 = arith.index_cast %select_n3A : i32 to index
        %get3A_958 = arith.index_cast %add3A_951 : i32 to index
        %get3A_959 = tpu.vector_load %arg10[%get3A_957, %get3A_958] {strides = array<i32>} : memref<2x4096xf32, #tpu.memory_space<vmem>>, vector<1x16xf32>,
        %get3A_960 = vector.shape_cast %get3A_959 : vector<1x16xf32> to vector<16xf32>
        %sub3A_961 = arith.subf %get3A_949, %get3A_960 : vector<16xf32>
        %add3A_962 = arith.addf %get3A_960, %sub3A_961 : vector<16xf32>
        %swap3A_963 = arith.index_cast %select_n3A : i32 to index
        %swap3A_964 = arith.index_cast %add3A_951 : i32 to index
        %swap3A_965 = tpu.vector_load %arg10[%swap3A_963, %swap3A_964] {strides = array<i32>} : memref<2x4096xf32, #tpu.memory_space<vmem>>, vector<1x16xf32>,
        %swap3A_966 = vector.shape_cast %swap3A_965 : vector<1x16xf32> to vector<16xf32>
        %swap3A_967 = vector.shape_cast %add3A_962 : vector<16xf32> to vector<1x16xf32>
        tpu.vector_store %arg10[%swap3A_963, %swap3A_964], %swap3A_967 {strides = array<i32>} : memref<2x4096xf32, #tpu.memory_space<vmem>>, vector<1x16xf32>,
        %mul3A_968 = arith.constant 16 : i32
        %mul3A_969 = arith.muli %scan3A_152, %mul3A_968 : i32
        %add3A_970 = arith.constant 7 : i32
        %add3A_971 = arith.addi %mul3A_969, %add3A_970 : i32
        %mul3A_972 = arith.constant 16 : i32
        %mul3A_973 = arith.muli %scan3A_152, %mul3A_972 : i32
        %jit3A_974 = arith.constant 64 : i32
        %eq3A_975 = arith.constant 0 : i32
        %eq3A_976 = arith.cmpi eq, %jit3A_974, %eq3A_975 : i32
        %jit3A_977 = arith.constant 1 : i32
        %select_n3A_978 = arith.select %eq3A_976, %jit3A_977, %jit3A_974 : i32
        %rem3A_979 = arith.remsi %mul3A_973, %select_n3A_978 : i32
        %ne3A_980 = arith.constant 0 : i32
        %ne3A_981 = arith.cmpi ne, %rem3A_979, %ne3A_980 : i32
        %lt3A_982 = arith.constant 0 : i32
        %lt3A_983 = arith.cmpi slt, %rem3A_979, %lt3A_982 : i32
        %lt3A_984 = arith.constant 0 : i32
        %lt3A_985 = arith.cmpi slt, %select_n3A_978, %lt3A_984 : i32
        %ne3A_986 = arith.xori %lt3A_983, %lt3A_985 : i1
        %and3A_987 = arith.andi %ne3A_986, %ne3A_981 : i1
        %add3A_988 = arith.addi %rem3A_979, %select_n3A_978 : i32
        %select_n3A_989 = arith.select %and3A_987, %add3A_988, %rem3A_979 : i32
        %add3A_990 = arith.constant 7 : i32
        %add3A_991 = arith.addi %select_n3A_989, %add3A_990 : i32
        %mul3A_992 = arith.constant 64 : i32
        %mul3A_993 = arith.muli %add3A_991, %mul3A_992 : i32
        %get3A_994 = arith.index_cast %add3A_971 : i32 to index
        %get3A_995 = arith.constant 0 : index
        %get3A_996 = tpu.vector_load %arg9[%get3A_994, %get3A_995] {strides = array<i32>} : memref<128x128xf32, #tpu.memory_space<vmem>>, vector<1x16xf32>,
        %get3A_997 = vector.shape_cast %get3A_996 : vector<1x16xf32> to vector<16xf32>
        %add3A_998 = arith.constant 0 : i32
        %add3A_999 = arith.addi %mul3A_993, %add3A_998 : i32
        %swap3A_1000 = arith.index_cast %select_n3A : i32 to index
        %swap3A_1001 = arith.index_cast %add3A_999 : i32 to index
        %swap3A_1002 = tpu.vector_load %arg11[%swap3A_1000, %swap3A_1001] {strides = array<i32>} : memref<2x4096xf32, #tpu.memory_space<vmem>>, vector<1x16xf32>,
        %swap3A_1003 = vector.shape_cast %swap3A_1002 : vector<1x16xf32> to vector<16xf32>
        %swap3A_1004 = vector.shape_cast %get3A_997 : vector<16xf32> to vector<1x16xf32>
        tpu.vector_store %arg11[%swap3A_1000, %swap3A_1001], %swap3A_1004 {strides = array<i32>} : memref<2x4096xf32, #tpu.memory_space<vmem>>, vector<1x16xf32>,
        %get3A_1005 = arith.index_cast %select_n3A : i32 to index
        %get3A_1006 = arith.index_cast %add3A_999 : i32 to index
        %get3A_1007 = tpu.vector_load %arg10[%get3A_1005, %get3A_1006] {strides = array<i32>} : memref<2x4096xf32, #tpu.memory_space<vmem>>, vector<1x16xf32>,
        %get3A_1008 = vector.shape_cast %get3A_1007 : vector<1x16xf32> to vector<16xf32>
        %sub3A_1009 = arith.subf %get3A_997, %get3A_1008 : vector<16xf32>
        %add3A_1010 = arith.addf %get3A_1008, %sub3A_1009 : vector<16xf32>
        %swap3A_1011 = arith.index_cast %select_n3A : i32 to index
        %swap3A_1012 = arith.index_cast %add3A_999 : i32 to index
        %swap3A_1013 = tpu.vector_load %arg10[%swap3A_1011, %swap3A_1012] {strides = array<i32>} : memref<2x4096xf32, #tpu.memory_space<vmem>>, vector<1x16xf32>,
        %swap3A_1014 = vector.shape_cast %swap3A_1013 : vector<1x16xf32> to vector<16xf32>
        %swap3A_1015 = vector.shape_cast %add3A_1010 : vector<16xf32> to vector<1x16xf32>
        tpu.vector_store %arg10[%swap3A_1011, %swap3A_1012], %swap3A_1015 {strides = array<i32>} : memref<2x4096xf32, #tpu.memory_space<vmem>>, vector<1x16xf32>,
        %get3A_1016 = arith.index_cast %add3A_971 : i32 to index
        %get3A_1017 = arith.constant 16 : index
        %get3A_1018 = tpu.vector_load %arg9[%get3A_1016, %get3A_1017] {strides = array<i32>} : memref<128x128xf32, #tpu.memory_space<vmem>>, vector<1x16xf32>,
        %get3A_1019 = vector.shape_cast %get3A_1018 : vector<1x16xf32> to vector<16xf32>
        %add3A_1020 = arith.constant 16 : i32
        %add3A_1021 = arith.addi %mul3A_993, %add3A_1020 : i32
        %swap3A_1022 = arith.index_cast %select_n3A : i32 to index
        %swap3A_1023 = arith.index_cast %add3A_1021 : i32 to index
        %swap3A_1024 = tpu.vector_load %arg11[%swap3A_1022, %swap3A_1023] {strides = array<i32>} : memref<2x4096xf32, #tpu.memory_space<vmem>>, vector<1x16xf32>,
        %swap3A_1025 = vector.shape_cast %swap3A_1024 : vector<1x16xf32> to vector<16xf32>
        %swap3A_1026 = vector.shape_cast %get3A_1019 : vector<16xf32> to vector<1x16xf32>
        tpu.vector_store %arg11[%swap3A_1022, %swap3A_1023], %swap3A_1026 {strides = array<i32>} : memref<2x4096xf32, #tpu.memory_space<vmem>>, vector<1x16xf32>,
        %get3A_1027 = arith.index_cast %select_n3A : i32 to index
        %get3A_1028 = arith.index_cast %add3A_1021 : i32 to index
        %get3A_1029 = tpu.vector_load %arg10[%get3A_1027, %get3A_1028] {strides = array<i32>} : memref<2x4096xf32, #tpu.memory_space<vmem>>, vector<1x16xf32>,
        %get3A_1030 = vector.shape_cast %get3A_1029 : vector<1x16xf32> to vector<16xf32>
        %sub3A_1031 = arith.subf %get3A_1019, %get3A_1030 : vector<16xf32>
        %add3A_1032 = arith.addf %get3A_1030, %sub3A_1031 : vector<16xf32>
        %swap3A_1033 = arith.index_cast %select_n3A : i32 to index
        %swap3A_1034 = arith.index_cast %add3A_1021 : i32 to index
        %swap3A_1035 = tpu.vector_load %arg10[%swap3A_1033, %swap3A_1034] {strides = array<i32>} : memref<2x4096xf32, #tpu.memory_space<vmem>>, vector<1x16xf32>,
        %swap3A_1036 = vector.shape_cast %swap3A_1035 : vector<1x16xf32> to vector<16xf32>
        %swap3A_1037 = vector.shape_cast %add3A_1032 : vector<16xf32> to vector<1x16xf32>
        tpu.vector_store %arg10[%swap3A_1033, %swap3A_1034], %swap3A_1037 {strides = array<i32>} : memref<2x4096xf32, #tpu.memory_space<vmem>>, vector<1x16xf32>,
        %get3A_1038 = arith.index_cast %add3A_971 : i32 to index
        %get3A_1039 = arith.constant 32 : index
        %get3A_1040 = tpu.vector_load %arg9[%get3A_1038, %get3A_1039] {strides = array<i32>} : memref<128x128xf32, #tpu.memory_space<vmem>>, vector<1x16xf32>,
        %get3A_1041 = vector.shape_cast %get3A_1040 : vector<1x16xf32> to vector<16xf32>
        %add3A_1042 = arith.constant 32 : i32
        %add3A_1043 = arith.addi %mul3A_993, %add3A_1042 : i32
        %swap3A_1044 = arith.index_cast %select_n3A : i32 to index
        %swap3A_1045 = arith.index_cast %add3A_1043 : i32 to index
        %swap3A_1046 = tpu.vector_load %arg11[%swap3A_1044, %swap3A_1045] {strides = array<i32>} : memref<2x4096xf32, #tpu.memory_space<vmem>>, vector<1x16xf32>,
        %swap3A_1047 = vector.shape_cast %swap3A_1046 : vector<1x16xf32> to vector<16xf32>
        %swap3A_1048 = vector.shape_cast %get3A_1041 : vector<16xf32> to vector<1x16xf32>
        tpu.vector_store %arg11[%swap3A_1044, %swap3A_1045], %swap3A_1048 {strides = array<i32>} : memref<2x4096xf32, #tpu.memory_space<vmem>>, vector<1x16xf32>,
        %get3A_1049 = arith.index_cast %select_n3A : i32 to index
        %get3A_1050 = arith.index_cast %add3A_1043 : i32 to index
        %get3A_1051 = tpu.vector_load %arg10[%get3A_1049, %get3A_1050] {strides = array<i32>} : memref<2x4096xf32, #tpu.memory_space<vmem>>, vector<1x16xf32>,
        %get3A_1052 = vector.shape_cast %get3A_1051 : vector<1x16xf32> to vector<16xf32>
        %sub3A_1053 = arith.subf %get3A_1041, %get3A_1052 : vector<16xf32>
        %add3A_1054 = arith.addf %get3A_1052, %sub3A_1053 : vector<16xf32>
        %swap3A_1055 = arith.index_cast %select_n3A : i32 to index
        %swap3A_1056 = arith.index_cast %add3A_1043 : i32 to index
        %swap3A_1057 = tpu.vector_load %arg10[%swap3A_1055, %swap3A_1056] {strides = array<i32>} : memref<2x4096xf32, #tpu.memory_space<vmem>>, vector<1x16xf32>,
        %swap3A_1058 = vector.shape_cast %swap3A_1057 : vector<1x16xf32> to vector<16xf32>
        %swap3A_1059 = vector.shape_cast %add3A_1054 : vector<16xf32> to vector<1x16xf32>
        tpu.vector_store %arg10[%swap3A_1055, %swap3A_1056], %swap3A_1059 {strides = array<i32>} : memref<2x4096xf32, #tpu.memory_space<vmem>>, vector<1x16xf32>,
        %get3A_1060 = arith.index_cast %add3A_971 : i32 to index
        %get3A_1061 = arith.constant 48 : index
        %get3A_1062 = tpu.vector_load %arg9[%get3A_1060, %get3A_1061] {strides = array<i32>} : memref<128x128xf32, #tpu.memory_space<vmem>>, vector<1x16xf32>,
        %get3A_1063 = vector.shape_cast %get3A_1062 : vector<1x16xf32> to vector<16xf32>
        %add3A_1064 = arith.constant 48 : i32
        %add3A_1065 = arith.addi %mul3A_993, %add3A_1064 : i32
        %swap3A_1066 = arith.index_cast %select_n3A : i32 to index
        %swap3A_1067 = arith.index_cast %add3A_1065 : i32 to index
        %swap3A_1068 = tpu.vector_load %arg11[%swap3A_1066, %swap3A_1067] {strides = array<i32>} : memref<2x4096xf32, #tpu.memory_space<vmem>>, vector<1x16xf32>,
        %swap3A_1069 = vector.shape_cast %swap3A_1068 : vector<1x16xf32> to vector<16xf32>
        %swap3A_1070 = vector.shape_cast %get3A_1063 : vector<16xf32> to vector<1x16xf32>
        tpu.vector_store %arg11[%swap3A_1066, %swap3A_1067], %swap3A_1070 {strides = array<i32>} : memref<2x4096xf32, #tpu.memory_space<vmem>>, vector<1x16xf32>,
        %get3A_1071 = arith.index_cast %select_n3A : i32 to index
        %get3A_1072 = arith.index_cast %add3A_1065 : i32 to index
        %get3A_1073 = tpu.vector_load %arg10[%get3A_1071, %get3A_1072] {strides = array<i32>} : memref<2x4096xf32, #tpu.memory_space<vmem>>, vector<1x16xf32>,
        %get3A_1074 = vector.shape_cast %get3A_1073 : vector<1x16xf32> to vector<16xf32>
        %sub3A_1075 = arith.subf %get3A_1063, %get3A_1074 : vector<16xf32>
        %add3A_1076 = arith.addf %get3A_1074, %sub3A_1075 : vector<16xf32>
        %swap3A_1077 = arith.index_cast %select_n3A : i32 to index
        %swap3A_1078 = arith.index_cast %add3A_1065 : i32 to index
        %swap3A_1079 = tpu.vector_load %arg10[%swap3A_1077, %swap3A_1078] {strides = array<i32>} : memref<2x4096xf32, #tpu.memory_space<vmem>>, vector<1x16xf32>,
        %swap3A_1080 = vector.shape_cast %swap3A_1079 : vector<1x16xf32> to vector<16xf32>
        %swap3A_1081 = vector.shape_cast %add3A_1076 : vector<16xf32> to vector<1x16xf32>
        tpu.vector_store %arg10[%swap3A_1077, %swap3A_1078], %swap3A_1081 {strides = array<i32>} : memref<2x4096xf32, #tpu.memory_space<vmem>>, vector<1x16xf32>,
        %mul3A_1082 = arith.constant 16 : i32
        %mul3A_1083 = arith.muli %scan3A_152, %mul3A_1082 : i32
        %add3A_1084 = arith.constant 8 : i32
        %add3A_1085 = arith.addi %mul3A_1083, %add3A_1084 : i32
        %mul3A_1086 = arith.constant 16 : i32
        %mul3A_1087 = arith.muli %scan3A_152, %mul3A_1086 : i32
        %jit3A_1088 = arith.constant 64 : i32
        %eq3A_1089 = arith.constant 0 : i32
        %eq3A_1090 = arith.cmpi eq, %jit3A_1088, %eq3A_1089 : i32
        %jit3A_1091 = arith.constant 1 : i32
        %select_n3A_1092 = arith.select %eq3A_1090, %jit3A_1091, %jit3A_1088 : i32
        %rem3A_1093 = arith.remsi %mul3A_1087, %select_n3A_1092 : i32
        %ne3A_1094 = arith.constant 0 : i32
        %ne3A_1095 = arith.cmpi ne, %rem3A_1093, %ne3A_1094 : i32
        %lt3A_1096 = arith.constant 0 : i32
        %lt3A_1097 = arith.cmpi slt, %rem3A_1093, %lt3A_1096 : i32
        %lt3A_1098 = arith.constant 0 : i32
        %lt3A_1099 = arith.cmpi slt, %select_n3A_1092, %lt3A_1098 : i32
        %ne3A_1100 = arith.xori %lt3A_1097, %lt3A_1099 : i1
        %and3A_1101 = arith.andi %ne3A_1100, %ne3A_1095 : i1
        %add3A_1102 = arith.addi %rem3A_1093, %select_n3A_1092 : i32
        %select_n3A_1103 = arith.select %and3A_1101, %add3A_1102, %rem3A_1093 : i32
        %add3A_1104 = arith.constant 8 : i32
        %add3A_1105 = arith.addi %select_n3A_1103, %add3A_1104 : i32
        %mul3A_1106 = arith.constant 64 : i32
        %mul3A_1107 = arith.muli %add3A_1105, %mul3A_1106 : i32
        %get3A_1108 = arith.index_cast %add3A_1085 : i32 to index
        %get3A_1109 = arith.constant 0 : index
        %get3A_1110 = tpu.vector_load %arg9[%get3A_1108, %get3A_1109] {strides = array<i32>} : memref<128x128xf32, #tpu.memory_space<vmem>>, vector<1x16xf32>,
        %get3A_1111 = vector.shape_cast %get3A_1110 : vector<1x16xf32> to vector<16xf32>
        %add3A_1112 = arith.constant 0 : i32
        %add3A_1113 = arith.addi %mul3A_1107, %add3A_1112 : i32
        %swap3A_1114 = arith.index_cast %select_n3A : i32 to index
        %swap3A_1115 = arith.index_cast %add3A_1113 : i32 to index
        %swap3A_1116 = tpu.vector_load %arg11[%swap3A_1114, %swap3A_1115] {strides = array<i32>} : memref<2x4096xf32, #tpu.memory_space<vmem>>, vector<1x16xf32>,
        %swap3A_1117 = vector.shape_cast %swap3A_1116 : vector<1x16xf32> to vector<16xf32>
        %swap3A_1118 = vector.shape_cast %get3A_1111 : vector<16xf32> to vector<1x16xf32>
        tpu.vector_store %arg11[%swap3A_1114, %swap3A_1115], %swap3A_1118 {strides = array<i32>} : memref<2x4096xf32, #tpu.memory_space<vmem>>, vector<1x16xf32>,
        %get3A_1119 = arith.index_cast %select_n3A : i32 to index
        %get3A_1120 = arith.index_cast %add3A_1113 : i32 to index
        %get3A_1121 = tpu.vector_load %arg10[%get3A_1119, %get3A_1120] {strides = array<i32>} : memref<2x4096xf32, #tpu.memory_space<vmem>>, vector<1x16xf32>,
        %get3A_1122 = vector.shape_cast %get3A_1121 : vector<1x16xf32> to vector<16xf32>
        %sub3A_1123 = arith.subf %get3A_1111, %get3A_1122 : vector<16xf32>
        %add3A_1124 = arith.addf %get3A_1122, %sub3A_1123 : vector<16xf32>
        %swap3A_1125 = arith.index_cast %select_n3A : i32 to index
        %swap3A_1126 = arith.index_cast %add3A_1113 : i32 to index
        %swap3A_1127 = tpu.vector_load %arg10[%swap3A_1125, %swap3A_1126] {strides = array<i32>} : memref<2x4096xf32, #tpu.memory_space<vmem>>, vector<1x16xf32>,
        %swap3A_1128 = vector.shape_cast %swap3A_1127 : vector<1x16xf32> to vector<16xf32>
        %swap3A_1129 = vector.shape_cast %add3A_1124 : vector<16xf32> to vector<1x16xf32>
        tpu.vector_store %arg10[%swap3A_1125, %swap3A_1126], %swap3A_1129 {strides = array<i32>} : memref<2x4096xf32, #tpu.memory_space<vmem>>, vector<1x16xf32>,
        %get3A_1130 = arith.index_cast %add3A_1085 : i32 to index
        %get3A_1131 = arith.constant 16 : index
        %get3A_1132 = tpu.vector_load %arg9[%get3A_1130, %get3A_1131] {strides = array<i32>} : memref<128x128xf32, #tpu.memory_space<vmem>>, vector<1x16xf32>,
        %get3A_1133 = vector.shape_cast %get3A_1132 : vector<1x16xf32> to vector<16xf32>
        %add3A_1134 = arith.constant 16 : i32
        %add3A_1135 = arith.addi %mul3A_1107, %add3A_1134 : i32
        %swap3A_1136 = arith.index_cast %select_n3A : i32 to index
        %swap3A_1137 = arith.index_cast %add3A_1135 : i32 to index
        %swap3A_1138 = tpu.vector_load %arg11[%swap3A_1136, %swap3A_1137] {strides = array<i32>} : memref<2x4096xf32, #tpu.memory_space<vmem>>, vector<1x16xf32>,
        %swap3A_1139 = vector.shape_cast %swap3A_1138 : vector<1x16xf32> to vector<16xf32>
        %swap3A_1140 = vector.shape_cast %get3A_1133 : vector<16xf32> to vector<1x16xf32>
        tpu.vector_store %arg11[%swap3A_1136, %swap3A_1137], %swap3A_1140 {strides = array<i32>} : memref<2x4096xf32, #tpu.memory_space<vmem>>, vector<1x16xf32>,
        %get3A_1141 = arith.index_cast %select_n3A : i32 to index
        %get3A_1142 = arith.index_cast %add3A_1135 : i32 to index
        %get3A_1143 = tpu.vector_load %arg10[%get3A_1141, %get3A_1142] {strides = array<i32>} : memref<2x4096xf32, #tpu.memory_space<vmem>>, vector<1x16xf32>,
        %get3A_1144 = vector.shape_cast %get3A_1143 : vector<1x16xf32> to vector<16xf32>
        %sub3A_1145 = arith.subf %get3A_1133, %get3A_1144 : vector<16xf32>
        %add3A_1146 = arith.addf %get3A_1144, %sub3A_1145 : vector<16xf32>
        %swap3A_1147 = arith.index_cast %select_n3A : i32 to index
        %swap3A_1148 = arith.index_cast %add3A_1135 : i32 to index
        %swap3A_1149 = tpu.vector_load %arg10[%swap3A_1147, %swap3A_1148] {strides = array<i32>} : memref<2x4096xf32, #tpu.memory_space<vmem>>, vector<1x16xf32>,
        %swap3A_1150 = vector.shape_cast %swap3A_1149 : vector<1x16xf32> to vector<16xf32>
        %swap3A_1151 = vector.shape_cast %add3A_1146 : vector<16xf32> to vector<1x16xf32>
        tpu.vector_store %arg10[%swap3A_1147, %swap3A_1148], %swap3A_1151 {strides = array<i32>} : memref<2x4096xf32, #tpu.memory_space<vmem>>, vector<1x16xf32>,
        %get3A_1152 = arith.index_cast %add3A_1085 : i32 to index
        %get3A_1153 = arith.constant 32 : index
        %get3A_1154 = tpu.vector_load %arg9[%get3A_1152, %get3A_1153] {strides = array<i32>} : memref<128x128xf32, #tpu.memory_space<vmem>>, vector<1x16xf32>,
        %get3A_1155 = vector.shape_cast %get3A_1154 : vector<1x16xf32> to vector<16xf32>
        %add3A_1156 = arith.constant 32 : i32
        %add3A_1157 = arith.addi %mul3A_1107, %add3A_1156 : i32
        %swap3A_1158 = arith.index_cast %select_n3A : i32 to index
        %swap3A_1159 = arith.index_cast %add3A_1157 : i32 to index
        %swap3A_1160 = tpu.vector_load %arg11[%swap3A_1158, %swap3A_1159] {strides = array<i32>} : memref<2x4096xf32, #tpu.memory_space<vmem>>, vector<1x16xf32>,
        %swap3A_1161 = vector.shape_cast %swap3A_1160 : vector<1x16xf32> to vector<16xf32>
        %swap3A_1162 = vector.shape_cast %get3A_1155 : vector<16xf32> to vector<1x16xf32>
        tpu.vector_store %arg11[%swap3A_1158, %swap3A_1159], %swap3A_1162 {strides = array<i32>} : memref<2x4096xf32, #tpu.memory_space<vmem>>, vector<1x16xf32>,
        %get3A_1163 = arith.index_cast %select_n3A : i32 to index
        %get3A_1164 = arith.index_cast %add3A_1157 : i32 to index
        %get3A_1165 = tpu.vector_load %arg10[%get3A_1163, %get3A_1164] {strides = array<i32>} : memref<2x4096xf32, #tpu.memory_space<vmem>>, vector<1x16xf32>,
        %get3A_1166 = vector.shape_cast %get3A_1165 : vector<1x16xf32> to vector<16xf32>
        %sub3A_1167 = arith.subf %get3A_1155, %get3A_1166 : vector<16xf32>
        %add3A_1168 = arith.addf %get3A_1166, %sub3A_1167 : vector<16xf32>
        %swap3A_1169 = arith.index_cast %select_n3A : i32 to index
        %swap3A_1170 = arith.index_cast %add3A_1157 : i32 to index
        %swap3A_1171 = tpu.vector_load %arg10[%swap3A_1169, %swap3A_1170] {strides = array<i32>} : memref<2x4096xf32, #tpu.memory_space<vmem>>, vector<1x16xf32>,
        %swap3A_1172 = vector.shape_cast %swap3A_1171 : vector<1x16xf32> to vector<16xf32>
        %swap3A_1173 = vector.shape_cast %add3A_1168 : vector<16xf32> to vector<1x16xf32>
        tpu.vector_store %arg10[%swap3A_1169, %swap3A_1170], %swap3A_1173 {strides = array<i32>} : memref<2x4096xf32, #tpu.memory_space<vmem>>, vector<1x16xf32>,
        %get3A_1174 = arith.index_cast %add3A_1085 : i32 to index
        %get3A_1175 = arith.constant 48 : index
        %get3A_1176 = tpu.vector_load %arg9[%get3A_1174, %get3A_1175] {strides = array<i32>} : memref<128x128xf32, #tpu.memory_space<vmem>>, vector<1x16xf32>,
        %get3A_1177 = vector.shape_cast %get3A_1176 : vector<1x16xf32> to vector<16xf32>
        %add3A_1178 = arith.constant 48 : i32
        %add3A_1179 = arith.addi %mul3A_1107, %add3A_1178 : i32
        %swap3A_1180 = arith.index_cast %select_n3A : i32 to index
        %swap3A_1181 = arith.index_cast %add3A_1179 : i32 to index
        %swap3A_1182 = tpu.vector_load %arg11[%swap3A_1180, %swap3A_1181] {strides = array<i32>} : memref<2x4096xf32, #tpu.memory_space<vmem>>, vector<1x16xf32>,
        %swap3A_1183 = vector.shape_cast %swap3A_1182 : vector<1x16xf32> to vector<16xf32>
        %swap3A_1184 = vector.shape_cast %get3A_1177 : vector<16xf32> to vector<1x16xf32>
        tpu.vector_store %arg11[%swap3A_1180, %swap3A_1181], %swap3A_1184 {strides = array<i32>} : memref<2x4096xf32, #tpu.memory_space<vmem>>, vector<1x16xf32>,
        %get3A_1185 = arith.index_cast %select_n3A : i32 to index
        %get3A_1186 = arith.index_cast %add3A_1179 : i32 to index
        %get3A_1187 = tpu.vector_load %arg10[%get3A_1185, %get3A_1186] {strides = array<i32>} : memref<2x4096xf32, #tpu.memory_space<vmem>>, vector<1x16xf32>,
        %get3A_1188 = vector.shape_cast %get3A_1187 : vector<1x16xf32> to vector<16xf32>
        %sub3A_1189 = arith.subf %get3A_1177, %get3A_1188 : vector<16xf32>
        %add3A_1190 = arith.addf %get3A_1188, %sub3A_1189 : vector<16xf32>
        %swap3A_1191 = arith.index_cast %select_n3A : i32 to index
        %swap3A_1192 = arith.index_cast %add3A_1179 : i32 to index
        %swap3A_1193 = tpu.vector_load %arg10[%swap3A_1191, %swap3A_1192] {strides = array<i32>} : memref<2x4096xf32, #tpu.memory_space<vmem>>, vector<1x16xf32>,
        %swap3A_1194 = vector.shape_cast %swap3A_1193 : vector<1x16xf32> to vector<16xf32>
        %swap3A_1195 = vector.shape_cast %add3A_1190 : vector<16xf32> to vector<1x16xf32>
        tpu.vector_store %arg10[%swap3A_1191, %swap3A_1192], %swap3A_1195 {strides = array<i32>} : memref<2x4096xf32, #tpu.memory_space<vmem>>, vector<1x16xf32>,
        %mul3A_1196 = arith.constant 16 : i32
        %mul3A_1197 = arith.muli %scan3A_152, %mul3A_1196 : i32
        %add3A_1198 = arith.constant 9 : i32
        %add3A_1199 = arith.addi %mul3A_1197, %add3A_1198 : i32
        %mul3A_1200 = arith.constant 16 : i32
        %mul3A_1201 = arith.muli %scan3A_152, %mul3A_1200 : i32
        %jit3A_1202 = arith.constant 64 : i32
        %eq3A_1203 = arith.constant 0 : i32
        %eq3A_1204 = arith.cmpi eq, %jit3A_1202, %eq3A_1203 : i32
        %jit3A_1205 = arith.constant 1 : i32
        %select_n3A_1206 = arith.select %eq3A_1204, %jit3A_1205, %jit3A_1202 : i32
        %rem3A_1207 = arith.remsi %mul3A_1201, %select_n3A_1206 : i32
        %ne3A_1208 = arith.constant 0 : i32
        %ne3A_1209 = arith.cmpi ne, %rem3A_1207, %ne3A_1208 : i32
        %lt3A_1210 = arith.constant 0 : i32
        %lt3A_1211 = arith.cmpi slt, %rem3A_1207, %lt3A_1210 : i32
        %lt3A_1212 = arith.constant 0 : i32
        %lt3A_1213 = arith.cmpi slt, %select_n3A_1206, %lt3A_1212 : i32
        %ne3A_1214 = arith.xori %lt3A_1211, %lt3A_1213 : i1
        %and3A_1215 = arith.andi %ne3A_1214, %ne3A_1209 : i1
        %add3A_1216 = arith.addi %rem3A_1207, %select_n3A_1206 : i32
        %select_n3A_1217 = arith.select %and3A_1215, %add3A_1216, %rem3A_1207 : i32
        %add3A_1218 = arith.constant 9 : i32
        %add3A_1219 = arith.addi %select_n3A_1217, %add3A_1218 : i32
        %mul3A_1220 = arith.constant 64 : i32
        %mul3A_1221 = arith.muli %add3A_1219, %mul3A_1220 : i32
        %get3A_1222 = arith.index_cast %add3A_1199 : i32 to index
        %get3A_1223 = arith.constant 0 : index
        %get3A_1224 = tpu.vector_load %arg9[%get3A_1222, %get3A_1223] {strides = array<i32>} : memref<128x128xf32, #tpu.memory_space<vmem>>, vector<1x16xf32>,
        %get3A_1225 = vector.shape_cast %get3A_1224 : vector<1x16xf32> to vector<16xf32>
        %add3A_1226 = arith.constant 0 : i32
        %add3A_1227 = arith.addi %mul3A_1221, %add3A_1226 : i32
        %swap3A_1228 = arith.index_cast %select_n3A : i32 to index
        %swap3A_1229 = arith.index_cast %add3A_1227 : i32 to index
        %swap3A_1230 = tpu.vector_load %arg11[%swap3A_1228, %swap3A_1229] {strides = array<i32>} : memref<2x4096xf32, #tpu.memory_space<vmem>>, vector<1x16xf32>,
        %swap3A_1231 = vector.shape_cast %swap3A_1230 : vector<1x16xf32> to vector<16xf32>
        %swap3A_1232 = vector.shape_cast %get3A_1225 : vector<16xf32> to vector<1x16xf32>
        tpu.vector_store %arg11[%swap3A_1228, %swap3A_1229], %swap3A_1232 {strides = array<i32>} : memref<2x4096xf32, #tpu.memory_space<vmem>>, vector<1x16xf32>,
        %get3A_1233 = arith.index_cast %select_n3A : i32 to index
        %get3A_1234 = arith.index_cast %add3A_1227 : i32 to index
        %get3A_1235 = tpu.vector_load %arg10[%get3A_1233, %get3A_1234] {strides = array<i32>} : memref<2x4096xf32, #tpu.memory_space<vmem>>, vector<1x16xf32>,
        %get3A_1236 = vector.shape_cast %get3A_1235 : vector<1x16xf32> to vector<16xf32>
        %sub3A_1237 = arith.subf %get3A_1225, %get3A_1236 : vector<16xf32>
        %add3A_1238 = arith.addf %get3A_1236, %sub3A_1237 : vector<16xf32>
        %swap3A_1239 = arith.index_cast %select_n3A : i32 to index
        %swap3A_1240 = arith.index_cast %add3A_1227 : i32 to index
        %swap3A_1241 = tpu.vector_load %arg10[%swap3A_1239, %swap3A_1240] {strides = array<i32>} : memref<2x4096xf32, #tpu.memory_space<vmem>>, vector<1x16xf32>,
        %swap3A_1242 = vector.shape_cast %swap3A_1241 : vector<1x16xf32> to vector<16xf32>
        %swap3A_1243 = vector.shape_cast %add3A_1238 : vector<16xf32> to vector<1x16xf32>
        tpu.vector_store %arg10[%swap3A_1239, %swap3A_1240], %swap3A_1243 {strides = array<i32>} : memref<2x4096xf32, #tpu.memory_space<vmem>>, vector<1x16xf32>,
        %get3A_1244 = arith.index_cast %add3A_1199 : i32 to index
        %get3A_1245 = arith.constant 16 : index
        %get3A_1246 = tpu.vector_load %arg9[%get3A_1244, %get3A_1245] {strides = array<i32>} : memref<128x128xf32, #tpu.memory_space<vmem>>, vector<1x16xf32>,
        %get3A_1247 = vector.shape_cast %get3A_1246 : vector<1x16xf32> to vector<16xf32>
        %add3A_1248 = arith.constant 16 : i32
        %add3A_1249 = arith.addi %mul3A_1221, %add3A_1248 : i32
        %swap3A_1250 = arith.index_cast %select_n3A : i32 to index
        %swap3A_1251 = arith.index_cast %add3A_1249 : i32 to index
        %swap3A_1252 = tpu.vector_load %arg11[%swap3A_1250, %swap3A_1251] {strides = array<i32>} : memref<2x4096xf32, #tpu.memory_space<vmem>>, vector<1x16xf32>,
        %swap3A_1253 = vector.shape_cast %swap3A_1252 : vector<1x16xf32> to vector<16xf32>
        %swap3A_1254 = vector.shape_cast %get3A_1247 : vector<16xf32> to vector<1x16xf32>
        tpu.vector_store %arg11[%swap3A_1250, %swap3A_1251], %swap3A_1254 {strides = array<i32>} : memref<2x4096xf32, #tpu.memory_space<vmem>>, vector<1x16xf32>,
        %get3A_1255 = arith.index_cast %select_n3A : i32 to index
        %get3A_1256 = arith.index_cast %add3A_1249 : i32 to index
        %get3A_1257 = tpu.vector_load %arg10[%get3A_1255, %get3A_1256] {strides = array<i32>} : memref<2x4096xf32, #tpu.memory_space<vmem>>, vector<1x16xf32>,
        %get3A_1258 = vector.shape_cast %get3A_1257 : vector<1x16xf32> to vector<16xf32>
        %sub3A_1259 = arith.subf %get3A_1247, %get3A_1258 : vector<16xf32>
        %add3A_1260 = arith.addf %get3A_1258, %sub3A_1259 : vector<16xf32>
        %swap3A_1261 = arith.index_cast %select_n3A : i32 to index
        %swap3A_1262 = arith.index_cast %add3A_1249 : i32 to index
        %swap3A_1263 = tpu.vector_load %arg10[%swap3A_1261, %swap3A_1262] {strides = array<i32>} : memref<2x4096xf32, #tpu.memory_space<vmem>>, vector<1x16xf32>,
        %swap3A_1264 = vector.shape_cast %swap3A_1263 : vector<1x16xf32> to vector<16xf32>
        %swap3A_1265 = vector.shape_cast %add3A_1260 : vector<16xf32> to vector<1x16xf32>
        tpu.vector_store %arg10[%swap3A_1261, %swap3A_1262], %swap3A_1265 {strides = array<i32>} : memref<2x4096xf32, #tpu.memory_space<vmem>>, vector<1x16xf32>,
        %get3A_1266 = arith.index_cast %add3A_1199 : i32 to index
        %get3A_1267 = arith.constant 32 : index
        %get3A_1268 = tpu.vector_load %arg9[%get3A_1266, %get3A_1267] {strides = array<i32>} : memref<128x128xf32, #tpu.memory_space<vmem>>, vector<1x16xf32>,
        %get3A_1269 = vector.shape_cast %get3A_1268 : vector<1x16xf32> to vector<16xf32>
        %add3A_1270 = arith.constant 32 : i32
        %add3A_1271 = arith.addi %mul3A_1221, %add3A_1270 : i32
        %swap3A_1272 = arith.index_cast %select_n3A : i32 to index
        %swap3A_1273 = arith.index_cast %add3A_1271 : i32 to index
        %swap3A_1274 = tpu.vector_load %arg11[%swap3A_1272, %swap3A_1273] {strides = array<i32>} : memref<2x4096xf32, #tpu.memory_space<vmem>>, vector<1x16xf32>,
        %swap3A_1275 = vector.shape_cast %swap3A_1274 : vector<1x16xf32> to vector<16xf32>
        %swap3A_1276 = vector.shape_cast %get3A_1269 : vector<16xf32> to vector<1x16xf32>
        tpu.vector_store %arg11[%swap3A_1272, %swap3A_1273], %swap3A_1276 {strides = array<i32>} : memref<2x4096xf32, #tpu.memory_space<vmem>>, vector<1x16xf32>,
        %get3A_1277 = arith.index_cast %select_n3A : i32 to index
        %get3A_1278 = arith.index_cast %add3A_1271 : i32 to index
        %get3A_1279 = tpu.vector_load %arg10[%get3A_1277, %get3A_1278] {strides = array<i32>} : memref<2x4096xf32, #tpu.memory_space<vmem>>, vector<1x16xf32>,
        %get3A_1280 = vector.shape_cast %get3A_1279 : vector<1x16xf32> to vector<16xf32>
        %sub3A_1281 = arith.subf %get3A_1269, %get3A_1280 : vector<16xf32>
        %add3A_1282 = arith.addf %get3A_1280, %sub3A_1281 : vector<16xf32>
        %swap3A_1283 = arith.index_cast %select_n3A : i32 to index
        %swap3A_1284 = arith.index_cast %add3A_1271 : i32 to index
        %swap3A_1285 = tpu.vector_load %arg10[%swap3A_1283, %swap3A_1284] {strides = array<i32>} : memref<2x4096xf32, #tpu.memory_space<vmem>>, vector<1x16xf32>,
        %swap3A_1286 = vector.shape_cast %swap3A_1285 : vector<1x16xf32> to vector<16xf32>
        %swap3A_1287 = vector.shape_cast %add3A_1282 : vector<16xf32> to vector<1x16xf32>
        tpu.vector_store %arg10[%swap3A_1283, %swap3A_1284], %swap3A_1287 {strides = array<i32>} : memref<2x4096xf32, #tpu.memory_space<vmem>>, vector<1x16xf32>,
        %get3A_1288 = arith.index_cast %add3A_1199 : i32 to index
        %get3A_1289 = arith.constant 48 : index
        %get3A_1290 = tpu.vector_load %arg9[%get3A_1288, %get3A_1289] {strides = array<i32>} : memref<128x128xf32, #tpu.memory_space<vmem>>, vector<1x16xf32>,
        %get3A_1291 = vector.shape_cast %get3A_1290 : vector<1x16xf32> to vector<16xf32>
        %add3A_1292 = arith.constant 48 : i32
        %add3A_1293 = arith.addi %mul3A_1221, %add3A_1292 : i32
        %swap3A_1294 = arith.index_cast %select_n3A : i32 to index
        %swap3A_1295 = arith.index_cast %add3A_1293 : i32 to index
        %swap3A_1296 = tpu.vector_load %arg11[%swap3A_1294, %swap3A_1295] {strides = array<i32>} : memref<2x4096xf32, #tpu.memory_space<vmem>>, vector<1x16xf32>,
        %swap3A_1297 = vector.shape_cast %swap3A_1296 : vector<1x16xf32> to vector<16xf32>
        %swap3A_1298 = vector.shape_cast %get3A_1291 : vector<16xf32> to vector<1x16xf32>
        tpu.vector_store %arg11[%swap3A_1294, %swap3A_1295], %swap3A_1298 {strides = array<i32>} : memref<2x4096xf32, #tpu.memory_space<vmem>>, vector<1x16xf32>,
        %get3A_1299 = arith.index_cast %select_n3A : i32 to index
        %get3A_1300 = arith.index_cast %add3A_1293 : i32 to index
        %get3A_1301 = tpu.vector_load %arg10[%get3A_1299, %get3A_1300] {strides = array<i32>} : memref<2x4096xf32, #tpu.memory_space<vmem>>, vector<1x16xf32>,
        %get3A_1302 = vector.shape_cast %get3A_1301 : vector<1x16xf32> to vector<16xf32>
        %sub3A_1303 = arith.subf %get3A_1291, %get3A_1302 : vector<16xf32>
        %add3A_1304 = arith.addf %get3A_1302, %sub3A_1303 : vector<16xf32>
        %swap3A_1305 = arith.index_cast %select_n3A : i32 to index
        %swap3A_1306 = arith.index_cast %add3A_1293 : i32 to index
        %swap3A_1307 = tpu.vector_load %arg10[%swap3A_1305, %swap3A_1306] {strides = array<i32>} : memref<2x4096xf32, #tpu.memory_space<vmem>>, vector<1x16xf32>,
        %swap3A_1308 = vector.shape_cast %swap3A_1307 : vector<1x16xf32> to vector<16xf32>
        %swap3A_1309 = vector.shape_cast %add3A_1304 : vector<16xf32> to vector<1x16xf32>
        tpu.vector_store %arg10[%swap3A_1305, %swap3A_1306], %swap3A_1309 {strides = array<i32>} : memref<2x4096xf32, #tpu.memory_space<vmem>>, vector<1x16xf32>,
        %mul3A_1310 = arith.constant 16 : i32
        %mul3A_1311 = arith.muli %scan3A_152, %mul3A_1310 : i32
        %add3A_1312 = arith.constant 10 : i32
        %add3A_1313 = arith.addi %mul3A_1311, %add3A_1312 : i32
        %mul3A_1314 = arith.constant 16 : i32
        %mul3A_1315 = arith.muli %scan3A_152, %mul3A_1314 : i32
        %jit3A_1316 = arith.constant 64 : i32
        %eq3A_1317 = arith.constant 0 : i32
        %eq3A_1318 = arith.cmpi eq, %jit3A_1316, %eq3A_1317 : i32
        %jit3A_1319 = arith.constant 1 : i32
        %select_n3A_1320 = arith.select %eq3A_1318, %jit3A_1319, %jit3A_1316 : i32
        %rem3A_1321 = arith.remsi %mul3A_1315, %select_n3A_1320 : i32
        %ne3A_1322 = arith.constant 0 : i32
        %ne3A_1323 = arith.cmpi ne, %rem3A_1321, %ne3A_1322 : i32
        %lt3A_1324 = arith.constant 0 : i32
        %lt3A_1325 = arith.cmpi slt, %rem3A_1321, %lt3A_1324 : i32
        %lt3A_1326 = arith.constant 0 : i32
        %lt3A_1327 = arith.cmpi slt, %select_n3A_1320, %lt3A_1326 : i32
        %ne3A_1328 = arith.xori %lt3A_1325, %lt3A_1327 : i1
        %and3A_1329 = arith.andi %ne3A_1328, %ne3A_1323 : i1
        %add3A_1330 = arith.addi %rem3A_1321, %select_n3A_1320 : i32
        %select_n3A_1331 = arith.select %and3A_1329, %add3A_1330, %rem3A_1321 : i32
        %add3A_1332 = arith.constant 10 : i32
        %add3A_1333 = arith.addi %select_n3A_1331, %add3A_1332 : i32
        %mul3A_1334 = arith.constant 64 : i32
        %mul3A_1335 = arith.muli %add3A_1333, %mul3A_1334 : i32
        %get3A_1336 = arith.index_cast %add3A_1313 : i32 to index
        %get3A_1337 = arith.constant 0 : index
        %get3A_1338 = tpu.vector_load %arg9[%get3A_1336, %get3A_1337] {strides = array<i32>} : memref<128x128xf32, #tpu.memory_space<vmem>>, vector<1x16xf32>,
        %get3A_1339 = vector.shape_cast %get3A_1338 : vector<1x16xf32> to vector<16xf32>
        %add3A_1340 = arith.constant 0 : i32
        %add3A_1341 = arith.addi %mul3A_1335, %add3A_1340 : i32
        %swap3A_1342 = arith.index_cast %select_n3A : i32 to index
        %swap3A_1343 = arith.index_cast %add3A_1341 : i32 to index
        %swap3A_1344 = tpu.vector_load %arg11[%swap3A_1342, %swap3A_1343] {strides = array<i32>} : memref<2x4096xf32, #tpu.memory_space<vmem>>, vector<1x16xf32>,
        %swap3A_1345 = vector.shape_cast %swap3A_1344 : vector<1x16xf32> to vector<16xf32>
        %swap3A_1346 = vector.shape_cast %get3A_1339 : vector<16xf32> to vector<1x16xf32>
        tpu.vector_store %arg11[%swap3A_1342, %swap3A_1343], %swap3A_1346 {strides = array<i32>} : memref<2x4096xf32, #tpu.memory_space<vmem>>, vector<1x16xf32>,
        %get3A_1347 = arith.index_cast %select_n3A : i32 to index
        %get3A_1348 = arith.index_cast %add3A_1341 : i32 to index
        %get3A_1349 = tpu.vector_load %arg10[%get3A_1347, %get3A_1348] {strides = array<i32>} : memref<2x4096xf32, #tpu.memory_space<vmem>>, vector<1x16xf32>,
        %get3A_1350 = vector.shape_cast %get3A_1349 : vector<1x16xf32> to vector<16xf32>
        %sub3A_1351 = arith.subf %get3A_1339, %get3A_1350 : vector<16xf32>
        %add3A_1352 = arith.addf %get3A_1350, %sub3A_1351 : vector<16xf32>
        %swap3A_1353 = arith.index_cast %select_n3A : i32 to index
        %swap3A_1354 = arith.index_cast %add3A_1341 : i32 to index
        %swap3A_1355 = tpu.vector_load %arg10[%swap3A_1353, %swap3A_1354] {strides = array<i32>} : memref<2x4096xf32, #tpu.memory_space<vmem>>, vector<1x16xf32>,
        %swap3A_1356 = vector.shape_cast %swap3A_1355 : vector<1x16xf32> to vector<16xf32>
        %swap3A_1357 = vector.shape_cast %add3A_1352 : vector<16xf32> to vector<1x16xf32>
        tpu.vector_store %arg10[%swap3A_1353, %swap3A_1354], %swap3A_1357 {strides = array<i32>} : memref<2x4096xf32, #tpu.memory_space<vmem>>, vector<1x16xf32>,
        %get3A_1358 = arith.index_cast %add3A_1313 : i32 to index
        %get3A_1359 = arith.constant 16 : index
        %get3A_1360 = tpu.vector_load %arg9[%get3A_1358, %get3A_1359] {strides = array<i32>} : memref<128x128xf32, #tpu.memory_space<vmem>>, vector<1x16xf32>,
        %get3A_1361 = vector.shape_cast %get3A_1360 : vector<1x16xf32> to vector<16xf32>
        %add3A_1362 = arith.constant 16 : i32
        %add3A_1363 = arith.addi %mul3A_1335, %add3A_1362 : i32
        %swap3A_1364 = arith.index_cast %select_n3A : i32 to index
        %swap3A_1365 = arith.index_cast %add3A_1363 : i32 to index
        %swap3A_1366 = tpu.vector_load %arg11[%swap3A_1364, %swap3A_1365] {strides = array<i32>} : memref<2x4096xf32, #tpu.memory_space<vmem>>, vector<1x16xf32>,
        %swap3A_1367 = vector.shape_cast %swap3A_1366 : vector<1x16xf32> to vector<16xf32>
        %swap3A_1368 = vector.shape_cast %get3A_1361 : vector<16xf32> to vector<1x16xf32>
        tpu.vector_store %arg11[%swap3A_1364, %swap3A_1365], %swap3A_1368 {strides = array<i32>} : memref<2x4096xf32, #tpu.memory_space<vmem>>, vector<1x16xf32>,
        %get3A_1369 = arith.index_cast %select_n3A : i32 to index
        %get3A_1370 = arith.index_cast %add3A_1363 : i32 to index
        %get3A_1371 = tpu.vector_load %arg10[%get3A_1369, %get3A_1370] {strides = array<i32>} : memref<2x4096xf32, #tpu.memory_space<vmem>>, vector<1x16xf32>,
        %get3A_1372 = vector.shape_cast %get3A_1371 : vector<1x16xf32> to vector<16xf32>
        %sub3A_1373 = arith.subf %get3A_1361, %get3A_1372 : vector<16xf32>
        %add3A_1374 = arith.addf %get3A_1372, %sub3A_1373 : vector<16xf32>
        %swap3A_1375 = arith.index_cast %select_n3A : i32 to index
        %swap3A_1376 = arith.index_cast %add3A_1363 : i32 to index
        %swap3A_1377 = tpu.vector_load %arg10[%swap3A_1375, %swap3A_1376] {strides = array<i32>} : memref<2x4096xf32, #tpu.memory_space<vmem>>, vector<1x16xf32>,
        %swap3A_1378 = vector.shape_cast %swap3A_1377 : vector<1x16xf32> to vector<16xf32>
        %swap3A_1379 = vector.shape_cast %add3A_1374 : vector<16xf32> to vector<1x16xf32>
        tpu.vector_store %arg10[%swap3A_1375, %swap3A_1376], %swap3A_1379 {strides = array<i32>} : memref<2x4096xf32, #tpu.memory_space<vmem>>, vector<1x16xf32>,
        %get3A_1380 = arith.index_cast %add3A_1313 : i32 to index
        %get3A_1381 = arith.constant 32 : index
        %get3A_1382 = tpu.vector_load %arg9[%get3A_1380, %get3A_1381] {strides = array<i32>} : memref<128x128xf32, #tpu.memory_space<vmem>>, vector<1x16xf32>,
        %get3A_1383 = vector.shape_cast %get3A_1382 : vector<1x16xf32> to vector<16xf32>
        %add3A_1384 = arith.constant 32 : i32
        %add3A_1385 = arith.addi %mul3A_1335, %add3A_1384 : i32
        %swap3A_1386 = arith.index_cast %select_n3A : i32 to index
        %swap3A_1387 = arith.index_cast %add3A_1385 : i32 to index
        %swap3A_1388 = tpu.vector_load %arg11[%swap3A_1386, %swap3A_1387] {strides = array<i32>} : memref<2x4096xf32, #tpu.memory_space<vmem>>, vector<1x16xf32>,
        %swap3A_1389 = vector.shape_cast %swap3A_1388 : vector<1x16xf32> to vector<16xf32>
        %swap3A_1390 = vector.shape_cast %get3A_1383 : vector<16xf32> to vector<1x16xf32>
        tpu.vector_store %arg11[%swap3A_1386, %swap3A_1387], %swap3A_1390 {strides = array<i32>} : memref<2x4096xf32, #tpu.memory_space<vmem>>, vector<1x16xf32>,
        %get3A_1391 = arith.index_cast %select_n3A : i32 to index
        %get3A_1392 = arith.index_cast %add3A_1385 : i32 to index
        %get3A_1393 = tpu.vector_load %arg10[%get3A_1391, %get3A_1392] {strides = array<i32>} : memref<2x4096xf32, #tpu.memory_space<vmem>>, vector<1x16xf32>,
        %get3A_1394 = vector.shape_cast %get3A_1393 : vector<1x16xf32> to vector<16xf32>
        %sub3A_1395 = arith.subf %get3A_1383, %get3A_1394 : vector<16xf32>
        %add3A_1396 = arith.addf %get3A_1394, %sub3A_1395 : vector<16xf32>
        %swap3A_1397 = arith.index_cast %select_n3A : i32 to index
        %swap3A_1398 = arith.index_cast %add3A_1385 : i32 to index
        %swap3A_1399 = tpu.vector_load %arg10[%swap3A_1397, %swap3A_1398] {strides = array<i32>} : memref<2x4096xf32, #tpu.memory_space<vmem>>, vector<1x16xf32>,
        %swap3A_1400 = vector.shape_cast %swap3A_1399 : vector<1x16xf32> to vector<16xf32>
        %swap3A_1401 = vector.shape_cast %add3A_1396 : vector<16xf32> to vector<1x16xf32>
        tpu.vector_store %arg10[%swap3A_1397, %swap3A_1398], %swap3A_1401 {strides = array<i32>} : memref<2x4096xf32, #tpu.memory_space<vmem>>, vector<1x16xf32>,
        %get3A_1402 = arith.index_cast %add3A_1313 : i32 to index
        %get3A_1403 = arith.constant 48 : index
        %get3A_1404 = tpu.vector_load %arg9[%get3A_1402, %get3A_1403] {strides = array<i32>} : memref<128x128xf32, #tpu.memory_space<vmem>>, vector<1x16xf32>,
        %get3A_1405 = vector.shape_cast %get3A_1404 : vector<1x16xf32> to vector<16xf32>
        %add3A_1406 = arith.constant 48 : i32
        %add3A_1407 = arith.addi %mul3A_1335, %add3A_1406 : i32
        %swap3A_1408 = arith.index_cast %select_n3A : i32 to index
        %swap3A_1409 = arith.index_cast %add3A_1407 : i32 to index
        %swap3A_1410 = tpu.vector_load %arg11[%swap3A_1408, %swap3A_1409] {strides = array<i32>} : memref<2x4096xf32, #tpu.memory_space<vmem>>, vector<1x16xf32>,
        %swap3A_1411 = vector.shape_cast %swap3A_1410 : vector<1x16xf32> to vector<16xf32>
        %swap3A_1412 = vector.shape_cast %get3A_1405 : vector<16xf32> to vector<1x16xf32>
        tpu.vector_store %arg11[%swap3A_1408, %swap3A_1409], %swap3A_1412 {strides = array<i32>} : memref<2x4096xf32, #tpu.memory_space<vmem>>, vector<1x16xf32>,
        %get3A_1413 = arith.index_cast %select_n3A : i32 to index
        %get3A_1414 = arith.index_cast %add3A_1407 : i32 to index
        %get3A_1415 = tpu.vector_load %arg10[%get3A_1413, %get3A_1414] {strides = array<i32>} : memref<2x4096xf32, #tpu.memory_space<vmem>>, vector<1x16xf32>,
        %get3A_1416 = vector.shape_cast %get3A_1415 : vector<1x16xf32> to vector<16xf32>
        %sub3A_1417 = arith.subf %get3A_1405, %get3A_1416 : vector<16xf32>
        %add3A_1418 = arith.addf %get3A_1416, %sub3A_1417 : vector<16xf32>
        %swap3A_1419 = arith.index_cast %select_n3A : i32 to index
        %swap3A_1420 = arith.index_cast %add3A_1407 : i32 to index
        %swap3A_1421 = tpu.vector_load %arg10[%swap3A_1419, %swap3A_1420] {strides = array<i32>} : memref<2x4096xf32, #tpu.memory_space<vmem>>, vector<1x16xf32>,
        %swap3A_1422 = vector.shape_cast %swap3A_1421 : vector<1x16xf32> to vector<16xf32>
        %swap3A_1423 = vector.shape_cast %add3A_1418 : vector<16xf32> to vector<1x16xf32>
        tpu.vector_store %arg10[%swap3A_1419, %swap3A_1420], %swap3A_1423 {strides = array<i32>} : memref<2x4096xf32, #tpu.memory_space<vmem>>, vector<1x16xf32>,
        %mul3A_1424 = arith.constant 16 : i32
        %mul3A_1425 = arith.muli %scan3A_152, %mul3A_1424 : i32
        %add3A_1426 = arith.constant 11 : i32
        %add3A_1427 = arith.addi %mul3A_1425, %add3A_1426 : i32
        %mul3A_1428 = arith.constant 16 : i32
        %mul3A_1429 = arith.muli %scan3A_152, %mul3A_1428 : i32
        %jit3A_1430 = arith.constant 64 : i32
        %eq3A_1431 = arith.constant 0 : i32
        %eq3A_1432 = arith.cmpi eq, %jit3A_1430, %eq3A_1431 : i32
        %jit3A_1433 = arith.constant 1 : i32
        %select_n3A_1434 = arith.select %eq3A_1432, %jit3A_1433, %jit3A_1430 : i32
        %rem3A_1435 = arith.remsi %mul3A_1429, %select_n3A_1434 : i32
        %ne3A_1436 = arith.constant 0 : i32
        %ne3A_1437 = arith.cmpi ne, %rem3A_1435, %ne3A_1436 : i32
        %lt3A_1438 = arith.constant 0 : i32
        %lt3A_1439 = arith.cmpi slt, %rem3A_1435, %lt3A_1438 : i32
        %lt3A_1440 = arith.constant 0 : i32
        %lt3A_1441 = arith.cmpi slt, %select_n3A_1434, %lt3A_1440 : i32
        %ne3A_1442 = arith.xori %lt3A_1439, %lt3A_1441 : i1
        %and3A_1443 = arith.andi %ne3A_1442, %ne3A_1437 : i1
        %add3A_1444 = arith.addi %rem3A_1435, %select_n3A_1434 : i32
        %select_n3A_1445 = arith.select %and3A_1443, %add3A_1444, %rem3A_1435 : i32
        %add3A_1446 = arith.constant 11 : i32
        %add3A_1447 = arith.addi %select_n3A_1445, %add3A_1446 : i32
        %mul3A_1448 = arith.constant 64 : i32
        %mul3A_1449 = arith.muli %add3A_1447, %mul3A_1448 : i32
        %get3A_1450 = arith.index_cast %add3A_1427 : i32 to index
        %get3A_1451 = arith.constant 0 : index
        %get3A_1452 = tpu.vector_load %arg9[%get3A_1450, %get3A_1451] {strides = array<i32>} : memref<128x128xf32, #tpu.memory_space<vmem>>, vector<1x16xf32>,
        %get3A_1453 = vector.shape_cast %get3A_1452 : vector<1x16xf32> to vector<16xf32>
        %add3A_1454 = arith.constant 0 : i32
        %add3A_1455 = arith.addi %mul3A_1449, %add3A_1454 : i32
        %swap3A_1456 = arith.index_cast %select_n3A : i32 to index
        %swap3A_1457 = arith.index_cast %add3A_1455 : i32 to index
        %swap3A_1458 = tpu.vector_load %arg11[%swap3A_1456, %swap3A_1457] {strides = array<i32>} : memref<2x4096xf32, #tpu.memory_space<vmem>>, vector<1x16xf32>,
        %swap3A_1459 = vector.shape_cast %swap3A_1458 : vector<1x16xf32> to vector<16xf32>
        %swap3A_1460 = vector.shape_cast %get3A_1453 : vector<16xf32> to vector<1x16xf32>
        tpu.vector_store %arg11[%swap3A_1456, %swap3A_1457], %swap3A_1460 {strides = array<i32>} : memref<2x4096xf32, #tpu.memory_space<vmem>>, vector<1x16xf32>,
        %get3A_1461 = arith.index_cast %select_n3A : i32 to index
        %get3A_1462 = arith.index_cast %add3A_1455 : i32 to index
        %get3A_1463 = tpu.vector_load %arg10[%get3A_1461, %get3A_1462] {strides = array<i32>} : memref<2x4096xf32, #tpu.memory_space<vmem>>, vector<1x16xf32>,
        %get3A_1464 = vector.shape_cast %get3A_1463 : vector<1x16xf32> to vector<16xf32>
        %sub3A_1465 = arith.subf %get3A_1453, %get3A_1464 : vector<16xf32>
        %add3A_1466 = arith.addf %get3A_1464, %sub3A_1465 : vector<16xf32>
        %swap3A_1467 = arith.index_cast %select_n3A : i32 to index
        %swap3A_1468 = arith.index_cast %add3A_1455 : i32 to index
        %swap3A_1469 = tpu.vector_load %arg10[%swap3A_1467, %swap3A_1468] {strides = array<i32>} : memref<2x4096xf32, #tpu.memory_space<vmem>>, vector<1x16xf32>,
        %swap3A_1470 = vector.shape_cast %swap3A_1469 : vector<1x16xf32> to vector<16xf32>
        %swap3A_1471 = vector.shape_cast %add3A_1466 : vector<16xf32> to vector<1x16xf32>
        tpu.vector_store %arg10[%swap3A_1467, %swap3A_1468], %swap3A_1471 {strides = array<i32>} : memref<2x4096xf32, #tpu.memory_space<vmem>>, vector<1x16xf32>,
        %get3A_1472 = arith.index_cast %add3A_1427 : i32 to index
        %get3A_1473 = arith.constant 16 : index
        %get3A_1474 = tpu.vector_load %arg9[%get3A_1472, %get3A_1473] {strides = array<i32>} : memref<128x128xf32, #tpu.memory_space<vmem>>, vector<1x16xf32>,
        %get3A_1475 = vector.shape_cast %get3A_1474 : vector<1x16xf32> to vector<16xf32>
        %add3A_1476 = arith.constant 16 : i32
        %add3A_1477 = arith.addi %mul3A_1449, %add3A_1476 : i32
        %swap3A_1478 = arith.index_cast %select_n3A : i32 to index
        %swap3A_1479 = arith.index_cast %add3A_1477 : i32 to index
        %swap3A_1480 = tpu.vector_load %arg11[%swap3A_1478, %swap3A_1479] {strides = array<i32>} : memref<2x4096xf32, #tpu.memory_space<vmem>>, vector<1x16xf32>,
        %swap3A_1481 = vector.shape_cast %swap3A_1480 : vector<1x16xf32> to vector<16xf32>
        %swap3A_1482 = vector.shape_cast %get3A_1475 : vector<16xf32> to vector<1x16xf32>
        tpu.vector_store %arg11[%swap3A_1478, %swap3A_1479], %swap3A_1482 {strides = array<i32>} : memref<2x4096xf32, #tpu.memory_space<vmem>>, vector<1x16xf32>,
        %get3A_1483 = arith.index_cast %select_n3A : i32 to index
        %get3A_1484 = arith.index_cast %add3A_1477 : i32 to index
        %get3A_1485 = tpu.vector_load %arg10[%get3A_1483, %get3A_1484] {strides = array<i32>} : memref<2x4096xf32, #tpu.memory_space<vmem>>, vector<1x16xf32>,
        %get3A_1486 = vector.shape_cast %get3A_1485 : vector<1x16xf32> to vector<16xf32>
        %sub3A_1487 = arith.subf %get3A_1475, %get3A_1486 : vector<16xf32>
        %add3A_1488 = arith.addf %get3A_1486, %sub3A_1487 : vector<16xf32>
        %swap3A_1489 = arith.index_cast %select_n3A : i32 to index
        %swap3A_1490 = arith.index_cast %add3A_1477 : i32 to index
        %swap3A_1491 = tpu.vector_load %arg10[%swap3A_1489, %swap3A_1490] {strides = array<i32>} : memref<2x4096xf32, #tpu.memory_space<vmem>>, vector<1x16xf32>,
        %swap3A_1492 = vector.shape_cast %swap3A_1491 : vector<1x16xf32> to vector<16xf32>
        %swap3A_1493 = vector.shape_cast %add3A_1488 : vector<16xf32> to vector<1x16xf32>
        tpu.vector_store %arg10[%swap3A_1489, %swap3A_1490], %swap3A_1493 {strides = array<i32>} : memref<2x4096xf32, #tpu.memory_space<vmem>>, vector<1x16xf32>,
        %get3A_1494 = arith.index_cast %add3A_1427 : i32 to index
        %get3A_1495 = arith.constant 32 : index
        %get3A_1496 = tpu.vector_load %arg9[%get3A_1494, %get3A_1495] {strides = array<i32>} : memref<128x128xf32, #tpu.memory_space<vmem>>, vector<1x16xf32>,
        %get3A_1497 = vector.shape_cast %get3A_1496 : vector<1x16xf32> to vector<16xf32>
        %add3A_1498 = arith.constant 32 : i32
        %add3A_1499 = arith.addi %mul3A_1449, %add3A_1498 : i32
        %swap3A_1500 = arith.index_cast %select_n3A : i32 to index
        %swap3A_1501 = arith.index_cast %add3A_1499 : i32 to index
        %swap3A_1502 = tpu.vector_load %arg11[%swap3A_1500, %swap3A_1501] {strides = array<i32>} : memref<2x4096xf32, #tpu.memory_space<vmem>>, vector<1x16xf32>,
        %swap3A_1503 = vector.shape_cast %swap3A_1502 : vector<1x16xf32> to vector<16xf32>
        %swap3A_1504 = vector.shape_cast %get3A_1497 : vector<16xf32> to vector<1x16xf32>
        tpu.vector_store %arg11[%swap3A_1500, %swap3A_1501], %swap3A_1504 {strides = array<i32>} : memref<2x4096xf32, #tpu.memory_space<vmem>>, vector<1x16xf32>,
        %get3A_1505 = arith.index_cast %select_n3A : i32 to index
        %get3A_1506 = arith.index_cast %add3A_1499 : i32 to index
        %get3A_1507 = tpu.vector_load %arg10[%get3A_1505, %get3A_1506] {strides = array<i32>} : memref<2x4096xf32, #tpu.memory_space<vmem>>, vector<1x16xf32>,
        %get3A_1508 = vector.shape_cast %get3A_1507 : vector<1x16xf32> to vector<16xf32>
        %sub3A_1509 = arith.subf %get3A_1497, %get3A_1508 : vector<16xf32>
        %add3A_1510 = arith.addf %get3A_1508, %sub3A_1509 : vector<16xf32>
        %swap3A_1511 = arith.index_cast %select_n3A : i32 to index
        %swap3A_1512 = arith.index_cast %add3A_1499 : i32 to index
        %swap3A_1513 = tpu.vector_load %arg10[%swap3A_1511, %swap3A_1512] {strides = array<i32>} : memref<2x4096xf32, #tpu.memory_space<vmem>>, vector<1x16xf32>,
        %swap3A_1514 = vector.shape_cast %swap3A_1513 : vector<1x16xf32> to vector<16xf32>
        %swap3A_1515 = vector.shape_cast %add3A_1510 : vector<16xf32> to vector<1x16xf32>
        tpu.vector_store %arg10[%swap3A_1511, %swap3A_1512], %swap3A_1515 {strides = array<i32>} : memref<2x4096xf32, #tpu.memory_space<vmem>>, vector<1x16xf32>,
        %get3A_1516 = arith.index_cast %add3A_1427 : i32 to index
        %get3A_1517 = arith.constant 48 : index
        %get3A_1518 = tpu.vector_load %arg9[%get3A_1516, %get3A_1517] {strides = array<i32>} : memref<128x128xf32, #tpu.memory_space<vmem>>, vector<1x16xf32>,
        %get3A_1519 = vector.shape_cast %get3A_1518 : vector<1x16xf32> to vector<16xf32>
        %add3A_1520 = arith.constant 48 : i32
        %add3A_1521 = arith.addi %mul3A_1449, %add3A_1520 : i32
        %swap3A_1522 = arith.index_cast %select_n3A : i32 to index
        %swap3A_1523 = arith.index_cast %add3A_1521 : i32 to index
        %swap3A_1524 = tpu.vector_load %arg11[%swap3A_1522, %swap3A_1523] {strides = array<i32>} : memref<2x4096xf32, #tpu.memory_space<vmem>>, vector<1x16xf32>,
        %swap3A_1525 = vector.shape_cast %swap3A_1524 : vector<1x16xf32> to vector<16xf32>
        %swap3A_1526 = vector.shape_cast %get3A_1519 : vector<16xf32> to vector<1x16xf32>
        tpu.vector_store %arg11[%swap3A_1522, %swap3A_1523], %swap3A_1526 {strides = array<i32>} : memref<2x4096xf32, #tpu.memory_space<vmem>>, vector<1x16xf32>,
        %get3A_1527 = arith.index_cast %select_n3A : i32 to index
        %get3A_1528 = arith.index_cast %add3A_1521 : i32 to index
        %get3A_1529 = tpu.vector_load %arg10[%get3A_1527, %get3A_1528] {strides = array<i32>} : memref<2x4096xf32, #tpu.memory_space<vmem>>, vector<1x16xf32>,
        %get3A_1530 = vector.shape_cast %get3A_1529 : vector<1x16xf32> to vector<16xf32>
        %sub3A_1531 = arith.subf %get3A_1519, %get3A_1530 : vector<16xf32>
        %add3A_1532 = arith.addf %get3A_1530, %sub3A_1531 : vector<16xf32>
        %swap3A_1533 = arith.index_cast %select_n3A : i32 to index
        %swap3A_1534 = arith.index_cast %add3A_1521 : i32 to index
        %swap3A_1535 = tpu.vector_load %arg10[%swap3A_1533, %swap3A_1534] {strides = array<i32>} : memref<2x4096xf32, #tpu.memory_space<vmem>>, vector<1x16xf32>,
        %swap3A_1536 = vector.shape_cast %swap3A_1535 : vector<1x16xf32> to vector<16xf32>
        %swap3A_1537 = vector.shape_cast %add3A_1532 : vector<16xf32> to vector<1x16xf32>
        tpu.vector_store %arg10[%swap3A_1533, %swap3A_1534], %swap3A_1537 {strides = array<i32>} : memref<2x4096xf32, #tpu.memory_space<vmem>>, vector<1x16xf32>,
        %mul3A_1538 = arith.constant 16 : i32
        %mul3A_1539 = arith.muli %scan3A_152, %mul3A_1538 : i32
        %add3A_1540 = arith.constant 12 : i32
        %add3A_1541 = arith.addi %mul3A_1539, %add3A_1540 : i32
        %mul3A_1542 = arith.constant 16 : i32
        %mul3A_1543 = arith.muli %scan3A_152, %mul3A_1542 : i32
        %jit3A_1544 = arith.constant 64 : i32
        %eq3A_1545 = arith.constant 0 : i32
        %eq3A_1546 = arith.cmpi eq, %jit3A_1544, %eq3A_1545 : i32
        %jit3A_1547 = arith.constant 1 : i32
        %select_n3A_1548 = arith.select %eq3A_1546, %jit3A_1547, %jit3A_1544 : i32
        %rem3A_1549 = arith.remsi %mul3A_1543, %select_n3A_1548 : i32
        %ne3A_1550 = arith.constant 0 : i32
        %ne3A_1551 = arith.cmpi ne, %rem3A_1549, %ne3A_1550 : i32
        %lt3A_1552 = arith.constant 0 : i32
        %lt3A_1553 = arith.cmpi slt, %rem3A_1549, %lt3A_1552 : i32
        %lt3A_1554 = arith.constant 0 : i32
        %lt3A_1555 = arith.cmpi slt, %select_n3A_1548, %lt3A_1554 : i32
        %ne3A_1556 = arith.xori %lt3A_1553, %lt3A_1555 : i1
        %and3A_1557 = arith.andi %ne3A_1556, %ne3A_1551 : i1
        %add3A_1558 = arith.addi %rem3A_1549, %select_n3A_1548 : i32
        %select_n3A_1559 = arith.select %and3A_1557, %add3A_1558, %rem3A_1549 : i32
        %add3A_1560 = arith.constant 12 : i32
        %add3A_1561 = arith.addi %select_n3A_1559, %add3A_1560 : i32
        %mul3A_1562 = arith.constant 64 : i32
        %mul3A_1563 = arith.muli %add3A_1561, %mul3A_1562 : i32
        %get3A_1564 = arith.index_cast %add3A_1541 : i32 to index
        %get3A_1565 = arith.constant 0 : index
        %get3A_1566 = tpu.vector_load %arg9[%get3A_1564, %get3A_1565] {strides = array<i32>} : memref<128x128xf32, #tpu.memory_space<vmem>>, vector<1x16xf32>,
        %get3A_1567 = vector.shape_cast %get3A_1566 : vector<1x16xf32> to vector<16xf32>
        %add3A_1568 = arith.constant 0 : i32
        %add3A_1569 = arith.addi %mul3A_1563, %add3A_1568 : i32
        %swap3A_1570 = arith.index_cast %select_n3A : i32 to index
        %swap3A_1571 = arith.index_cast %add3A_1569 : i32 to index
        %swap3A_1572 = tpu.vector_load %arg11[%swap3A_1570, %swap3A_1571] {strides = array<i32>} : memref<2x4096xf32, #tpu.memory_space<vmem>>, vector<1x16xf32>,
        %swap3A_1573 = vector.shape_cast %swap3A_1572 : vector<1x16xf32> to vector<16xf32>
        %swap3A_1574 = vector.shape_cast %get3A_1567 : vector<16xf32> to vector<1x16xf32>
        tpu.vector_store %arg11[%swap3A_1570, %swap3A_1571], %swap3A_1574 {strides = array<i32>} : memref<2x4096xf32, #tpu.memory_space<vmem>>, vector<1x16xf32>,
        %get3A_1575 = arith.index_cast %select_n3A : i32 to index
        %get3A_1576 = arith.index_cast %add3A_1569 : i32 to index
        %get3A_1577 = tpu.vector_load %arg10[%get3A_1575, %get3A_1576] {strides = array<i32>} : memref<2x4096xf32, #tpu.memory_space<vmem>>, vector<1x16xf32>,
        %get3A_1578 = vector.shape_cast %get3A_1577 : vector<1x16xf32> to vector<16xf32>
        %sub3A_1579 = arith.subf %get3A_1567, %get3A_1578 : vector<16xf32>
        %add3A_1580 = arith.addf %get3A_1578, %sub3A_1579 : vector<16xf32>
        %swap3A_1581 = arith.index_cast %select_n3A : i32 to index
        %swap3A_1582 = arith.index_cast %add3A_1569 : i32 to index
        %swap3A_1583 = tpu.vector_load %arg10[%swap3A_1581, %swap3A_1582] {strides = array<i32>} : memref<2x4096xf32, #tpu.memory_space<vmem>>, vector<1x16xf32>,
        %swap3A_1584 = vector.shape_cast %swap3A_1583 : vector<1x16xf32> to vector<16xf32>
        %swap3A_1585 = vector.shape_cast %add3A_1580 : vector<16xf32> to vector<1x16xf32>
        tpu.vector_store %arg10[%swap3A_1581, %swap3A_1582], %swap3A_1585 {strides = array<i32>} : memref<2x4096xf32, #tpu.memory_space<vmem>>, vector<1x16xf32>,
        %get3A_1586 = arith.index_cast %add3A_1541 : i32 to index
        %get3A_1587 = arith.constant 16 : index
        %get3A_1588 = tpu.vector_load %arg9[%get3A_1586, %get3A_1587] {strides = array<i32>} : memref<128x128xf32, #tpu.memory_space<vmem>>, vector<1x16xf32>,
        %get3A_1589 = vector.shape_cast %get3A_1588 : vector<1x16xf32> to vector<16xf32>
        %add3A_1590 = arith.constant 16 : i32
        %add3A_1591 = arith.addi %mul3A_1563, %add3A_1590 : i32
        %swap3A_1592 = arith.index_cast %select_n3A : i32 to index
        %swap3A_1593 = arith.index_cast %add3A_1591 : i32 to index
        %swap3A_1594 = tpu.vector_load %arg11[%swap3A_1592, %swap3A_1593] {strides = array<i32>} : memref<2x4096xf32, #tpu.memory_space<vmem>>, vector<1x16xf32>,
        %swap3A_1595 = vector.shape_cast %swap3A_1594 : vector<1x16xf32> to vector<16xf32>
        %swap3A_1596 = vector.shape_cast %get3A_1589 : vector<16xf32> to vector<1x16xf32>
        tpu.vector_store %arg11[%swap3A_1592, %swap3A_1593], %swap3A_1596 {strides = array<i32>} : memref<2x4096xf32, #tpu.memory_space<vmem>>, vector<1x16xf32>,
        %get3A_1597 = arith.index_cast %select_n3A : i32 to index
        %get3A_1598 = arith.index_cast %add3A_1591 : i32 to index
        %get3A_1599 = tpu.vector_load %arg10[%get3A_1597, %get3A_1598] {strides = array<i32>} : memref<2x4096xf32, #tpu.memory_space<vmem>>, vector<1x16xf32>,
        %get3A_1600 = vector.shape_cast %get3A_1599 : vector<1x16xf32> to vector<16xf32>
        %sub3A_1601 = arith.subf %get3A_1589, %get3A_1600 : vector<16xf32>
        %add3A_1602 = arith.addf %get3A_1600, %sub3A_1601 : vector<16xf32>
        %swap3A_1603 = arith.index_cast %select_n3A : i32 to index
        %swap3A_1604 = arith.index_cast %add3A_1591 : i32 to index
        %swap3A_1605 = tpu.vector_load %arg10[%swap3A_1603, %swap3A_1604] {strides = array<i32>} : memref<2x4096xf32, #tpu.memory_space<vmem>>, vector<1x16xf32>,
        %swap3A_1606 = vector.shape_cast %swap3A_1605 : vector<1x16xf32> to vector<16xf32>
        %swap3A_1607 = vector.shape_cast %add3A_1602 : vector<16xf32> to vector<1x16xf32>
        tpu.vector_store %arg10[%swap3A_1603, %swap3A_1604], %swap3A_1607 {strides = array<i32>} : memref<2x4096xf32, #tpu.memory_space<vmem>>, vector<1x16xf32>,
        %get3A_1608 = arith.index_cast %add3A_1541 : i32 to index
        %get3A_1609 = arith.constant 32 : index
        %get3A_1610 = tpu.vector_load %arg9[%get3A_1608, %get3A_1609] {strides = array<i32>} : memref<128x128xf32, #tpu.memory_space<vmem>>, vector<1x16xf32>,
        %get3A_1611 = vector.shape_cast %get3A_1610 : vector<1x16xf32> to vector<16xf32>
        %add3A_1612 = arith.constant 32 : i32
        %add3A_1613 = arith.addi %mul3A_1563, %add3A_1612 : i32
        %swap3A_1614 = arith.index_cast %select_n3A : i32 to index
        %swap3A_1615 = arith.index_cast %add3A_1613 : i32 to index
        %swap3A_1616 = tpu.vector_load %arg11[%swap3A_1614, %swap3A_1615] {strides = array<i32>} : memref<2x4096xf32, #tpu.memory_space<vmem>>, vector<1x16xf32>,
        %swap3A_1617 = vector.shape_cast %swap3A_1616 : vector<1x16xf32> to vector<16xf32>
        %swap3A_1618 = vector.shape_cast %get3A_1611 : vector<16xf32> to vector<1x16xf32>
        tpu.vector_store %arg11[%swap3A_1614, %swap3A_1615], %swap3A_1618 {strides = array<i32>} : memref<2x4096xf32, #tpu.memory_space<vmem>>, vector<1x16xf32>,
        %get3A_1619 = arith.index_cast %select_n3A : i32 to index
        %get3A_1620 = arith.index_cast %add3A_1613 : i32 to index
        %get3A_1621 = tpu.vector_load %arg10[%get3A_1619, %get3A_1620] {strides = array<i32>} : memref<2x4096xf32, #tpu.memory_space<vmem>>, vector<1x16xf32>,
        %get3A_1622 = vector.shape_cast %get3A_1621 : vector<1x16xf32> to vector<16xf32>
        %sub3A_1623 = arith.subf %get3A_1611, %get3A_1622 : vector<16xf32>
        %add3A_1624 = arith.addf %get3A_1622, %sub3A_1623 : vector<16xf32>
        %swap3A_1625 = arith.index_cast %select_n3A : i32 to index
        %swap3A_1626 = arith.index_cast %add3A_1613 : i32 to index
        %swap3A_1627 = tpu.vector_load %arg10[%swap3A_1625, %swap3A_1626] {strides = array<i32>} : memref<2x4096xf32, #tpu.memory_space<vmem>>, vector<1x16xf32>,
        %swap3A_1628 = vector.shape_cast %swap3A_1627 : vector<1x16xf32> to vector<16xf32>
        %swap3A_1629 = vector.shape_cast %add3A_1624 : vector<16xf32> to vector<1x16xf32>
        tpu.vector_store %arg10[%swap3A_1625, %swap3A_1626], %swap3A_1629 {strides = array<i32>} : memref<2x4096xf32, #tpu.memory_space<vmem>>, vector<1x16xf32>,
        %get3A_1630 = arith.index_cast %add3A_1541 : i32 to index
        %get3A_1631 = arith.constant 48 : index
        %get3A_1632 = tpu.vector_load %arg9[%get3A_1630, %get3A_1631] {strides = array<i32>} : memref<128x128xf32, #tpu.memory_space<vmem>>, vector<1x16xf32>,
        %get3A_1633 = vector.shape_cast %get3A_1632 : vector<1x16xf32> to vector<16xf32>
        %add3A_1634 = arith.constant 48 : i32
        %add3A_1635 = arith.addi %mul3A_1563, %add3A_1634 : i32
        %swap3A_1636 = arith.index_cast %select_n3A : i32 to index
        %swap3A_1637 = arith.index_cast %add3A_1635 : i32 to index
        %swap3A_1638 = tpu.vector_load %arg11[%swap3A_1636, %swap3A_1637] {strides = array<i32>} : memref<2x4096xf32, #tpu.memory_space<vmem>>, vector<1x16xf32>,
        %swap3A_1639 = vector.shape_cast %swap3A_1638 : vector<1x16xf32> to vector<16xf32>
        %swap3A_1640 = vector.shape_cast %get3A_1633 : vector<16xf32> to vector<1x16xf32>
        tpu.vector_store %arg11[%swap3A_1636, %swap3A_1637], %swap3A_1640 {strides = array<i32>} : memref<2x4096xf32, #tpu.memory_space<vmem>>, vector<1x16xf32>,
        %get3A_1641 = arith.index_cast %select_n3A : i32 to index
        %get3A_1642 = arith.index_cast %add3A_1635 : i32 to index
        %get3A_1643 = tpu.vector_load %arg10[%get3A_1641, %get3A_1642] {strides = array<i32>} : memref<2x4096xf32, #tpu.memory_space<vmem>>, vector<1x16xf32>,
        %get3A_1644 = vector.shape_cast %get3A_1643 : vector<1x16xf32> to vector<16xf32>
        %sub3A_1645 = arith.subf %get3A_1633, %get3A_1644 : vector<16xf32>
        %add3A_1646 = arith.addf %get3A_1644, %sub3A_1645 : vector<16xf32>
        %swap3A_1647 = arith.index_cast %select_n3A : i32 to index
        %swap3A_1648 = arith.index_cast %add3A_1635 : i32 to index
        %swap3A_1649 = tpu.vector_load %arg10[%swap3A_1647, %swap3A_1648] {strides = array<i32>} : memref<2x4096xf32, #tpu.memory_space<vmem>>, vector<1x16xf32>,
        %swap3A_1650 = vector.shape_cast %swap3A_1649 : vector<1x16xf32> to vector<16xf32>
        %swap3A_1651 = vector.shape_cast %add3A_1646 : vector<16xf32> to vector<1x16xf32>
        tpu.vector_store %arg10[%swap3A_1647, %swap3A_1648], %swap3A_1651 {strides = array<i32>} : memref<2x4096xf32, #tpu.memory_space<vmem>>, vector<1x16xf32>,
        %mul3A_1652 = arith.constant 16 : i32
        %mul3A_1653 = arith.muli %scan3A_152, %mul3A_1652 : i32
        %add3A_1654 = arith.constant 13 : i32
        %add3A_1655 = arith.addi %mul3A_1653, %add3A_1654 : i32
        %mul3A_1656 = arith.constant 16 : i32
        %mul3A_1657 = arith.muli %scan3A_152, %mul3A_1656 : i32
        %jit3A_1658 = arith.constant 64 : i32
        %eq3A_1659 = arith.constant 0 : i32
        %eq3A_1660 = arith.cmpi eq, %jit3A_1658, %eq3A_1659 : i32
        %jit3A_1661 = arith.constant 1 : i32
        %select_n3A_1662 = arith.select %eq3A_1660, %jit3A_1661, %jit3A_1658 : i32
        %rem3A_1663 = arith.remsi %mul3A_1657, %select_n3A_1662 : i32
        %ne3A_1664 = arith.constant 0 : i32
        %ne3A_1665 = arith.cmpi ne, %rem3A_1663, %ne3A_1664 : i32
        %lt3A_1666 = arith.constant 0 : i32
        %lt3A_1667 = arith.cmpi slt, %rem3A_1663, %lt3A_1666 : i32
        %lt3A_1668 = arith.constant 0 : i32
        %lt3A_1669 = arith.cmpi slt, %select_n3A_1662, %lt3A_1668 : i32
        %ne3A_1670 = arith.xori %lt3A_1667, %lt3A_1669 : i1
        %and3A_1671 = arith.andi %ne3A_1670, %ne3A_1665 : i1
        %add3A_1672 = arith.addi %rem3A_1663, %select_n3A_1662 : i32
        %select_n3A_1673 = arith.select %and3A_1671, %add3A_1672, %rem3A_1663 : i32
        %add3A_1674 = arith.constant 13 : i32
        %add3A_1675 = arith.addi %select_n3A_1673, %add3A_1674 : i32
        %mul3A_1676 = arith.constant 64 : i32
        %mul3A_1677 = arith.muli %add3A_1675, %mul3A_1676 : i32
        %get3A_1678 = arith.index_cast %add3A_1655 : i32 to index
        %get3A_1679 = arith.constant 0 : index
        %get3A_1680 = tpu.vector_load %arg9[%get3A_1678, %get3A_1679] {strides = array<i32>} : memref<128x128xf32, #tpu.memory_space<vmem>>, vector<1x16xf32>,
        %get3A_1681 = vector.shape_cast %get3A_1680 : vector<1x16xf32> to vector<16xf32>
        %add3A_1682 = arith.constant 0 : i32
        %add3A_1683 = arith.addi %mul3A_1677, %add3A_1682 : i32
        %swap3A_1684 = arith.index_cast %select_n3A : i32 to index
        %swap3A_1685 = arith.index_cast %add3A_1683 : i32 to index
        %swap3A_1686 = tpu.vector_load %arg11[%swap3A_1684, %swap3A_1685] {strides = array<i32>} : memref<2x4096xf32, #tpu.memory_space<vmem>>, vector<1x16xf32>,
        %swap3A_1687 = vector.shape_cast %swap3A_1686 : vector<1x16xf32> to vector<16xf32>
        %swap3A_1688 = vector.shape_cast %get3A_1681 : vector<16xf32> to vector<1x16xf32>
        tpu.vector_store %arg11[%swap3A_1684, %swap3A_1685], %swap3A_1688 {strides = array<i32>} : memref<2x4096xf32, #tpu.memory_space<vmem>>, vector<1x16xf32>,
        %get3A_1689 = arith.index_cast %select_n3A : i32 to index
        %get3A_1690 = arith.index_cast %add3A_1683 : i32 to index
        %get3A_1691 = tpu.vector_load %arg10[%get3A_1689, %get3A_1690] {strides = array<i32>} : memref<2x4096xf32, #tpu.memory_space<vmem>>, vector<1x16xf32>,
        %get3A_1692 = vector.shape_cast %get3A_1691 : vector<1x16xf32> to vector<16xf32>
        %sub3A_1693 = arith.subf %get3A_1681, %get3A_1692 : vector<16xf32>
        %add3A_1694 = arith.addf %get3A_1692, %sub3A_1693 : vector<16xf32>
        %swap3A_1695 = arith.index_cast %select_n3A : i32 to index
        %swap3A_1696 = arith.index_cast %add3A_1683 : i32 to index
        %swap3A_1697 = tpu.vector_load %arg10[%swap3A_1695, %swap3A_1696] {strides = array<i32>} : memref<2x4096xf32, #tpu.memory_space<vmem>>, vector<1x16xf32>,
        %swap3A_1698 = vector.shape_cast %swap3A_1697 : vector<1x16xf32> to vector<16xf32>
        %swap3A_1699 = vector.shape_cast %add3A_1694 : vector<16xf32> to vector<1x16xf32>
        tpu.vector_store %arg10[%swap3A_1695, %swap3A_1696], %swap3A_1699 {strides = array<i32>} : memref<2x4096xf32, #tpu.memory_space<vmem>>, vector<1x16xf32>,
        %get3A_1700 = arith.index_cast %add3A_1655 : i32 to index
        %get3A_1701 = arith.constant 16 : index
        %get3A_1702 = tpu.vector_load %arg9[%get3A_1700, %get3A_1701] {strides = array<i32>} : memref<128x128xf32, #tpu.memory_space<vmem>>, vector<1x16xf32>,
        %get3A_1703 = vector.shape_cast %get3A_1702 : vector<1x16xf32> to vector<16xf32>
        %add3A_1704 = arith.constant 16 : i32
        %add3A_1705 = arith.addi %mul3A_1677, %add3A_1704 : i32
        %swap3A_1706 = arith.index_cast %select_n3A : i32 to index
        %swap3A_1707 = arith.index_cast %add3A_1705 : i32 to index
        %swap3A_1708 = tpu.vector_load %arg11[%swap3A_1706, %swap3A_1707] {strides = array<i32>} : memref<2x4096xf32, #tpu.memory_space<vmem>>, vector<1x16xf32>,
        %swap3A_1709 = vector.shape_cast %swap3A_1708 : vector<1x16xf32> to vector<16xf32>
        %swap3A_1710 = vector.shape_cast %get3A_1703 : vector<16xf32> to vector<1x16xf32>
        tpu.vector_store %arg11[%swap3A_1706, %swap3A_1707], %swap3A_1710 {strides = array<i32>} : memref<2x4096xf32, #tpu.memory_space<vmem>>, vector<1x16xf32>,
        %get3A_1711 = arith.index_cast %select_n3A : i32 to index
        %get3A_1712 = arith.index_cast %add3A_1705 : i32 to index
        %get3A_1713 = tpu.vector_load %arg10[%get3A_1711, %get3A_1712] {strides = array<i32>} : memref<2x4096xf32, #tpu.memory_space<vmem>>, vector<1x16xf32>,
        %get3A_1714 = vector.shape_cast %get3A_1713 : vector<1x16xf32> to vector<16xf32>
        %sub3A_1715 = arith.subf %get3A_1703, %get3A_1714 : vector<16xf32>
        %add3A_1716 = arith.addf %get3A_1714, %sub3A_1715 : vector<16xf32>
        %swap3A_1717 = arith.index_cast %select_n3A : i32 to index
        %swap3A_1718 = arith.index_cast %add3A_1705 : i32 to index
        %swap3A_1719 = tpu.vector_load %arg10[%swap3A_1717, %swap3A_1718] {strides = array<i32>} : memref<2x4096xf32, #tpu.memory_space<vmem>>, vector<1x16xf32>,
        %swap3A_1720 = vector.shape_cast %swap3A_1719 : vector<1x16xf32> to vector<16xf32>
        %swap3A_1721 = vector.shape_cast %add3A_1716 : vector<16xf32> to vector<1x16xf32>
        tpu.vector_store %arg10[%swap3A_1717, %swap3A_1718], %swap3A_1721 {strides = array<i32>} : memref<2x4096xf32, #tpu.memory_space<vmem>>, vector<1x16xf32>,
        %get3A_1722 = arith.index_cast %add3A_1655 : i32 to index
        %get3A_1723 = arith.constant 32 : index
        %get3A_1724 = tpu.vector_load %arg9[%get3A_1722, %get3A_1723] {strides = array<i32>} : memref<128x128xf32, #tpu.memory_space<vmem>>, vector<1x16xf32>,
        %get3A_1725 = vector.shape_cast %get3A_1724 : vector<1x16xf32> to vector<16xf32>
        %add3A_1726 = arith.constant 32 : i32
        %add3A_1727 = arith.addi %mul3A_1677, %add3A_1726 : i32
        %swap3A_1728 = arith.index_cast %select_n3A : i32 to index
        %swap3A_1729 = arith.index_cast %add3A_1727 : i32 to index
        %swap3A_1730 = tpu.vector_load %arg11[%swap3A_1728, %swap3A_1729] {strides = array<i32>} : memref<2x4096xf32, #tpu.memory_space<vmem>>, vector<1x16xf32>,
        %swap3A_1731 = vector.shape_cast %swap3A_1730 : vector<1x16xf32> to vector<16xf32>
        %swap3A_1732 = vector.shape_cast %get3A_1725 : vector<16xf32> to vector<1x16xf32>
        tpu.vector_store %arg11[%swap3A_1728, %swap3A_1729], %swap3A_1732 {strides = array<i32>} : memref<2x4096xf32, #tpu.memory_space<vmem>>, vector<1x16xf32>,
        %get3A_1733 = arith.index_cast %select_n3A : i32 to index
        %get3A_1734 = arith.index_cast %add3A_1727 : i32 to index
        %get3A_1735 = tpu.vector_load %arg10[%get3A_1733, %get3A_1734] {strides = array<i32>} : memref<2x4096xf32, #tpu.memory_space<vmem>>, vector<1x16xf32>,
        %get3A_1736 = vector.shape_cast %get3A_1735 : vector<1x16xf32> to vector<16xf32>
        %sub3A_1737 = arith.subf %get3A_1725, %get3A_1736 : vector<16xf32>
        %add3A_1738 = arith.addf %get3A_1736, %sub3A_1737 : vector<16xf32>
        %swap3A_1739 = arith.index_cast %select_n3A : i32 to index
        %swap3A_1740 = arith.index_cast %add3A_1727 : i32 to index
        %swap3A_1741 = tpu.vector_load %arg10[%swap3A_1739, %swap3A_1740] {strides = array<i32>} : memref<2x4096xf32, #tpu.memory_space<vmem>>, vector<1x16xf32>,
        %swap3A_1742 = vector.shape_cast %swap3A_1741 : vector<1x16xf32> to vector<16xf32>
        %swap3A_1743 = vector.shape_cast %add3A_1738 : vector<16xf32> to vector<1x16xf32>
        tpu.vector_store %arg10[%swap3A_1739, %swap3A_1740], %swap3A_1743 {strides = array<i32>} : memref<2x4096xf32, #tpu.memory_space<vmem>>, vector<1x16xf32>,
        %get3A_1744 = arith.index_cast %add3A_1655 : i32 to index
        %get3A_1745 = arith.constant 48 : index
        %get3A_1746 = tpu.vector_load %arg9[%get3A_1744, %get3A_1745] {strides = array<i32>} : memref<128x128xf32, #tpu.memory_space<vmem>>, vector<1x16xf32>,
        %get3A_1747 = vector.shape_cast %get3A_1746 : vector<1x16xf32> to vector<16xf32>
        %add3A_1748 = arith.constant 48 : i32
        %add3A_1749 = arith.addi %mul3A_1677, %add3A_1748 : i32
        %swap3A_1750 = arith.index_cast %select_n3A : i32 to index
        %swap3A_1751 = arith.index_cast %add3A_1749 : i32 to index
        %swap3A_1752 = tpu.vector_load %arg11[%swap3A_1750, %swap3A_1751] {strides = array<i32>} : memref<2x4096xf32, #tpu.memory_space<vmem>>, vector<1x16xf32>,
        %swap3A_1753 = vector.shape_cast %swap3A_1752 : vector<1x16xf32> to vector<16xf32>
        %swap3A_1754 = vector.shape_cast %get3A_1747 : vector<16xf32> to vector<1x16xf32>
        tpu.vector_store %arg11[%swap3A_1750, %swap3A_1751], %swap3A_1754 {strides = array<i32>} : memref<2x4096xf32, #tpu.memory_space<vmem>>, vector<1x16xf32>,
        %get3A_1755 = arith.index_cast %select_n3A : i32 to index
        %get3A_1756 = arith.index_cast %add3A_1749 : i32 to index
        %get3A_1757 = tpu.vector_load %arg10[%get3A_1755, %get3A_1756] {strides = array<i32>} : memref<2x4096xf32, #tpu.memory_space<vmem>>, vector<1x16xf32>,
        %get3A_1758 = vector.shape_cast %get3A_1757 : vector<1x16xf32> to vector<16xf32>
        %sub3A_1759 = arith.subf %get3A_1747, %get3A_1758 : vector<16xf32>
        %add3A_1760 = arith.addf %get3A_1758, %sub3A_1759 : vector<16xf32>
        %swap3A_1761 = arith.index_cast %select_n3A : i32 to index
        %swap3A_1762 = arith.index_cast %add3A_1749 : i32 to index
        %swap3A_1763 = tpu.vector_load %arg10[%swap3A_1761, %swap3A_1762] {strides = array<i32>} : memref<2x4096xf32, #tpu.memory_space<vmem>>, vector<1x16xf32>,
        %swap3A_1764 = vector.shape_cast %swap3A_1763 : vector<1x16xf32> to vector<16xf32>
        %swap3A_1765 = vector.shape_cast %add3A_1760 : vector<16xf32> to vector<1x16xf32>
        tpu.vector_store %arg10[%swap3A_1761, %swap3A_1762], %swap3A_1765 {strides = array<i32>} : memref<2x4096xf32, #tpu.memory_space<vmem>>, vector<1x16xf32>,
        %mul3A_1766 = arith.constant 16 : i32
        %mul3A_1767 = arith.muli %scan3A_152, %mul3A_1766 : i32
        %add3A_1768 = arith.constant 14 : i32
        %add3A_1769 = arith.addi %mul3A_1767, %add3A_1768 : i32
        %mul3A_1770 = arith.constant 16 : i32
        %mul3A_1771 = arith.muli %scan3A_152, %mul3A_1770 : i32
        %jit3A_1772 = arith.constant 64 : i32
        %eq3A_1773 = arith.constant 0 : i32
        %eq3A_1774 = arith.cmpi eq, %jit3A_1772, %eq3A_1773 : i32
        %jit3A_1775 = arith.constant 1 : i32
        %select_n3A_1776 = arith.select %eq3A_1774, %jit3A_1775, %jit3A_1772 : i32
        %rem3A_1777 = arith.remsi %mul3A_1771, %select_n3A_1776 : i32
        %ne3A_1778 = arith.constant 0 : i32
        %ne3A_1779 = arith.cmpi ne, %rem3A_1777, %ne3A_1778 : i32
        %lt3A_1780 = arith.constant 0 : i32
        %lt3A_1781 = arith.cmpi slt, %rem3A_1777, %lt3A_1780 : i32
        %lt3A_1782 = arith.constant 0 : i32
        %lt3A_1783 = arith.cmpi slt, %select_n3A_1776, %lt3A_1782 : i32
        %ne3A_1784 = arith.xori %lt3A_1781, %lt3A_1783 : i1
        %and3A_1785 = arith.andi %ne3A_1784, %ne3A_1779 : i1
        %add3A_1786 = arith.addi %rem3A_1777, %select_n3A_1776 : i32
        %select_n3A_1787 = arith.select %and3A_1785, %add3A_1786, %rem3A_1777 : i32
        %add3A_1788 = arith.constant 14 : i32
        %add3A_1789 = arith.addi %select_n3A_1787, %add3A_1788 : i32
        %mul3A_1790 = arith.constant 64 : i32
        %mul3A_1791 = arith.muli %add3A_1789, %mul3A_1790 : i32
        %get3A_1792 = arith.index_cast %add3A_1769 : i32 to index
        %get3A_1793 = arith.constant 0 : index
        %get3A_1794 = tpu.vector_load %arg9[%get3A_1792, %get3A_1793] {strides = array<i32>} : memref<128x128xf32, #tpu.memory_space<vmem>>, vector<1x16xf32>,
        %get3A_1795 = vector.shape_cast %get3A_1794 : vector<1x16xf32> to vector<16xf32>
        %add3A_1796 = arith.constant 0 : i32
        %add3A_1797 = arith.addi %mul3A_1791, %add3A_1796 : i32
        %swap3A_1798 = arith.index_cast %select_n3A : i32 to index
        %swap3A_1799 = arith.index_cast %add3A_1797 : i32 to index
        %swap3A_1800 = tpu.vector_load %arg11[%swap3A_1798, %swap3A_1799] {strides = array<i32>} : memref<2x4096xf32, #tpu.memory_space<vmem>>, vector<1x16xf32>,
        %swap3A_1801 = vector.shape_cast %swap3A_1800 : vector<1x16xf32> to vector<16xf32>
        %swap3A_1802 = vector.shape_cast %get3A_1795 : vector<16xf32> to vector<1x16xf32>
        tpu.vector_store %arg11[%swap3A_1798, %swap3A_1799], %swap3A_1802 {strides = array<i32>} : memref<2x4096xf32, #tpu.memory_space<vmem>>, vector<1x16xf32>,
        %get3A_1803 = arith.index_cast %select_n3A : i32 to index
        %get3A_1804 = arith.index_cast %add3A_1797 : i32 to index
        %get3A_1805 = tpu.vector_load %arg10[%get3A_1803, %get3A_1804] {strides = array<i32>} : memref<2x4096xf32, #tpu.memory_space<vmem>>, vector<1x16xf32>,
        %get3A_1806 = vector.shape_cast %get3A_1805 : vector<1x16xf32> to vector<16xf32>
        %sub3A_1807 = arith.subf %get3A_1795, %get3A_1806 : vector<16xf32>
        %add3A_1808 = arith.addf %get3A_1806, %sub3A_1807 : vector<16xf32>
        %swap3A_1809 = arith.index_cast %select_n3A : i32 to index
        %swap3A_1810 = arith.index_cast %add3A_1797 : i32 to index
        %swap3A_1811 = tpu.vector_load %arg10[%swap3A_1809, %swap3A_1810] {strides = array<i32>} : memref<2x4096xf32, #tpu.memory_space<vmem>>, vector<1x16xf32>,
        %swap3A_1812 = vector.shape_cast %swap3A_1811 : vector<1x16xf32> to vector<16xf32>
        %swap3A_1813 = vector.shape_cast %add3A_1808 : vector<16xf32> to vector<1x16xf32>
        tpu.vector_store %arg10[%swap3A_1809, %swap3A_1810], %swap3A_1813 {strides = array<i32>} : memref<2x4096xf32, #tpu.memory_space<vmem>>, vector<1x16xf32>,
        %get3A_1814 = arith.index_cast %add3A_1769 : i32 to index
        %get3A_1815 = arith.constant 16 : index
        %get3A_1816 = tpu.vector_load %arg9[%get3A_1814, %get3A_1815] {strides = array<i32>} : memref<128x128xf32, #tpu.memory_space<vmem>>, vector<1x16xf32>,
        %get3A_1817 = vector.shape_cast %get3A_1816 : vector<1x16xf32> to vector<16xf32>
        %add3A_1818 = arith.constant 16 : i32
        %add3A_1819 = arith.addi %mul3A_1791, %add3A_1818 : i32
        %swap3A_1820 = arith.index_cast %select_n3A : i32 to index
        %swap3A_1821 = arith.index_cast %add3A_1819 : i32 to index
        %swap3A_1822 = tpu.vector_load %arg11[%swap3A_1820, %swap3A_1821] {strides = array<i32>} : memref<2x4096xf32, #tpu.memory_space<vmem>>, vector<1x16xf32>,
        %swap3A_1823 = vector.shape_cast %swap3A_1822 : vector<1x16xf32> to vector<16xf32>
        %swap3A_1824 = vector.shape_cast %get3A_1817 : vector<16xf32> to vector<1x16xf32>
        tpu.vector_store %arg11[%swap3A_1820, %swap3A_1821], %swap3A_1824 {strides = array<i32>} : memref<2x4096xf32, #tpu.memory_space<vmem>>, vector<1x16xf32>,
        %get3A_1825 = arith.index_cast %select_n3A : i32 to index
        %get3A_1826 = arith.index_cast %add3A_1819 : i32 to index
        %get3A_1827 = tpu.vector_load %arg10[%get3A_1825, %get3A_1826] {strides = array<i32>} : memref<2x4096xf32, #tpu.memory_space<vmem>>, vector<1x16xf32>,
        %get3A_1828 = vector.shape_cast %get3A_1827 : vector<1x16xf32> to vector<16xf32>
        %sub3A_1829 = arith.subf %get3A_1817, %get3A_1828 : vector<16xf32>
        %add3A_1830 = arith.addf %get3A_1828, %sub3A_1829 : vector<16xf32>
        %swap3A_1831 = arith.index_cast %select_n3A : i32 to index
        %swap3A_1832 = arith.index_cast %add3A_1819 : i32 to index
        %swap3A_1833 = tpu.vector_load %arg10[%swap3A_1831, %swap3A_1832] {strides = array<i32>} : memref<2x4096xf32, #tpu.memory_space<vmem>>, vector<1x16xf32>,
        %swap3A_1834 = vector.shape_cast %swap3A_1833 : vector<1x16xf32> to vector<16xf32>
        %swap3A_1835 = vector.shape_cast %add3A_1830 : vector<16xf32> to vector<1x16xf32>
        tpu.vector_store %arg10[%swap3A_1831, %swap3A_1832], %swap3A_1835 {strides = array<i32>} : memref<2x4096xf32, #tpu.memory_space<vmem>>, vector<1x16xf32>,
        %get3A_1836 = arith.index_cast %add3A_1769 : i32 to index
        %get3A_1837 = arith.constant 32 : index
        %get3A_1838 = tpu.vector_load %arg9[%get3A_1836, %get3A_1837] {strides = array<i32>} : memref<128x128xf32, #tpu.memory_space<vmem>>, vector<1x16xf32>,
        %get3A_1839 = vector.shape_cast %get3A_1838 : vector<1x16xf32> to vector<16xf32>
        %add3A_1840 = arith.constant 32 : i32
        %add3A_1841 = arith.addi %mul3A_1791, %add3A_1840 : i32
        %swap3A_1842 = arith.index_cast %select_n3A : i32 to index
        %swap3A_1843 = arith.index_cast %add3A_1841 : i32 to index
        %swap3A_1844 = tpu.vector_load %arg11[%swap3A_1842, %swap3A_1843] {strides = array<i32>} : memref<2x4096xf32, #tpu.memory_space<vmem>>, vector<1x16xf32>,
        %swap3A_1845 = vector.shape_cast %swap3A_1844 : vector<1x16xf32> to vector<16xf32>
        %swap3A_1846 = vector.shape_cast %get3A_1839 : vector<16xf32> to vector<1x16xf32>
        tpu.vector_store %arg11[%swap3A_1842, %swap3A_1843], %swap3A_1846 {strides = array<i32>} : memref<2x4096xf32, #tpu.memory_space<vmem>>, vector<1x16xf32>,
        %get3A_1847 = arith.index_cast %select_n3A : i32 to index
        %get3A_1848 = arith.index_cast %add3A_1841 : i32 to index
        %get3A_1849 = tpu.vector_load %arg10[%get3A_1847, %get3A_1848] {strides = array<i32>} : memref<2x4096xf32, #tpu.memory_space<vmem>>, vector<1x16xf32>,
        %get3A_1850 = vector.shape_cast %get3A_1849 : vector<1x16xf32> to vector<16xf32>
        %sub3A_1851 = arith.subf %get3A_1839, %get3A_1850 : vector<16xf32>
        %add3A_1852 = arith.addf %get3A_1850, %sub3A_1851 : vector<16xf32>
        %swap3A_1853 = arith.index_cast %select_n3A : i32 to index
        %swap3A_1854 = arith.index_cast %add3A_1841 : i32 to index
        %swap3A_1855 = tpu.vector_load %arg10[%swap3A_1853, %swap3A_1854] {strides = array<i32>} : memref<2x4096xf32, #tpu.memory_space<vmem>>, vector<1x16xf32>,
        %swap3A_1856 = vector.shape_cast %swap3A_1855 : vector<1x16xf32> to vector<16xf32>
        %swap3A_1857 = vector.shape_cast %add3A_1852 : vector<16xf32> to vector<1x16xf32>
        tpu.vector_store %arg10[%swap3A_1853, %swap3A_1854], %swap3A_1857 {strides = array<i32>} : memref<2x4096xf32, #tpu.memory_space<vmem>>, vector<1x16xf32>,
        %get3A_1858 = arith.index_cast %add3A_1769 : i32 to index
        %get3A_1859 = arith.constant 48 : index
        %get3A_1860 = tpu.vector_load %arg9[%get3A_1858, %get3A_1859] {strides = array<i32>} : memref<128x128xf32, #tpu.memory_space<vmem>>, vector<1x16xf32>,
        %get3A_1861 = vector.shape_cast %get3A_1860 : vector<1x16xf32> to vector<16xf32>
        %add3A_1862 = arith.constant 48 : i32
        %add3A_1863 = arith.addi %mul3A_1791, %add3A_1862 : i32
        %swap3A_1864 = arith.index_cast %select_n3A : i32 to index
        %swap3A_1865 = arith.index_cast %add3A_1863 : i32 to index
        %swap3A_1866 = tpu.vector_load %arg11[%swap3A_1864, %swap3A_1865] {strides = array<i32>} : memref<2x4096xf32, #tpu.memory_space<vmem>>, vector<1x16xf32>,
        %swap3A_1867 = vector.shape_cast %swap3A_1866 : vector<1x16xf32> to vector<16xf32>
        %swap3A_1868 = vector.shape_cast %get3A_1861 : vector<16xf32> to vector<1x16xf32>
        tpu.vector_store %arg11[%swap3A_1864, %swap3A_1865], %swap3A_1868 {strides = array<i32>} : memref<2x4096xf32, #tpu.memory_space<vmem>>, vector<1x16xf32>,
        %get3A_1869 = arith.index_cast %select_n3A : i32 to index
        %get3A_1870 = arith.index_cast %add3A_1863 : i32 to index
        %get3A_1871 = tpu.vector_load %arg10[%get3A_1869, %get3A_1870] {strides = array<i32>} : memref<2x4096xf32, #tpu.memory_space<vmem>>, vector<1x16xf32>,
        %get3A_1872 = vector.shape_cast %get3A_1871 : vector<1x16xf32> to vector<16xf32>
        %sub3A_1873 = arith.subf %get3A_1861, %get3A_1872 : vector<16xf32>
        %add3A_1874 = arith.addf %get3A_1872, %sub3A_1873 : vector<16xf32>
        %swap3A_1875 = arith.index_cast %select_n3A : i32 to index
        %swap3A_1876 = arith.index_cast %add3A_1863 : i32 to index
        %swap3A_1877 = tpu.vector_load %arg10[%swap3A_1875, %swap3A_1876] {strides = array<i32>} : memref<2x4096xf32, #tpu.memory_space<vmem>>, vector<1x16xf32>,
        %swap3A_1878 = vector.shape_cast %swap3A_1877 : vector<1x16xf32> to vector<16xf32>
        %swap3A_1879 = vector.shape_cast %add3A_1874 : vector<16xf32> to vector<1x16xf32>
        tpu.vector_store %arg10[%swap3A_1875, %swap3A_1876], %swap3A_1879 {strides = array<i32>} : memref<2x4096xf32, #tpu.memory_space<vmem>>, vector<1x16xf32>,
        %mul3A_1880 = arith.constant 16 : i32
        %mul3A_1881 = arith.muli %scan3A_152, %mul3A_1880 : i32
        %add3A_1882 = arith.constant 15 : i32
        %add3A_1883 = arith.addi %mul3A_1881, %add3A_1882 : i32
        %mul3A_1884 = arith.constant 16 : i32
        %mul3A_1885 = arith.muli %scan3A_152, %mul3A_1884 : i32
        %jit3A_1886 = arith.constant 64 : i32
        %eq3A_1887 = arith.constant 0 : i32
        %eq3A_1888 = arith.cmpi eq, %jit3A_1886, %eq3A_1887 : i32
        %jit3A_1889 = arith.constant 1 : i32
        %select_n3A_1890 = arith.select %eq3A_1888, %jit3A_1889, %jit3A_1886 : i32
        %rem3A_1891 = arith.remsi %mul3A_1885, %select_n3A_1890 : i32
        %ne3A_1892 = arith.constant 0 : i32
        %ne3A_1893 = arith.cmpi ne, %rem3A_1891, %ne3A_1892 : i32
        %lt3A_1894 = arith.constant 0 : i32
        %lt3A_1895 = arith.cmpi slt, %rem3A_1891, %lt3A_1894 : i32
        %lt3A_1896 = arith.constant 0 : i32
        %lt3A_1897 = arith.cmpi slt, %select_n3A_1890, %lt3A_1896 : i32
        %ne3A_1898 = arith.xori %lt3A_1895, %lt3A_1897 : i1
        %and3A_1899 = arith.andi %ne3A_1898, %ne3A_1893 : i1
        %add3A_1900 = arith.addi %rem3A_1891, %select_n3A_1890 : i32
        %select_n3A_1901 = arith.select %and3A_1899, %add3A_1900, %rem3A_1891 : i32
        %add3A_1902 = arith.constant 15 : i32
        %add3A_1903 = arith.addi %select_n3A_1901, %add3A_1902 : i32
        %mul3A_1904 = arith.constant 64 : i32
        %mul3A_1905 = arith.muli %add3A_1903, %mul3A_1904 : i32
        %get3A_1906 = arith.index_cast %add3A_1883 : i32 to index
        %get3A_1907 = arith.constant 0 : index
        %get3A_1908 = tpu.vector_load %arg9[%get3A_1906, %get3A_1907] {strides = array<i32>} : memref<128x128xf32, #tpu.memory_space<vmem>>, vector<1x16xf32>,
        %get3A_1909 = vector.shape_cast %get3A_1908 : vector<1x16xf32> to vector<16xf32>
        %add3A_1910 = arith.constant 0 : i32
        %add3A_1911 = arith.addi %mul3A_1905, %add3A_1910 : i32
        %swap3A_1912 = arith.index_cast %select_n3A : i32 to index
        %swap3A_1913 = arith.index_cast %add3A_1911 : i32 to index
        %swap3A_1914 = tpu.vector_load %arg11[%swap3A_1912, %swap3A_1913] {strides = array<i32>} : memref<2x4096xf32, #tpu.memory_space<vmem>>, vector<1x16xf32>,
        %swap3A_1915 = vector.shape_cast %swap3A_1914 : vector<1x16xf32> to vector<16xf32>
        %swap3A_1916 = vector.shape_cast %get3A_1909 : vector<16xf32> to vector<1x16xf32>
        tpu.vector_store %arg11[%swap3A_1912, %swap3A_1913], %swap3A_1916 {strides = array<i32>} : memref<2x4096xf32, #tpu.memory_space<vmem>>, vector<1x16xf32>,
        %get3A_1917 = arith.index_cast %select_n3A : i32 to index
        %get3A_1918 = arith.index_cast %add3A_1911 : i32 to index
        %get3A_1919 = tpu.vector_load %arg10[%get3A_1917, %get3A_1918] {strides = array<i32>} : memref<2x4096xf32, #tpu.memory_space<vmem>>, vector<1x16xf32>,
        %get3A_1920 = vector.shape_cast %get3A_1919 : vector<1x16xf32> to vector<16xf32>
        %sub3A_1921 = arith.subf %get3A_1909, %get3A_1920 : vector<16xf32>
        %add3A_1922 = arith.addf %get3A_1920, %sub3A_1921 : vector<16xf32>
        %swap3A_1923 = arith.index_cast %select_n3A : i32 to index
        %swap3A_1924 = arith.index_cast %add3A_1911 : i32 to index
        %swap3A_1925 = tpu.vector_load %arg10[%swap3A_1923, %swap3A_1924] {strides = array<i32>} : memref<2x4096xf32, #tpu.memory_space<vmem>>, vector<1x16xf32>,
        %swap3A_1926 = vector.shape_cast %swap3A_1925 : vector<1x16xf32> to vector<16xf32>
        %swap3A_1927 = vector.shape_cast %add3A_1922 : vector<16xf32> to vector<1x16xf32>
        tpu.vector_store %arg10[%swap3A_1923, %swap3A_1924], %swap3A_1927 {strides = array<i32>} : memref<2x4096xf32, #tpu.memory_space<vmem>>, vector<1x16xf32>,
        %get3A_1928 = arith.index_cast %add3A_1883 : i32 to index
        %get3A_1929 = arith.constant 16 : index
        %get3A_1930 = tpu.vector_load %arg9[%get3A_1928, %get3A_1929] {strides = array<i32>} : memref<128x128xf32, #tpu.memory_space<vmem>>, vector<1x16xf32>,
        %get3A_1931 = vector.shape_cast %get3A_1930 : vector<1x16xf32> to vector<16xf32>
        %add3A_1932 = arith.constant 16 : i32
        %add3A_1933 = arith.addi %mul3A_1905, %add3A_1932 : i32
        %swap3A_1934 = arith.index_cast %select_n3A : i32 to index
        %swap3A_1935 = arith.index_cast %add3A_1933 : i32 to index
        %swap3A_1936 = tpu.vector_load %arg11[%swap3A_1934, %swap3A_1935] {strides = array<i32>} : memref<2x4096xf32, #tpu.memory_space<vmem>>, vector<1x16xf32>,
        %swap3A_1937 = vector.shape_cast %swap3A_1936 : vector<1x16xf32> to vector<16xf32>
        %swap3A_1938 = vector.shape_cast %get3A_1931 : vector<16xf32> to vector<1x16xf32>
        tpu.vector_store %arg11[%swap3A_1934, %swap3A_1935], %swap3A_1938 {strides = array<i32>} : memref<2x4096xf32, #tpu.memory_space<vmem>>, vector<1x16xf32>,
        %get3A_1939 = arith.index_cast %select_n3A : i32 to index
        %get3A_1940 = arith.index_cast %add3A_1933 : i32 to index
        %get3A_1941 = tpu.vector_load %arg10[%get3A_1939, %get3A_1940] {strides = array<i32>} : memref<2x4096xf32, #tpu.memory_space<vmem>>, vector<1x16xf32>,
        %get3A_1942 = vector.shape_cast %get3A_1941 : vector<1x16xf32> to vector<16xf32>
        %sub3A_1943 = arith.subf %get3A_1931, %get3A_1942 : vector<16xf32>
        %add3A_1944 = arith.addf %get3A_1942, %sub3A_1943 : vector<16xf32>
        %swap3A_1945 = arith.index_cast %select_n3A : i32 to index
        %swap3A_1946 = arith.index_cast %add3A_1933 : i32 to index
        %swap3A_1947 = tpu.vector_load %arg10[%swap3A_1945, %swap3A_1946] {strides = array<i32>} : memref<2x4096xf32, #tpu.memory_space<vmem>>, vector<1x16xf32>,
        %swap3A_1948 = vector.shape_cast %swap3A_1947 : vector<1x16xf32> to vector<16xf32>
        %swap3A_1949 = vector.shape_cast %add3A_1944 : vector<16xf32> to vector<1x16xf32>
        tpu.vector_store %arg10[%swap3A_1945, %swap3A_1946], %swap3A_1949 {strides = array<i32>} : memref<2x4096xf32, #tpu.memory_space<vmem>>, vector<1x16xf32>,
        %get3A_1950 = arith.index_cast %add3A_1883 : i32 to index
        %get3A_1951 = arith.constant 32 : index
        %get3A_1952 = tpu.vector_load %arg9[%get3A_1950, %get3A_1951] {strides = array<i32>} : memref<128x128xf32, #tpu.memory_space<vmem>>, vector<1x16xf32>,
        %get3A_1953 = vector.shape_cast %get3A_1952 : vector<1x16xf32> to vector<16xf32>
        %add3A_1954 = arith.constant 32 : i32
        %add3A_1955 = arith.addi %mul3A_1905, %add3A_1954 : i32
        %swap3A_1956 = arith.index_cast %select_n3A : i32 to index
        %swap3A_1957 = arith.index_cast %add3A_1955 : i32 to index
        %swap3A_1958 = tpu.vector_load %arg11[%swap3A_1956, %swap3A_1957] {strides = array<i32>} : memref<2x4096xf32, #tpu.memory_space<vmem>>, vector<1x16xf32>,
        %swap3A_1959 = vector.shape_cast %swap3A_1958 : vector<1x16xf32> to vector<16xf32>
        %swap3A_1960 = vector.shape_cast %get3A_1953 : vector<16xf32> to vector<1x16xf32>
        tpu.vector_store %arg11[%swap3A_1956, %swap3A_1957], %swap3A_1960 {strides = array<i32>} : memref<2x4096xf32, #tpu.memory_space<vmem>>, vector<1x16xf32>,
        %get3A_1961 = arith.index_cast %select_n3A : i32 to index
        %get3A_1962 = arith.index_cast %add3A_1955 : i32 to index
        %get3A_1963 = tpu.vector_load %arg10[%get3A_1961, %get3A_1962] {strides = array<i32>} : memref<2x4096xf32, #tpu.memory_space<vmem>>, vector<1x16xf32>,
        %get3A_1964 = vector.shape_cast %get3A_1963 : vector<1x16xf32> to vector<16xf32>
        %sub3A_1965 = arith.subf %get3A_1953, %get3A_1964 : vector<16xf32>
        %add3A_1966 = arith.addf %get3A_1964, %sub3A_1965 : vector<16xf32>
        %swap3A_1967 = arith.index_cast %select_n3A : i32 to index
        %swap3A_1968 = arith.index_cast %add3A_1955 : i32 to index
        %swap3A_1969 = tpu.vector_load %arg10[%swap3A_1967, %swap3A_1968] {strides = array<i32>} : memref<2x4096xf32, #tpu.memory_space<vmem>>, vector<1x16xf32>,
        %swap3A_1970 = vector.shape_cast %swap3A_1969 : vector<1x16xf32> to vector<16xf32>
        %swap3A_1971 = vector.shape_cast %add3A_1966 : vector<16xf32> to vector<1x16xf32>
        tpu.vector_store %arg10[%swap3A_1967, %swap3A_1968], %swap3A_1971 {strides = array<i32>} : memref<2x4096xf32, #tpu.memory_space<vmem>>, vector<1x16xf32>,
        %get3A_1972 = arith.index_cast %add3A_1883 : i32 to index
        %get3A_1973 = arith.constant 48 : index
        %get3A_1974 = tpu.vector_load %arg9[%get3A_1972, %get3A_1973] {strides = array<i32>} : memref<128x128xf32, #tpu.memory_space<vmem>>, vector<1x16xf32>,
        %get3A_1975 = vector.shape_cast %get3A_1974 : vector<1x16xf32> to vector<16xf32>
        %add3A_1976 = arith.constant 48 : i32
        %add3A_1977 = arith.addi %mul3A_1905, %add3A_1976 : i32
        %swap3A_1978 = arith.index_cast %select_n3A : i32 to index
        %swap3A_1979 = arith.index_cast %add3A_1977 : i32 to index
        %swap3A_1980 = tpu.vector_load %arg11[%swap3A_1978, %swap3A_1979] {strides = array<i32>} : memref<2x4096xf32, #tpu.memory_space<vmem>>, vector<1x16xf32>,
        %swap3A_1981 = vector.shape_cast %swap3A_1980 : vector<1x16xf32> to vector<16xf32>
        %swap3A_1982 = vector.shape_cast %get3A_1975 : vector<16xf32> to vector<1x16xf32>
        tpu.vector_store %arg11[%swap3A_1978, %swap3A_1979], %swap3A_1982 {strides = array<i32>} : memref<2x4096xf32, #tpu.memory_space<vmem>>, vector<1x16xf32>,
        %get3A_1983 = arith.index_cast %select_n3A : i32 to index
        %get3A_1984 = arith.index_cast %add3A_1977 : i32 to index
        %get3A_1985 = tpu.vector_load %arg10[%get3A_1983, %get3A_1984] {strides = array<i32>} : memref<2x4096xf32, #tpu.memory_space<vmem>>, vector<1x16xf32>,
        %get3A_1986 = vector.shape_cast %get3A_1985 : vector<1x16xf32> to vector<16xf32>
        %sub3A_1987 = arith.subf %get3A_1975, %get3A_1986 : vector<16xf32>
        %add3A_1988 = arith.addf %get3A_1986, %sub3A_1987 : vector<16xf32>
        %swap3A_1989 = arith.index_cast %select_n3A : i32 to index
        %swap3A_1990 = arith.index_cast %add3A_1977 : i32 to index
        %swap3A_1991 = tpu.vector_load %arg10[%swap3A_1989, %swap3A_1990] {strides = array<i32>} : memref<2x4096xf32, #tpu.memory_space<vmem>>, vector<1x16xf32>,
        %swap3A_1992 = vector.shape_cast %swap3A_1991 : vector<1x16xf32> to vector<16xf32>
        %swap3A_1993 = vector.shape_cast %add3A_1988 : vector<16xf32> to vector<1x16xf32>
        tpu.vector_store %arg10[%swap3A_1989, %swap3A_1990], %swap3A_1993 {strides = array<i32>} : memref<2x4096xf32, #tpu.memory_space<vmem>>, vector<1x16xf32>,
        %scan3A_1994 = arith.constant 0 : i32
        scf.yield %scan3A_1994 : i32
      }
      %scan3A_150 = arith.constant 8 : i32
      "tpu.region"() ({
        %run_scoped3A = tpu.sem_alloc : memref<!tpu.dma_semaphore, #tpu.memory_space<semaphore_mem>>
        %dma_start3A_152 = arith.constant 0 : i32
        %dma_start3A_153 = tpu.memref_slice %arg6[%add3A_13, %dma_start3A_152] : memref<256x4096xf32, #tpu.memory_space<hbm>> -> memref<2x4096xf32, #tpu.memory_space<hbm>>
        %dma_start3A_154 = arith.constant 0 : i32
        %dma_start3A_155 = tpu.memref_slice %arg6[%add3A_13, %dma_start3A_154] : memref<256x4096xf32, #tpu.memory_space<hbm>> -> memref<2x4096xf32, #tpu.memory_space<hbm>>
        tpu.enqueue_dma source(%arg11 : memref<2x4096xf32, #tpu.memory_space<vmem>>) target(%dma_start3A_155 : memref<2x4096xf32, #tpu.memory_space<hbm>>) target_semaphore(%run_scoped3A : memref<!tpu.dma_semaphore, #tpu.memory_space<semaphore_mem>>)
        %dma_wait3A_156 = arith.constant 0 : i32
        %dma_wait3A_157 = tpu.memref_slice %arg6[%add3A_13, %dma_wait3A_156] : memref<256x4096xf32, #tpu.memory_space<hbm>> -> memref<2x4096xf32, #tpu.memory_space<hbm>>
        %dma_wait3A_158 = arith.constant 0 : i32
        %dma_wait3A_159 = tpu.memref_slice %arg6[%add3A_13, %dma_wait3A_158] : memref<256x4096xf32, #tpu.memory_space<hbm>> -> memref<2x4096xf32, #tpu.memory_space<hbm>>
        tpu.wait_dma2 semaphore(%run_scoped3A : memref<!tpu.dma_semaphore, #tpu.memory_space<semaphore_mem>>) src(%arg11 : memref<2x4096xf32, #tpu.memory_space<vmem>>) dst(%dma_wait3A_159 : memref<2x4096xf32, #tpu.memory_space<hbm>>)
        tpu.yield
      }) : () -> ()
      "tpu.region"() ({
        %run_scoped3A = tpu.sem_alloc : memref<!tpu.dma_semaphore, #tpu.memory_space<semaphore_mem>>
        %dma_start3A_152 = arith.constant 0 : i32
        %dma_start3A_153 = tpu.memref_slice %arg5[%add3A_13, %dma_start3A_152] : memref<256x4096xf32, #tpu.memory_space<hbm>> -> memref<2x4096xf32, #tpu.memory_space<hbm>>
        %dma_start3A_154 = arith.constant 0 : i32
        %dma_start3A_155 = tpu.memref_slice %arg5[%add3A_13, %dma_start3A_154] : memref<256x4096xf32, #tpu.memory_space<hbm>> -> memref<2x4096xf32, #tpu.memory_space<hbm>>
        tpu.enqueue_dma source(%arg10 : memref<2x4096xf32, #tpu.memory_space<vmem>>) target(%dma_start3A_155 : memref<2x4096xf32, #tpu.memory_space<hbm>>) target_semaphore(%run_scoped3A : memref<!tpu.dma_semaphore, #tpu.memory_space<semaphore_mem>>)
        %dma_wait3A_156 = arith.constant 0 : i32
        %dma_wait3A_157 = tpu.memref_slice %arg5[%add3A_13, %dma_wait3A_156] : memref<256x4096xf32, #tpu.memory_space<hbm>> -> memref<2x4096xf32, #tpu.memory_space<hbm>>
        %dma_wait3A_158 = arith.constant 0 : i32
        %dma_wait3A_159 = tpu.memref_slice %arg5[%add3A_13, %dma_wait3A_158] : memref<256x4096xf32, #tpu.memory_space<hbm>> -> memref<2x4096xf32, #tpu.memory_space<hbm>>
        tpu.wait_dma2 semaphore(%run_scoped3A : memref<!tpu.dma_semaphore, #tpu.memory_space<semaphore_mem>>) src(%arg10 : memref<2x4096xf32, #tpu.memory_space<vmem>>) dst(%dma_wait3A_159 : memref<2x4096xf32, #tpu.memory_space<hbm>>)
        tpu.yield
      }) : () -> ()
      %scan3A_151 = arith.constant 0 : i32
      scf.yield %scan3A_151 : i32
    }
    %scan3A_8 = arith.constant 4 : i32
    return
  }
}

module attributes {stable_mosaic.version = 14 : i64} {
  func.func @_onehot_body(%arg0: i32, %arg1: memref<32x64xi32, #tpu.memory_space<vmem>>, %arg2: memref<32x64x1024xf32, #tpu.memory_space<vmem>>) attributes {dimension_semantics = [#tpu.dimension_semantics<arbitrary>], iteration_bounds = array<i64: 8>, scalar_prefetch = 0 : i64, scratch_operands = 0 : i64, tpu.core_type = #tpu.core_type<tc>, window_params = [{transform_indices = @transform_0, window_bounds = array<i64: 32, 64>}, {transform_indices = @transform_1, window_bounds = array<i64: 32, 64, 1024>}]} {
    %get3A = arith.constant 0 : index
    %get3A_0 = arith.constant 0 : index
    %get3A_1 = vector.load %arg1[%get3A, %get3A_0] : memref<32x64xi32, #tpu.memory_space<vmem>>, vector<32x64xi32>
    %iota3A = tpu.iota {dimensions = array<i32: 2>} : vector<32x64x1024xi32>
    %broadcast_in_dim3A = vector.shape_cast %get3A_1 : vector<32x64xi32> to vector<32x64x1xi32>
    %eq3A = vector.broadcast %broadcast_in_dim3A : vector<32x64x1xi32> to vector<32x64x1024xi32>
    %eq3A_2 = arith.cmpi eq, %eq3A, %iota3A : vector<32x64x1024xi32>
    %convert_element_type3A = arith.extui %eq3A_2 : vector<32x64x1024xi1> to vector<32x64x1024xi32>
    %convert_element_type3A_3 = arith.sitofp %convert_element_type3A : vector<32x64x1024xi32> to vector<32x64x1024xf32>
    %swap3A = arith.constant 0 : index
    %swap3A_4 = arith.constant 0 : index
    %swap3A_5 = arith.constant 0 : index
    %swap3A_6 = vector.load %arg2[%swap3A, %swap3A_4, %swap3A_5] : memref<32x64x1024xf32, #tpu.memory_space<vmem>>, vector<32x64x1024xf32>
    tpu.vector_store %arg2[%swap3A, %swap3A_4, %swap3A_5], %convert_element_type3A_3 {strides = array<i32>} : memref<32x64x1024xf32, #tpu.memory_space<vmem>>, vector<32x64x1024xf32>,
    return
  }
  func.func @transform_0(%arg0: i32) -> (i32, i32) {
    %c0_i32 = arith.constant 0 : i32
    %c0_i32_0 = arith.constant 0 : i32
    return %arg0, %c0_i32 : i32, i32
  }
  func.func @transform_1(%arg0: i32) -> (i32, i32, i32) {
    %c0_i32 = arith.constant 0 : i32
    %c0_i32_0 = arith.constant 0 : i32
    %c0_i32_1 = arith.constant 0 : i32
    return %arg0, %c0_i32, %c0_i32_0 : i32, i32, i32
  }
}

module attributes {stable_mosaic.version = 14 : i64} {
  func.func @_argmin_body(%arg0: i32, %arg1: memref<256x512xf32, #tpu.memory_space<vmem>>, %arg2: memref<8x64x1024xf32, #tpu.memory_space<vmem>>, %arg3: memref<256x64xi32, #tpu.memory_space<vmem>>, %arg4: memref<8192x128xf32, #tpu.memory_space<vmem>>) attributes {dimension_semantics = [#tpu.dimension_semantics<arbitrary>], iteration_bounds = array<i64: 8>, scalar_prefetch = 0 : i64, scratch_operands = 0 : i64, tpu.core_type = #tpu.core_type<tc>, window_params = [{transform_indices = @transform_0, window_bounds = array<i64: 256, 512>}, {transform_indices = @transform_1, window_bounds = array<i64: 8, 64, 1024>}, {pipeline_mode = #tpu.pipeline_mode<synchronous>, transform_indices = @transform_2, window_bounds = array<i64: 256, 64>}, {transform_indices = @transform_3, window_bounds = array<i64: 8192, 128>}]} {
    %iota3A = tpu.iota {dimensions = array<i32: 1>} : vector<256x1024xi32>
    %get3A = arith.constant 0 : index
    %get3A_0 = arith.constant 0 : index
    %get3A_1 = vector.load %arg1[%get3A, %get3A_0] : memref<256x512xf32, #tpu.memory_space<vmem>>, vector<256x64xf32>
    %get3A_2 = arith.constant 0 : index
    %get3A_3 = arith.constant 0 : index
    %get3A_4 = arith.constant 0 : index
    %get3A_5 = vector.load %arg2[%get3A_2, %get3A_3, %get3A_4] : memref<8x64x1024xf32, #tpu.memory_space<vmem>>, vector<1x64x1024xf32>
    %get3A_6 = vector.shape_cast %get3A_5 : vector<1x64x1024xf32> to vector<64x1024xf32>
    %dot_general3A = arith.constant dense<0.000000e+00> : vector<256x1024xf32>
    %dot_general3A_7 = tpu.matmul %get3A_1, %get3A_6, %dot_general3A {dimension_numbers = #tpu.dot_dimension_numbers<[1], [0], [0], [1], [0, 0, 1, 1], [], []>, transpose_lhs_hint = false} : vector<256x64xf32>, vector<64x1024xf32>, vector<256x1024xf32> -> vector<256x1024xf32>
    %mul3A = arith.mulf %get3A_1, %get3A_1 : vector<256x64xf32>
    %reduce_sum3A = arith.constant dense<0.000000e+00> : vector<256xf32>
    %reduce_sum3A_8 = vector.multi_reduction <add>, %mul3A, %reduce_sum3A [1] : vector<256x64xf32> to vector<256xf32>
    %broadcast_in_dim3A = vector.shape_cast %reduce_sum3A_8 : vector<256xf32> to vector<256x1xf32>
    %mul3A_9 = arith.mulf %get3A_6, %get3A_6 : vector<64x1024xf32>
    %reduce_sum3A_10 = arith.constant dense<0.000000e+00> : vector<1024xf32>
    %reduce_sum3A_11 = vector.multi_reduction <add>, %mul3A_9, %reduce_sum3A_10 [0] : vector<64x1024xf32> to vector<1024xf32>
    %broadcast_in_dim3A_12 = vector.shape_cast %reduce_sum3A_11 : vector<1024xf32> to vector<1x1024xf32>
    %add3A = vector.broadcast %broadcast_in_dim3A : vector<256x1xf32> to vector<256x1024xf32>
    %add3A_13 = vector.broadcast %broadcast_in_dim3A_12 : vector<1x1024xf32> to vector<256x1024xf32>
    %add3A_14 = arith.addf %add3A, %add3A_13 : vector<256x1024xf32>
    %mul3A_15 = arith.constant 2.000000e+00 : f32
    %mul3A_16 = vector.broadcast %mul3A_15 : f32 to vector<256x1024xf32>
    %mul3A_17 = arith.mulf %mul3A_16, %dot_general3A_7 : vector<256x1024xf32>
    %sub3A = arith.subf %add3A_14, %mul3A_17 : vector<256x1024xf32>
    %reduce_min3A = arith.constant dense<0x7F800000> : vector<256xf32>
    %reduce_min3A_18 = vector.multi_reduction <minimumf>, %sub3A, %reduce_min3A [1] : vector<256x1024xf32> to vector<256xf32>
    %broadcast_in_dim3A_19 = vector.shape_cast %reduce_min3A_18 : vector<256xf32> to vector<256x1xf32>
    %eq3A = vector.broadcast %broadcast_in_dim3A_19 : vector<256x1xf32> to vector<256x1024xf32>
    %eq3A_20 = arith.cmpf oeq, %sub3A, %eq3A : vector<256x1024xf32>
    %jit3A = arith.constant 1024 : i32
    %broadcast_in_dim3A_21 = vector.broadcast %jit3A : i32 to vector<256x1024xi32>
    %select_n3A = arith.select %eq3A_20, %iota3A, %broadcast_in_dim3A_21 : vector<256x1024xi1>, vector<256x1024xi32>
    %reduce_min3A_22 = arith.constant dense<2147483647> : vector<256xi32>
    %reduce_min3A_23 = vector.multi_reduction <minsi>, %select_n3A, %reduce_min3A_22 [1] : vector<256x1024xi32> to vector<256xi32>
    %broadcast_in_dim3A_24 = vector.shape_cast %reduce_min3A_23 : vector<256xi32> to vector<256x1xi32>
    %transpose3A = tpu.transpose %get3A_6, [1, 0] : vector<64x1024xf32> -> vector<1024x64xf32>
    %swap3A = arith.constant 0 : index
    %swap3A_25 = arith.constant 0 : index
    %swap3A_26 = vector.load %arg4[%swap3A, %swap3A_25] : memref<8192x128xf32, #tpu.memory_space<vmem>>, vector<1024x64xf32>
    tpu.vector_store %arg4[%swap3A, %swap3A_25], %transpose3A {strides = array<i32>} : memref<8192x128xf32, #tpu.memory_space<vmem>>, vector<1024x64xf32>,
    %get3A_27 = arith.constant 0 : index
    %get3A_28 = arith.constant 64 : index
    %get3A_29 = vector.load %arg1[%get3A_27, %get3A_28] : memref<256x512xf32, #tpu.memory_space<vmem>>, vector<256x64xf32>
    %get3A_30 = arith.constant 1 : index
    %get3A_31 = arith.constant 0 : index
    %get3A_32 = arith.constant 0 : index
    %get3A_33 = vector.load %arg2[%get3A_30, %get3A_31, %get3A_32] : memref<8x64x1024xf32, #tpu.memory_space<vmem>>, vector<1x64x1024xf32>
    %get3A_34 = vector.shape_cast %get3A_33 : vector<1x64x1024xf32> to vector<64x1024xf32>
    %dot_general3A_35 = arith.constant dense<0.000000e+00> : vector<256x1024xf32>
    %dot_general3A_36 = tpu.matmul %get3A_29, %get3A_34, %dot_general3A_35 {dimension_numbers = #tpu.dot_dimension_numbers<[1], [0], [0], [1], [0, 0, 1, 1], [], []>, transpose_lhs_hint = false} : vector<256x64xf32>, vector<64x1024xf32>, vector<256x1024xf32> -> vector<256x1024xf32>
    %mul3A_37 = arith.mulf %get3A_29, %get3A_29 : vector<256x64xf32>
    %reduce_sum3A_38 = arith.constant dense<0.000000e+00> : vector<256xf32>
    %reduce_sum3A_39 = vector.multi_reduction <add>, %mul3A_37, %reduce_sum3A_38 [1] : vector<256x64xf32> to vector<256xf32>
    %broadcast_in_dim3A_40 = vector.shape_cast %reduce_sum3A_39 : vector<256xf32> to vector<256x1xf32>
    %mul3A_41 = arith.mulf %get3A_34, %get3A_34 : vector<64x1024xf32>
    %reduce_sum3A_42 = arith.constant dense<0.000000e+00> : vector<1024xf32>
    %reduce_sum3A_43 = vector.multi_reduction <add>, %mul3A_41, %reduce_sum3A_42 [0] : vector<64x1024xf32> to vector<1024xf32>
    %broadcast_in_dim3A_44 = vector.shape_cast %reduce_sum3A_43 : vector<1024xf32> to vector<1x1024xf32>
    %add3A_45 = vector.broadcast %broadcast_in_dim3A_40 : vector<256x1xf32> to vector<256x1024xf32>
    %add3A_46 = vector.broadcast %broadcast_in_dim3A_44 : vector<1x1024xf32> to vector<256x1024xf32>
    %add3A_47 = arith.addf %add3A_45, %add3A_46 : vector<256x1024xf32>
    %mul3A_48 = arith.constant 2.000000e+00 : f32
    %mul3A_49 = vector.broadcast %mul3A_48 : f32 to vector<256x1024xf32>
    %mul3A_50 = arith.mulf %mul3A_49, %dot_general3A_36 : vector<256x1024xf32>
    %sub3A_51 = arith.subf %add3A_47, %mul3A_50 : vector<256x1024xf32>
    %reduce_min3A_52 = arith.constant dense<0x7F800000> : vector<256xf32>
    %reduce_min3A_53 = vector.multi_reduction <minimumf>, %sub3A_51, %reduce_min3A_52 [1] : vector<256x1024xf32> to vector<256xf32>
    %broadcast_in_dim3A_54 = vector.shape_cast %reduce_min3A_53 : vector<256xf32> to vector<256x1xf32>
    %eq3A_55 = vector.broadcast %broadcast_in_dim3A_54 : vector<256x1xf32> to vector<256x1024xf32>
    %eq3A_56 = arith.cmpf oeq, %sub3A_51, %eq3A_55 : vector<256x1024xf32>
    %jit3A_57 = arith.constant 1024 : i32
    %broadcast_in_dim3A_58 = vector.broadcast %jit3A_57 : i32 to vector<256x1024xi32>
    %select_n3A_59 = arith.select %eq3A_56, %iota3A, %broadcast_in_dim3A_58 : vector<256x1024xi1>, vector<256x1024xi32>
    %reduce_min3A_60 = arith.constant dense<2147483647> : vector<256xi32>
    %reduce_min3A_61 = vector.multi_reduction <minsi>, %select_n3A_59, %reduce_min3A_60 [1] : vector<256x1024xi32> to vector<256xi32>
    %broadcast_in_dim3A_62 = vector.shape_cast %reduce_min3A_61 : vector<256xi32> to vector<256x1xi32>
    %transpose3A_63 = tpu.transpose %get3A_34, [1, 0] : vector<64x1024xf32> -> vector<1024x64xf32>
    %swap3A_64 = arith.constant 1024 : index
    %swap3A_65 = arith.constant 0 : index
    %swap3A_66 = vector.load %arg4[%swap3A_64, %swap3A_65] : memref<8192x128xf32, #tpu.memory_space<vmem>>, vector<1024x64xf32>
    tpu.vector_store %arg4[%swap3A_64, %swap3A_65], %transpose3A_63 {strides = array<i32>} : memref<8192x128xf32, #tpu.memory_space<vmem>>, vector<1024x64xf32>,
    %get3A_67 = arith.constant 0 : index
    %get3A_68 = arith.constant 128 : index
    %get3A_69 = vector.load %arg1[%get3A_67, %get3A_68] : memref<256x512xf32, #tpu.memory_space<vmem>>, vector<256x64xf32>
    %get3A_70 = arith.constant 2 : index
    %get3A_71 = arith.constant 0 : index
    %get3A_72 = arith.constant 0 : index
    %get3A_73 = vector.load %arg2[%get3A_70, %get3A_71, %get3A_72] : memref<8x64x1024xf32, #tpu.memory_space<vmem>>, vector<1x64x1024xf32>
    %get3A_74 = vector.shape_cast %get3A_73 : vector<1x64x1024xf32> to vector<64x1024xf32>
    %dot_general3A_75 = arith.constant dense<0.000000e+00> : vector<256x1024xf32>
    %dot_general3A_76 = tpu.matmul %get3A_69, %get3A_74, %dot_general3A_75 {dimension_numbers = #tpu.dot_dimension_numbers<[1], [0], [0], [1], [0, 0, 1, 1], [], []>, transpose_lhs_hint = false} : vector<256x64xf32>, vector<64x1024xf32>, vector<256x1024xf32> -> vector<256x1024xf32>
    %mul3A_77 = arith.mulf %get3A_69, %get3A_69 : vector<256x64xf32>
    %reduce_sum3A_78 = arith.constant dense<0.000000e+00> : vector<256xf32>
    %reduce_sum3A_79 = vector.multi_reduction <add>, %mul3A_77, %reduce_sum3A_78 [1] : vector<256x64xf32> to vector<256xf32>
    %broadcast_in_dim3A_80 = vector.shape_cast %reduce_sum3A_79 : vector<256xf32> to vector<256x1xf32>
    %mul3A_81 = arith.mulf %get3A_74, %get3A_74 : vector<64x1024xf32>
    %reduce_sum3A_82 = arith.constant dense<0.000000e+00> : vector<1024xf32>
    %reduce_sum3A_83 = vector.multi_reduction <add>, %mul3A_81, %reduce_sum3A_82 [0] : vector<64x1024xf32> to vector<1024xf32>
    %broadcast_in_dim3A_84 = vector.shape_cast %reduce_sum3A_83 : vector<1024xf32> to vector<1x1024xf32>
    %add3A_85 = vector.broadcast %broadcast_in_dim3A_80 : vector<256x1xf32> to vector<256x1024xf32>
    %add3A_86 = vector.broadcast %broadcast_in_dim3A_84 : vector<1x1024xf32> to vector<256x1024xf32>
    %add3A_87 = arith.addf %add3A_85, %add3A_86 : vector<256x1024xf32>
    %mul3A_88 = arith.constant 2.000000e+00 : f32
    %mul3A_89 = vector.broadcast %mul3A_88 : f32 to vector<256x1024xf32>
    %mul3A_90 = arith.mulf %mul3A_89, %dot_general3A_76 : vector<256x1024xf32>
    %sub3A_91 = arith.subf %add3A_87, %mul3A_90 : vector<256x1024xf32>
    %reduce_min3A_92 = arith.constant dense<0x7F800000> : vector<256xf32>
    %reduce_min3A_93 = vector.multi_reduction <minimumf>, %sub3A_91, %reduce_min3A_92 [1] : vector<256x1024xf32> to vector<256xf32>
    %broadcast_in_dim3A_94 = vector.shape_cast %reduce_min3A_93 : vector<256xf32> to vector<256x1xf32>
    %eq3A_95 = vector.broadcast %broadcast_in_dim3A_94 : vector<256x1xf32> to vector<256x1024xf32>
    %eq3A_96 = arith.cmpf oeq, %sub3A_91, %eq3A_95 : vector<256x1024xf32>
    %jit3A_97 = arith.constant 1024 : i32
    %broadcast_in_dim3A_98 = vector.broadcast %jit3A_97 : i32 to vector<256x1024xi32>
    %select_n3A_99 = arith.select %eq3A_96, %iota3A, %broadcast_in_dim3A_98 : vector<256x1024xi1>, vector<256x1024xi32>
    %reduce_min3A_100 = arith.constant dense<2147483647> : vector<256xi32>
    %reduce_min3A_101 = vector.multi_reduction <minsi>, %select_n3A_99, %reduce_min3A_100 [1] : vector<256x1024xi32> to vector<256xi32>
    %broadcast_in_dim3A_102 = vector.shape_cast %reduce_min3A_101 : vector<256xi32> to vector<256x1xi32>
    %transpose3A_103 = tpu.transpose %get3A_74, [1, 0] : vector<64x1024xf32> -> vector<1024x64xf32>
    %swap3A_104 = arith.constant 2048 : index
    %swap3A_105 = arith.constant 0 : index
    %swap3A_106 = vector.load %arg4[%swap3A_104, %swap3A_105] : memref<8192x128xf32, #tpu.memory_space<vmem>>, vector<1024x64xf32>
    tpu.vector_store %arg4[%swap3A_104, %swap3A_105], %transpose3A_103 {strides = array<i32>} : memref<8192x128xf32, #tpu.memory_space<vmem>>, vector<1024x64xf32>,
    %get3A_107 = arith.constant 0 : index
    %get3A_108 = arith.constant 192 : index
    %get3A_109 = vector.load %arg1[%get3A_107, %get3A_108] : memref<256x512xf32, #tpu.memory_space<vmem>>, vector<256x64xf32>
    %get3A_110 = arith.constant 3 : index
    %get3A_111 = arith.constant 0 : index
    %get3A_112 = arith.constant 0 : index
    %get3A_113 = vector.load %arg2[%get3A_110, %get3A_111, %get3A_112] : memref<8x64x1024xf32, #tpu.memory_space<vmem>>, vector<1x64x1024xf32>
    %get3A_114 = vector.shape_cast %get3A_113 : vector<1x64x1024xf32> to vector<64x1024xf32>
    %dot_general3A_115 = arith.constant dense<0.000000e+00> : vector<256x1024xf32>
    %dot_general3A_116 = tpu.matmul %get3A_109, %get3A_114, %dot_general3A_115 {dimension_numbers = #tpu.dot_dimension_numbers<[1], [0], [0], [1], [0, 0, 1, 1], [], []>, transpose_lhs_hint = false} : vector<256x64xf32>, vector<64x1024xf32>, vector<256x1024xf32> -> vector<256x1024xf32>
    %mul3A_117 = arith.mulf %get3A_109, %get3A_109 : vector<256x64xf32>
    %reduce_sum3A_118 = arith.constant dense<0.000000e+00> : vector<256xf32>
    %reduce_sum3A_119 = vector.multi_reduction <add>, %mul3A_117, %reduce_sum3A_118 [1] : vector<256x64xf32> to vector<256xf32>
    %broadcast_in_dim3A_120 = vector.shape_cast %reduce_sum3A_119 : vector<256xf32> to vector<256x1xf32>
    %mul3A_121 = arith.mulf %get3A_114, %get3A_114 : vector<64x1024xf32>
    %reduce_sum3A_122 = arith.constant dense<0.000000e+00> : vector<1024xf32>
    %reduce_sum3A_123 = vector.multi_reduction <add>, %mul3A_121, %reduce_sum3A_122 [0] : vector<64x1024xf32> to vector<1024xf32>
    %broadcast_in_dim3A_124 = vector.shape_cast %reduce_sum3A_123 : vector<1024xf32> to vector<1x1024xf32>
    %add3A_125 = vector.broadcast %broadcast_in_dim3A_120 : vector<256x1xf32> to vector<256x1024xf32>
    %add3A_126 = vector.broadcast %broadcast_in_dim3A_124 : vector<1x1024xf32> to vector<256x1024xf32>
    %add3A_127 = arith.addf %add3A_125, %add3A_126 : vector<256x1024xf32>
    %mul3A_128 = arith.constant 2.000000e+00 : f32
    %mul3A_129 = vector.broadcast %mul3A_128 : f32 to vector<256x1024xf32>
    %mul3A_130 = arith.mulf %mul3A_129, %dot_general3A_116 : vector<256x1024xf32>
    %sub3A_131 = arith.subf %add3A_127, %mul3A_130 : vector<256x1024xf32>
    %reduce_min3A_132 = arith.constant dense<0x7F800000> : vector<256xf32>
    %reduce_min3A_133 = vector.multi_reduction <minimumf>, %sub3A_131, %reduce_min3A_132 [1] : vector<256x1024xf32> to vector<256xf32>
    %broadcast_in_dim3A_134 = vector.shape_cast %reduce_min3A_133 : vector<256xf32> to vector<256x1xf32>
    %eq3A_135 = vector.broadcast %broadcast_in_dim3A_134 : vector<256x1xf32> to vector<256x1024xf32>
    %eq3A_136 = arith.cmpf oeq, %sub3A_131, %eq3A_135 : vector<256x1024xf32>
    %jit3A_137 = arith.constant 1024 : i32
    %broadcast_in_dim3A_138 = vector.broadcast %jit3A_137 : i32 to vector<256x1024xi32>
    %select_n3A_139 = arith.select %eq3A_136, %iota3A, %broadcast_in_dim3A_138 : vector<256x1024xi1>, vector<256x1024xi32>
    %reduce_min3A_140 = arith.constant dense<2147483647> : vector<256xi32>
    %reduce_min3A_141 = vector.multi_reduction <minsi>, %select_n3A_139, %reduce_min3A_140 [1] : vector<256x1024xi32> to vector<256xi32>
    %broadcast_in_dim3A_142 = vector.shape_cast %reduce_min3A_141 : vector<256xi32> to vector<256x1xi32>
    %transpose3A_143 = tpu.transpose %get3A_114, [1, 0] : vector<64x1024xf32> -> vector<1024x64xf32>
    %swap3A_144 = arith.constant 3072 : index
    %swap3A_145 = arith.constant 0 : index
    %swap3A_146 = vector.load %arg4[%swap3A_144, %swap3A_145] : memref<8192x128xf32, #tpu.memory_space<vmem>>, vector<1024x64xf32>
    tpu.vector_store %arg4[%swap3A_144, %swap3A_145], %transpose3A_143 {strides = array<i32>} : memref<8192x128xf32, #tpu.memory_space<vmem>>, vector<1024x64xf32>,
    %get3A_147 = arith.constant 0 : index
    %get3A_148 = arith.constant 256 : index
    %get3A_149 = vector.load %arg1[%get3A_147, %get3A_148] : memref<256x512xf32, #tpu.memory_space<vmem>>, vector<256x64xf32>
    %get3A_150 = arith.constant 4 : index
    %get3A_151 = arith.constant 0 : index
    %get3A_152 = arith.constant 0 : index
    %get3A_153 = vector.load %arg2[%get3A_150, %get3A_151, %get3A_152] : memref<8x64x1024xf32, #tpu.memory_space<vmem>>, vector<1x64x1024xf32>
    %get3A_154 = vector.shape_cast %get3A_153 : vector<1x64x1024xf32> to vector<64x1024xf32>
    %dot_general3A_155 = arith.constant dense<0.000000e+00> : vector<256x1024xf32>
    %dot_general3A_156 = tpu.matmul %get3A_149, %get3A_154, %dot_general3A_155 {dimension_numbers = #tpu.dot_dimension_numbers<[1], [0], [0], [1], [0, 0, 1, 1], [], []>, transpose_lhs_hint = false} : vector<256x64xf32>, vector<64x1024xf32>, vector<256x1024xf32> -> vector<256x1024xf32>
    %mul3A_157 = arith.mulf %get3A_149, %get3A_149 : vector<256x64xf32>
    %reduce_sum3A_158 = arith.constant dense<0.000000e+00> : vector<256xf32>
    %reduce_sum3A_159 = vector.multi_reduction <add>, %mul3A_157, %reduce_sum3A_158 [1] : vector<256x64xf32> to vector<256xf32>
    %broadcast_in_dim3A_160 = vector.shape_cast %reduce_sum3A_159 : vector<256xf32> to vector<256x1xf32>
    %mul3A_161 = arith.mulf %get3A_154, %get3A_154 : vector<64x1024xf32>
    %reduce_sum3A_162 = arith.constant dense<0.000000e+00> : vector<1024xf32>
    %reduce_sum3A_163 = vector.multi_reduction <add>, %mul3A_161, %reduce_sum3A_162 [0] : vector<64x1024xf32> to vector<1024xf32>
    %broadcast_in_dim3A_164 = vector.shape_cast %reduce_sum3A_163 : vector<1024xf32> to vector<1x1024xf32>
    %add3A_165 = vector.broadcast %broadcast_in_dim3A_160 : vector<256x1xf32> to vector<256x1024xf32>
    %add3A_166 = vector.broadcast %broadcast_in_dim3A_164 : vector<1x1024xf32> to vector<256x1024xf32>
    %add3A_167 = arith.addf %add3A_165, %add3A_166 : vector<256x1024xf32>
    %mul3A_168 = arith.constant 2.000000e+00 : f32
    %mul3A_169 = vector.broadcast %mul3A_168 : f32 to vector<256x1024xf32>
    %mul3A_170 = arith.mulf %mul3A_169, %dot_general3A_156 : vector<256x1024xf32>
    %sub3A_171 = arith.subf %add3A_167, %mul3A_170 : vector<256x1024xf32>
    %reduce_min3A_172 = arith.constant dense<0x7F800000> : vector<256xf32>
    %reduce_min3A_173 = vector.multi_reduction <minimumf>, %sub3A_171, %reduce_min3A_172 [1] : vector<256x1024xf32> to vector<256xf32>
    %broadcast_in_dim3A_174 = vector.shape_cast %reduce_min3A_173 : vector<256xf32> to vector<256x1xf32>
    %eq3A_175 = vector.broadcast %broadcast_in_dim3A_174 : vector<256x1xf32> to vector<256x1024xf32>
    %eq3A_176 = arith.cmpf oeq, %sub3A_171, %eq3A_175 : vector<256x1024xf32>
    %jit3A_177 = arith.constant 1024 : i32
    %broadcast_in_dim3A_178 = vector.broadcast %jit3A_177 : i32 to vector<256x1024xi32>
    %select_n3A_179 = arith.select %eq3A_176, %iota3A, %broadcast_in_dim3A_178 : vector<256x1024xi1>, vector<256x1024xi32>
    %reduce_min3A_180 = arith.constant dense<2147483647> : vector<256xi32>
    %reduce_min3A_181 = vector.multi_reduction <minsi>, %select_n3A_179, %reduce_min3A_180 [1] : vector<256x1024xi32> to vector<256xi32>
    %broadcast_in_dim3A_182 = vector.shape_cast %reduce_min3A_181 : vector<256xi32> to vector<256x1xi32>
    %transpose3A_183 = tpu.transpose %get3A_154, [1, 0] : vector<64x1024xf32> -> vector<1024x64xf32>
    %swap3A_184 = arith.constant 4096 : index
    %swap3A_185 = arith.constant 0 : index
    %swap3A_186 = vector.load %arg4[%swap3A_184, %swap3A_185] : memref<8192x128xf32, #tpu.memory_space<vmem>>, vector<1024x64xf32>
    tpu.vector_store %arg4[%swap3A_184, %swap3A_185], %transpose3A_183 {strides = array<i32>} : memref<8192x128xf32, #tpu.memory_space<vmem>>, vector<1024x64xf32>,
    %get3A_187 = arith.constant 0 : index
    %get3A_188 = arith.constant 320 : index
    %get3A_189 = vector.load %arg1[%get3A_187, %get3A_188] : memref<256x512xf32, #tpu.memory_space<vmem>>, vector<256x64xf32>
    %get3A_190 = arith.constant 5 : index
    %get3A_191 = arith.constant 0 : index
    %get3A_192 = arith.constant 0 : index
    %get3A_193 = vector.load %arg2[%get3A_190, %get3A_191, %get3A_192] : memref<8x64x1024xf32, #tpu.memory_space<vmem>>, vector<1x64x1024xf32>
    %get3A_194 = vector.shape_cast %get3A_193 : vector<1x64x1024xf32> to vector<64x1024xf32>
    %dot_general3A_195 = arith.constant dense<0.000000e+00> : vector<256x1024xf32>
    %dot_general3A_196 = tpu.matmul %get3A_189, %get3A_194, %dot_general3A_195 {dimension_numbers = #tpu.dot_dimension_numbers<[1], [0], [0], [1], [0, 0, 1, 1], [], []>, transpose_lhs_hint = false} : vector<256x64xf32>, vector<64x1024xf32>, vector<256x1024xf32> -> vector<256x1024xf32>
    %mul3A_197 = arith.mulf %get3A_189, %get3A_189 : vector<256x64xf32>
    %reduce_sum3A_198 = arith.constant dense<0.000000e+00> : vector<256xf32>
    %reduce_sum3A_199 = vector.multi_reduction <add>, %mul3A_197, %reduce_sum3A_198 [1] : vector<256x64xf32> to vector<256xf32>
    %broadcast_in_dim3A_200 = vector.shape_cast %reduce_sum3A_199 : vector<256xf32> to vector<256x1xf32>
    %mul3A_201 = arith.mulf %get3A_194, %get3A_194 : vector<64x1024xf32>
    %reduce_sum3A_202 = arith.constant dense<0.000000e+00> : vector<1024xf32>
    %reduce_sum3A_203 = vector.multi_reduction <add>, %mul3A_201, %reduce_sum3A_202 [0] : vector<64x1024xf32> to vector<1024xf32>
    %broadcast_in_dim3A_204 = vector.shape_cast %reduce_sum3A_203 : vector<1024xf32> to vector<1x1024xf32>
    %add3A_205 = vector.broadcast %broadcast_in_dim3A_200 : vector<256x1xf32> to vector<256x1024xf32>
    %add3A_206 = vector.broadcast %broadcast_in_dim3A_204 : vector<1x1024xf32> to vector<256x1024xf32>
    %add3A_207 = arith.addf %add3A_205, %add3A_206 : vector<256x1024xf32>
    %mul3A_208 = arith.constant 2.000000e+00 : f32
    %mul3A_209 = vector.broadcast %mul3A_208 : f32 to vector<256x1024xf32>
    %mul3A_210 = arith.mulf %mul3A_209, %dot_general3A_196 : vector<256x1024xf32>
    %sub3A_211 = arith.subf %add3A_207, %mul3A_210 : vector<256x1024xf32>
    %reduce_min3A_212 = arith.constant dense<0x7F800000> : vector<256xf32>
    %reduce_min3A_213 = vector.multi_reduction <minimumf>, %sub3A_211, %reduce_min3A_212 [1] : vector<256x1024xf32> to vector<256xf32>
    %broadcast_in_dim3A_214 = vector.shape_cast %reduce_min3A_213 : vector<256xf32> to vector<256x1xf32>
    %eq3A_215 = vector.broadcast %broadcast_in_dim3A_214 : vector<256x1xf32> to vector<256x1024xf32>
    %eq3A_216 = arith.cmpf oeq, %sub3A_211, %eq3A_215 : vector<256x1024xf32>
    %jit3A_217 = arith.constant 1024 : i32
    %broadcast_in_dim3A_218 = vector.broadcast %jit3A_217 : i32 to vector<256x1024xi32>
    %select_n3A_219 = arith.select %eq3A_216, %iota3A, %broadcast_in_dim3A_218 : vector<256x1024xi1>, vector<256x1024xi32>
    %reduce_min3A_220 = arith.constant dense<2147483647> : vector<256xi32>
    %reduce_min3A_221 = vector.multi_reduction <minsi>, %select_n3A_219, %reduce_min3A_220 [1] : vector<256x1024xi32> to vector<256xi32>
    %broadcast_in_dim3A_222 = vector.shape_cast %reduce_min3A_221 : vector<256xi32> to vector<256x1xi32>
    %transpose3A_223 = tpu.transpose %get3A_194, [1, 0] : vector<64x1024xf32> -> vector<1024x64xf32>
    %swap3A_224 = arith.constant 5120 : index
    %swap3A_225 = arith.constant 0 : index
    %swap3A_226 = vector.load %arg4[%swap3A_224, %swap3A_225] : memref<8192x128xf32, #tpu.memory_space<vmem>>, vector<1024x64xf32>
    tpu.vector_store %arg4[%swap3A_224, %swap3A_225], %transpose3A_223 {strides = array<i32>} : memref<8192x128xf32, #tpu.memory_space<vmem>>, vector<1024x64xf32>,
    %get3A_227 = arith.constant 0 : index
    %get3A_228 = arith.constant 384 : index
    %get3A_229 = vector.load %arg1[%get3A_227, %get3A_228] : memref<256x512xf32, #tpu.memory_space<vmem>>, vector<256x64xf32>
    %get3A_230 = arith.constant 6 : index
    %get3A_231 = arith.constant 0 : index
    %get3A_232 = arith.constant 0 : index
    %get3A_233 = vector.load %arg2[%get3A_230, %get3A_231, %get3A_232] : memref<8x64x1024xf32, #tpu.memory_space<vmem>>, vector<1x64x1024xf32>
    %get3A_234 = vector.shape_cast %get3A_233 : vector<1x64x1024xf32> to vector<64x1024xf32>
    %dot_general3A_235 = arith.constant dense<0.000000e+00> : vector<256x1024xf32>
    %dot_general3A_236 = tpu.matmul %get3A_229, %get3A_234, %dot_general3A_235 {dimension_numbers = #tpu.dot_dimension_numbers<[1], [0], [0], [1], [0, 0, 1, 1], [], []>, transpose_lhs_hint = false} : vector<256x64xf32>, vector<64x1024xf32>, vector<256x1024xf32> -> vector<256x1024xf32>
    %mul3A_237 = arith.mulf %get3A_229, %get3A_229 : vector<256x64xf32>
    %reduce_sum3A_238 = arith.constant dense<0.000000e+00> : vector<256xf32>
    %reduce_sum3A_239 = vector.multi_reduction <add>, %mul3A_237, %reduce_sum3A_238 [1] : vector<256x64xf32> to vector<256xf32>
    %broadcast_in_dim3A_240 = vector.shape_cast %reduce_sum3A_239 : vector<256xf32> to vector<256x1xf32>
    %mul3A_241 = arith.mulf %get3A_234, %get3A_234 : vector<64x1024xf32>
    %reduce_sum3A_242 = arith.constant dense<0.000000e+00> : vector<1024xf32>
    %reduce_sum3A_243 = vector.multi_reduction <add>, %mul3A_241, %reduce_sum3A_242 [0] : vector<64x1024xf32> to vector<1024xf32>
    %broadcast_in_dim3A_244 = vector.shape_cast %reduce_sum3A_243 : vector<1024xf32> to vector<1x1024xf32>
    %add3A_245 = vector.broadcast %broadcast_in_dim3A_240 : vector<256x1xf32> to vector<256x1024xf32>
    %add3A_246 = vector.broadcast %broadcast_in_dim3A_244 : vector<1x1024xf32> to vector<256x1024xf32>
    %add3A_247 = arith.addf %add3A_245, %add3A_246 : vector<256x1024xf32>
    %mul3A_248 = arith.constant 2.000000e+00 : f32
    %mul3A_249 = vector.broadcast %mul3A_248 : f32 to vector<256x1024xf32>
    %mul3A_250 = arith.mulf %mul3A_249, %dot_general3A_236 : vector<256x1024xf32>
    %sub3A_251 = arith.subf %add3A_247, %mul3A_250 : vector<256x1024xf32>
    %reduce_min3A_252 = arith.constant dense<0x7F800000> : vector<256xf32>
    %reduce_min3A_253 = vector.multi_reduction <minimumf>, %sub3A_251, %reduce_min3A_252 [1] : vector<256x1024xf32> to vector<256xf32>
    %broadcast_in_dim3A_254 = vector.shape_cast %reduce_min3A_253 : vector<256xf32> to vector<256x1xf32>
    %eq3A_255 = vector.broadcast %broadcast_in_dim3A_254 : vector<256x1xf32> to vector<256x1024xf32>
    %eq3A_256 = arith.cmpf oeq, %sub3A_251, %eq3A_255 : vector<256x1024xf32>
    %jit3A_257 = arith.constant 1024 : i32
    %broadcast_in_dim3A_258 = vector.broadcast %jit3A_257 : i32 to vector<256x1024xi32>
    %select_n3A_259 = arith.select %eq3A_256, %iota3A, %broadcast_in_dim3A_258 : vector<256x1024xi1>, vector<256x1024xi32>
    %reduce_min3A_260 = arith.constant dense<2147483647> : vector<256xi32>
    %reduce_min3A_261 = vector.multi_reduction <minsi>, %select_n3A_259, %reduce_min3A_260 [1] : vector<256x1024xi32> to vector<256xi32>
    %broadcast_in_dim3A_262 = vector.shape_cast %reduce_min3A_261 : vector<256xi32> to vector<256x1xi32>
    %transpose3A_263 = tpu.transpose %get3A_234, [1, 0] : vector<64x1024xf32> -> vector<1024x64xf32>
    %swap3A_264 = arith.constant 6144 : index
    %swap3A_265 = arith.constant 0 : index
    %swap3A_266 = vector.load %arg4[%swap3A_264, %swap3A_265] : memref<8192x128xf32, #tpu.memory_space<vmem>>, vector<1024x64xf32>
    tpu.vector_store %arg4[%swap3A_264, %swap3A_265], %transpose3A_263 {strides = array<i32>} : memref<8192x128xf32, #tpu.memory_space<vmem>>, vector<1024x64xf32>,
    %get3A_267 = arith.constant 0 : index
    %get3A_268 = arith.constant 448 : index
    %get3A_269 = vector.load %arg1[%get3A_267, %get3A_268] : memref<256x512xf32, #tpu.memory_space<vmem>>, vector<256x64xf32>
    %get3A_270 = arith.constant 7 : index
    %get3A_271 = arith.constant 0 : index
    %get3A_272 = arith.constant 0 : index
    %get3A_273 = vector.load %arg2[%get3A_270, %get3A_271, %get3A_272] : memref<8x64x1024xf32, #tpu.memory_space<vmem>>, vector<1x64x1024xf32>
    %get3A_274 = vector.shape_cast %get3A_273 : vector<1x64x1024xf32> to vector<64x1024xf32>
    %dot_general3A_275 = arith.constant dense<0.000000e+00> : vector<256x1024xf32>
    %dot_general3A_276 = tpu.matmul %get3A_269, %get3A_274, %dot_general3A_275 {dimension_numbers = #tpu.dot_dimension_numbers<[1], [0], [0], [1], [0, 0, 1, 1], [], []>, transpose_lhs_hint = false} : vector<256x64xf32>, vector<64x1024xf32>, vector<256x1024xf32> -> vector<256x1024xf32>
    %mul3A_277 = arith.mulf %get3A_269, %get3A_269 : vector<256x64xf32>
    %reduce_sum3A_278 = arith.constant dense<0.000000e+00> : vector<256xf32>
    %reduce_sum3A_279 = vector.multi_reduction <add>, %mul3A_277, %reduce_sum3A_278 [1] : vector<256x64xf32> to vector<256xf32>
    %broadcast_in_dim3A_280 = vector.shape_cast %reduce_sum3A_279 : vector<256xf32> to vector<256x1xf32>
    %mul3A_281 = arith.mulf %get3A_274, %get3A_274 : vector<64x1024xf32>
    %reduce_sum3A_282 = arith.constant dense<0.000000e+00> : vector<1024xf32>
    %reduce_sum3A_283 = vector.multi_reduction <add>, %mul3A_281, %reduce_sum3A_282 [0] : vector<64x1024xf32> to vector<1024xf32>
    %broadcast_in_dim3A_284 = vector.shape_cast %reduce_sum3A_283 : vector<1024xf32> to vector<1x1024xf32>
    %add3A_285 = vector.broadcast %broadcast_in_dim3A_280 : vector<256x1xf32> to vector<256x1024xf32>
    %add3A_286 = vector.broadcast %broadcast_in_dim3A_284 : vector<1x1024xf32> to vector<256x1024xf32>
    %add3A_287 = arith.addf %add3A_285, %add3A_286 : vector<256x1024xf32>
    %mul3A_288 = arith.constant 2.000000e+00 : f32
    %mul3A_289 = vector.broadcast %mul3A_288 : f32 to vector<256x1024xf32>
    %mul3A_290 = arith.mulf %mul3A_289, %dot_general3A_276 : vector<256x1024xf32>
    %sub3A_291 = arith.subf %add3A_287, %mul3A_290 : vector<256x1024xf32>
    %reduce_min3A_292 = arith.constant dense<0x7F800000> : vector<256xf32>
    %reduce_min3A_293 = vector.multi_reduction <minimumf>, %sub3A_291, %reduce_min3A_292 [1] : vector<256x1024xf32> to vector<256xf32>
    %broadcast_in_dim3A_294 = vector.shape_cast %reduce_min3A_293 : vector<256xf32> to vector<256x1xf32>
    %eq3A_295 = vector.broadcast %broadcast_in_dim3A_294 : vector<256x1xf32> to vector<256x1024xf32>
    %eq3A_296 = arith.cmpf oeq, %sub3A_291, %eq3A_295 : vector<256x1024xf32>
    %jit3A_297 = arith.constant 1024 : i32
    %broadcast_in_dim3A_298 = vector.broadcast %jit3A_297 : i32 to vector<256x1024xi32>
    %select_n3A_299 = arith.select %eq3A_296, %iota3A, %broadcast_in_dim3A_298 : vector<256x1024xi1>, vector<256x1024xi32>
    %reduce_min3A_300 = arith.constant dense<2147483647> : vector<256xi32>
    %reduce_min3A_301 = vector.multi_reduction <minsi>, %select_n3A_299, %reduce_min3A_300 [1] : vector<256x1024xi32> to vector<256xi32>
    %broadcast_in_dim3A_302 = vector.shape_cast %reduce_min3A_301 : vector<256xi32> to vector<256x1xi32>
    %transpose3A_303 = tpu.transpose %get3A_274, [1, 0] : vector<64x1024xf32> -> vector<1024x64xf32>
    %swap3A_304 = arith.constant 7168 : index
    %swap3A_305 = arith.constant 0 : index
    %swap3A_306 = vector.load %arg4[%swap3A_304, %swap3A_305] : memref<8192x128xf32, #tpu.memory_space<vmem>>, vector<1024x64xf32>
    tpu.vector_store %arg4[%swap3A_304, %swap3A_305], %transpose3A_303 {strides = array<i32>} : memref<8192x128xf32, #tpu.memory_space<vmem>>, vector<1024x64xf32>,
    %concatenate3A = tpu.concatenate %broadcast_in_dim3A_24, %broadcast_in_dim3A_62, %broadcast_in_dim3A_102, %broadcast_in_dim3A_142, %broadcast_in_dim3A_182, %broadcast_in_dim3A_222, %broadcast_in_dim3A_262, %broadcast_in_dim3A_302 in 1 : vector<256x1xi32>, vector<256x1xi32>, vector<256x1xi32>, vector<256x1xi32>, vector<256x1xi32>, vector<256x1xi32>, vector<256x1xi32>, vector<256x1xi32> -> vector<256x8xi32>
    %eq3A_307 = arith.constant 0 : i32
    %eq3A_308 = arith.cmpi eq, %arg0, %eq3A_307 : i32
    %convert_element_type3A = arith.extui %eq3A_308 : i1 to i32
    %cond3A = arith.constant 0 : i32
    %cond3A_309 = arith.cmpi ne, %convert_element_type3A, %cond3A : i32
    scf.if %cond3A_309 {
      %swap3A_345 = arith.constant 0 : index
      %swap3A_346 = arith.constant 0 : index
      %swap3A_347 = vector.load %arg3[%swap3A_345, %swap3A_346] : memref<256x64xi32, #tpu.memory_space<vmem>>, vector<256x8xi32>
      tpu.vector_store %arg3[%swap3A_345, %swap3A_346], %concatenate3A {strides = array<i32>} : memref<256x64xi32, #tpu.memory_space<vmem>>, vector<256x8xi32>,
    } else {
    }
    %eq3A_310 = arith.constant 1 : i32
    %eq3A_311 = arith.cmpi eq, %arg0, %eq3A_310 : i32
    %convert_element_type3A_312 = arith.extui %eq3A_311 : i1 to i32
    %cond3A_313 = arith.constant 0 : i32
    %cond3A_314 = arith.cmpi ne, %convert_element_type3A_312, %cond3A_313 : i32
    scf.if %cond3A_314 {
      %swap3A_345 = arith.constant 0 : index
      %swap3A_346 = arith.constant 8 : index
      %swap3A_347 = vector.load %arg3[%swap3A_345, %swap3A_346] : memref<256x64xi32, #tpu.memory_space<vmem>>, vector<256x8xi32>
      tpu.vector_store %arg3[%swap3A_345, %swap3A_346], %concatenate3A {strides = array<i32>} : memref<256x64xi32, #tpu.memory_space<vmem>>, vector<256x8xi32>,
    } else {
    }
    %eq3A_315 = arith.constant 2 : i32
    %eq3A_316 = arith.cmpi eq, %arg0, %eq3A_315 : i32
    %convert_element_type3A_317 = arith.extui %eq3A_316 : i1 to i32
    %cond3A_318 = arith.constant 0 : i32
    %cond3A_319 = arith.cmpi ne, %convert_element_type3A_317, %cond3A_318 : i32
    scf.if %cond3A_319 {
      %swap3A_345 = arith.constant 0 : index
      %swap3A_346 = arith.constant 16 : index
      %swap3A_347 = vector.load %arg3[%swap3A_345, %swap3A_346] : memref<256x64xi32, #tpu.memory_space<vmem>>, vector<256x8xi32>
      tpu.vector_store %arg3[%swap3A_345, %swap3A_346], %concatenate3A {strides = array<i32>} : memref<256x64xi32, #tpu.memory_space<vmem>>, vector<256x8xi32>,
    } else {
    }
    %eq3A_320 = arith.constant 3 : i32
    %eq3A_321 = arith.cmpi eq, %arg0, %eq3A_320 : i32
    %convert_element_type3A_322 = arith.extui %eq3A_321 : i1 to i32
    %cond3A_323 = arith.constant 0 : i32
    %cond3A_324 = arith.cmpi ne, %convert_element_type3A_322, %cond3A_323 : i32
    scf.if %cond3A_324 {
      %swap3A_345 = arith.constant 0 : index
      %swap3A_346 = arith.constant 24 : index
      %swap3A_347 = vector.load %arg3[%swap3A_345, %swap3A_346] : memref<256x64xi32, #tpu.memory_space<vmem>>, vector<256x8xi32>
      tpu.vector_store %arg3[%swap3A_345, %swap3A_346], %concatenate3A {strides = array<i32>} : memref<256x64xi32, #tpu.memory_space<vmem>>, vector<256x8xi32>,
    } else {
    }
    %eq3A_325 = arith.constant 4 : i32
    %eq3A_326 = arith.cmpi eq, %arg0, %eq3A_325 : i32
    %convert_element_type3A_327 = arith.extui %eq3A_326 : i1 to i32
    %cond3A_328 = arith.constant 0 : i32
    %cond3A_329 = arith.cmpi ne, %convert_element_type3A_327, %cond3A_328 : i32
    scf.if %cond3A_329 {
      %swap3A_345 = arith.constant 0 : index
      %swap3A_346 = arith.constant 32 : index
      %swap3A_347 = vector.load %arg3[%swap3A_345, %swap3A_346] : memref<256x64xi32, #tpu.memory_space<vmem>>, vector<256x8xi32>
      tpu.vector_store %arg3[%swap3A_345, %swap3A_346], %concatenate3A {strides = array<i32>} : memref<256x64xi32, #tpu.memory_space<vmem>>, vector<256x8xi32>,
    } else {
    }
    %eq3A_330 = arith.constant 5 : i32
    %eq3A_331 = arith.cmpi eq, %arg0, %eq3A_330 : i32
    %convert_element_type3A_332 = arith.extui %eq3A_331 : i1 to i32
    %cond3A_333 = arith.constant 0 : i32
    %cond3A_334 = arith.cmpi ne, %convert_element_type3A_332, %cond3A_333 : i32
    scf.if %cond3A_334 {
      %swap3A_345 = arith.constant 0 : index
      %swap3A_346 = arith.constant 40 : index
      %swap3A_347 = vector.load %arg3[%swap3A_345, %swap3A_346] : memref<256x64xi32, #tpu.memory_space<vmem>>, vector<256x8xi32>
      tpu.vector_store %arg3[%swap3A_345, %swap3A_346], %concatenate3A {strides = array<i32>} : memref<256x64xi32, #tpu.memory_space<vmem>>, vector<256x8xi32>,
    } else {
    }
    %eq3A_335 = arith.constant 6 : i32
    %eq3A_336 = arith.cmpi eq, %arg0, %eq3A_335 : i32
    %convert_element_type3A_337 = arith.extui %eq3A_336 : i1 to i32
    %cond3A_338 = arith.constant 0 : i32
    %cond3A_339 = arith.cmpi ne, %convert_element_type3A_337, %cond3A_338 : i32
    scf.if %cond3A_339 {
      %swap3A_345 = arith.constant 0 : index
      %swap3A_346 = arith.constant 48 : index
      %swap3A_347 = vector.load %arg3[%swap3A_345, %swap3A_346] : memref<256x64xi32, #tpu.memory_space<vmem>>, vector<256x8xi32>
      tpu.vector_store %arg3[%swap3A_345, %swap3A_346], %concatenate3A {strides = array<i32>} : memref<256x64xi32, #tpu.memory_space<vmem>>, vector<256x8xi32>,
    } else {
    }
    %eq3A_340 = arith.constant 7 : i32
    %eq3A_341 = arith.cmpi eq, %arg0, %eq3A_340 : i32
    %convert_element_type3A_342 = arith.extui %eq3A_341 : i1 to i32
    %cond3A_343 = arith.constant 0 : i32
    %cond3A_344 = arith.cmpi ne, %convert_element_type3A_342, %cond3A_343 : i32
    scf.if %cond3A_344 {
      %swap3A_345 = arith.constant 0 : index
      %swap3A_346 = arith.constant 56 : index
      %swap3A_347 = vector.load %arg3[%swap3A_345, %swap3A_346] : memref<256x64xi32, #tpu.memory_space<vmem>>, vector<256x8xi32>
      tpu.vector_store %arg3[%swap3A_345, %swap3A_346], %concatenate3A {strides = array<i32>} : memref<256x64xi32, #tpu.memory_space<vmem>>, vector<256x8xi32>,
    } else {
    }
    return
  }
  func.func @transform_0(%arg0: i32) -> (i32, i32) {
    %c0_i32 = arith.constant 0 : i32
    %c0_i32_0 = arith.constant 0 : i32
    return %c0_i32, %arg0 : i32, i32
  }
  func.func @transform_1(%arg0: i32) -> (i32, i32, i32) {
    %c0_i32 = arith.constant 0 : i32
    %c0_i32_0 = arith.constant 0 : i32
    %c0_i32_1 = arith.constant 0 : i32
    return %arg0, %c0_i32, %c0_i32_0 : i32, i32, i32
  }
  func.func @transform_2(%arg0: i32) -> (i32, i32) {
    %c0_i32 = arith.constant 0 : i32
    %c0_i32_0 = arith.constant 0 : i32
    %c0_i32_1 = arith.constant 0 : i32
    return %c0_i32, %c0_i32_0 : i32, i32
  }
  func.func @transform_3(%arg0: i32) -> (i32, i32) {
    %c0_i32 = arith.constant 0 : i32
    %c0_i32_0 = arith.constant 0 : i32
    return %arg0, %c0_i32 : i32, i32
  }
}

</mosaic_0001>

<sc_bundles>
// kernel: kernel.5.cloned.1.call-start
scs
__scs_entry_jumppad:
0x0: {  	(pc) =	sbr.rel $0x88, $3  }
0x1: {  	(tag) =	ssettag $0x0;
	lr =	simm.s32 $0x1  }
0x2: {  	[smem:$0x3F9F] =	sst lr;
	_ =	strace $0xD0000000  }
0x3: {  	_ = 	snop  }
0x4: {  	_ = 	snop  }
0x5: {  	_ = 	snop  }
0x6: {  	_ = 	snop  }
0x7: {  	_ = 	snop  }
__scs_overlays_trampoline_lowered:
0x8: {  	[smem:$0x3FAE] =	sst s0  }
0x9: {  	[smem:$0x3FAF] =	sst s1  }
0xa: {  	[smem:$0x3FB0] =	sst s2  }
0xb: {  	[smem:$0x3FB1] =	sst s3  }
0xc: {  	[smem:$0x3FB2] =	sst s4  }
0xd: {  	[smem:$0x3FB3] =	sst s5  }
0xe: {  	[smem:$0x3FB4] =	sst s6  }
0xf: {  	[smem:$0x3FB5] =	sst s7  }
0x10: {  	[smem:$0x3FB6] =	sst s8  }
0x11: {  	[smem:$0x3FB7] =	sst s9;
	s0 =	simm.s32 @!p0 $0x0  }
0x12: {  	s1 =	sld [smem:$0x3F9D];
	s0 =	simm.s32 @p0 $0x1  }
0x13: {  	[smem:$0x3FB8] =	sst s0;
	s0 =	simm.s32 @!p1 $0x0  }
0x14: {  	s2 =	sld [smem:$0x3F9C];
	s0 =	simm.s32 @p1 $0x1  }
0x15: {  	[smem:$0x3FB9] =	sst s0;
	s0 =	simm.s32 @!p2 $0x0  }
0x16: {  	s3 =	sld [smem:$0x3FDB];
	s0 =	simm.s32 @p2 $0x1  }
0x17: {  	s4 =	simm.s32 $0x1BF5;
	[smem:$0x3FBB] =	sst s0  }
0x18: {  	s0 =	sld [smem:$0x3F9E];
	_ =	swait.ge [sflag:s4], $0x0  }
0x19: {  	s7 =	sld [smem:$0x3F9F]  }
0x1a: {  	s8 =	sadd.s32 $0xFFFFE003, lr  }
0x1b: {  	s9 =	sadd.s32 $0xFFFFFEF7, lr;
	s5 =	simm.s32 $0xFFFFFFFF;
	p2 =	slt.u32 s8, $0xFFFFF086  }
0x1c: {  	p1 =	slt.u32 s9, $0xF7A;
	s5 =	simm.s32 @!p2 $0x0  }
0x1d: {  	s5 =	simm.s32 @p1 $0x1;
	p0 =	seq.s32 s7, s2  }
0x1e: {  	s7 =	smul.u32 @!p0 $0xF7A, s2;
	p2 =	seq.s32 @!p0 s5, $0x0  }
0x1f: {  	s9 =	smul.u32 $0xF7A, s1;
	s8 =	simm.s32 @!p0 $0x1BF5;
	p2 =	por !p2, p0  }
0x20: {  	[sflag:s8] =	ssyncset.s32 @!p0 $0xFFFFF086;
	s6 =	sadd.s32 @!p0 s3, s7;
	s7 =	simm.s32 @!p0 $0x108  }
0x21: {  	s3 =	sadd.s32 s3, s9;
	s6 =	sadd.s32 @!p0 $0x88, s6;
	s7 =	simm.s32 @p2 $0x1082  }
0x22: {  	[simem:s7], [sflag:s8] =	dma.local @!p0 [hbm:s6], $0xF7A  }
0x23: {  	s9 =	sor.u32 $0xD0000000, s2;
	s6 =	simm.s32 $0x108;
	_ =	swait.ge @!p0 [sflag:s8], $0x0  }
0x24: {  	s3 =	sadd.s32 $0x88, s3;
	s6 =	simm.s32 @!p1 $0x1082;
	[sflag:s4] =	ssyncset.s32 $0xFFFFF086  }
0x25: {  	[simem:s6], [sflag:s4] =	dma.local [hbm:s3], $0xF7A  }
0x26: {  	[smem:$0x3F9F] =	sst s1;
	(tag) =	ssettag s2;
	_ =	strace s9  }
0x27: {  	s1 =	sld [smem:$0x3FAF]  }
0x28: {  	s2 =	sld [smem:$0x3FB0]  }
0x29: {  	s4 =	sld [smem:$0x3FB2]  }
0x2a: {  	p0 =	seq.s32 s5, $0x0;
	s5 =	sld [smem:$0x3FB3]  }
0x2b: {  	s6 =	sld [smem:$0x3FB4]  }
0x2c: {  	s7 =	sld [smem:$0x3FB5]  }
0x2d: {  	s3 =	simm.s32 $0x108;
	s8 =	sld [smem:$0x3FB6]  }
0x2e: {  	s3 =	simm.s32 @!p0 $0x1082;
	s9 =	sld [smem:$0x3FB7]  }
0x2f: {  	lr =	sadd.s32 s0, s3;
	s0 =	sld [smem:$0x3FAE]  }
0x30: {  	s3 =	sld [smem:$0x3FB1]  }
0x31: {  	[smem:$0x3FBA] =	sst s10  }
0x32: {  	s10 =	sld [smem:$0x3FB8];
	_ =	sdelay $0x3  }
0x33: {  	p0 =	seq.s32 s10, $0x1;
	s10 =	sld [smem:$0x3FBA];
	_ =	sdelay $0x3  }
0x34: {  	[smem:$0x3FBA] =	sst s10  }
0x35: {  	s10 =	sld [smem:$0x3FB9];
	_ =	sdelay $0x3  }
0x36: {  	p1 =	seq.s32 s10, $0x1;
	s10 =	sld [smem:$0x3FBA];
	_ =	sdelay $0x3  }
0x37: {  	[smem:$0x3FBA] =	sst s10  }
0x38: {  	s10 =	sld [smem:$0x3FBB]  }
0x39: {  	_ = 	snop;
	(pc) =	sbr.ind lr, $3  }
0x3a: {  	_ = 	snop  }
0x3b: {  	_ = 	snop  }
0x3c: {  	p2 =	seq.s32 s10, $0x1;
	s10 =	sld [smem:$0x3FBA]  }
0x3d: {  	_ =	shalt  }
0x3e: {  	_ =	shalt  }
0x3f: {  	_ =	shalt  }
0x40: {  	_ =	shalt  }
0x41: {  	_ =	shalt  }
0x42: {  	_ =	shalt  }
0x43: {  	_ =	shalt  }
0x44: {  	_ =	shalt  }
0x45: {  	_ =	shalt  }
0x46: {  	_ =	shalt  }
0x47: {  	_ =	shalt  }
0x48: {  	_ =	shalt  }
0x49: {  	_ =	shalt  }
0x4a: {  	_ =	shalt  }
0x4b: {  	_ =	shalt  }
0x4c: {  	_ =	shalt  }
0x4d: {  	_ =	shalt  }
0x4e: {  	_ =	shalt  }
0x4f: {  	_ =	shalt  }
0x50: {  	_ =	shalt  }
0x51: {  	_ =	shalt  }
0x52: {  	_ =	shalt  }
0x53: {  	_ =	shalt  }
0x54: {  	_ =	shalt  }
0x55: {  	_ =	shalt  }
0x56: {  	_ =	shalt  }
0x57: {  	_ =	shalt  }
0x58: {  	_ =	shalt  }
0x59: {  	_ =	shalt  }
0x5a: {  	_ =	shalt  }
0x5b: {  	_ =	shalt  }
0x5c: {  	_ =	shalt  }
0x5d: {  	_ =	shalt  }
0x5e: {  	_ =	shalt  }
0x5f: {  	_ =	shalt  }
0x60: {  	_ =	shalt  }
0x61: {  	_ =	shalt  }
0x62: {  	_ =	shalt  }
0x63: {  	_ =	shalt  }
0x64: {  	_ =	shalt  }
0x65: {  	_ =	shalt  }
0x66: {  	_ =	shalt  }
0x67: {  	_ =	shalt  }
0x68: {  	_ =	shalt  }
0x69: {  	_ =	shalt  }
0x6a: {  	_ =	shalt  }
0x6b: {  	_ =	shalt  }
0x6c: {  	_ =	shalt  }
0x6d: {  	_ =	shalt  }
0x6e: {  	_ =	shalt  }
0x6f: {  	_ =	shalt  }
0x70: {  	_ =	shalt  }
0x71: {  	_ =	shalt  }
0x72: {  	_ =	shalt  }
0x73: {  	_ =	shalt  }
0x74: {  	_ =	shalt  }
0x75: {  	_ =	shalt  }
0x76: {  	_ =	shalt  }
0x77: {  	_ =	shalt  }
0x78: {  	_ =	shalt  }
0x79: {  	_ =	shalt  }
0x7a: {  	_ =	shalt  }
0x7b: {  	_ =	shalt  }
0x7c: {  	_ =	shalt  }
0x7d: {  	_ =	shalt  }
0x7e: {  	_ =	shalt  }
0x7f: {  	_ =	shalt  }
0x80: {  	_ =	shalt  }
0x81: {  	_ =	shalt  }
0x82: {  	_ =	shalt  }
0x83: {  	_ =	shalt  }
0x84: {  	_ =	shalt  }
0x85: {  	_ =	shalt  }
0x86: {  	_ =	shalt  }
0x87: {  	_ =	shalt  }
.Lfunc_end0:
.L_simem_size_0:
called_computation_lowered:
.L_overlay_start_0:
0x88: {  	s2 =	sld [smem:$0x3FD9]  }
0x89: {  	s3 =	sld [smem:$0x3FFE];
	_ =	sdelay $0x1  }
0x8a: {  	s1 =	srdreg.scid  }
0x8b: {  	s0 =	sand.u32 $0x1, s1  }
0x8c: {  	s14 =	sshll.u32 s0, $0xA;
	s2 =	sadd.s32 s3, s2  }
0x8d: {  	s2 =	sadd.s32 s2, s14  }
0x8e: {  	[smem:$0x3FC6] =	sst s2  }
0x8f: {  	_ = 	snop  }
0x90: {  	s2 =	sld [smem:$0x3FD0];
	_ =	sdelay $0x2  }
0x91: {  	s4 =	simm.s32 $0xA;
	s5 =	simm.s32 $0x10;
	s15 =	sld [smem:$0x3FC9]  }
0x92: {  	[smem:s5], [sflag:s4] =	dma.local [hbm:s2], $0x1  }
0x93: {  	_ =	swait.eq [sflag:s4], $0x1  }
0x94: {  	[sflag:s4] =	ssyncset.done $0x0  }
0x95: {  	s16 =	sld [smem:$0x10];
	[sflag:s4] =	ssyncadd.s32 $0xFFFFFFFF  }
0x96: {  	s17 =	sld [smem:$0x11];
	(tm) =	ssettm $0x1  }
0x97: {  	s18 =	sld [smem:$0x3FFB];
	_ =	sdelay $0x3  }
0x98: {  	_ =	strace s18  }
0x99: {  	s5 =	sld [smem:$0x3FFC];
	_ =	sdelay $0x3  }
0x9a: {  	_ =	strace s5  }
0x9b: {  	s5 =	sld [smem:$0x3FFD];
	_ =	sdelay $0x3  }
0x9c: {  	_ =	strace s5  }
0x9d: {  	_ =	strace $0x8FFFFFFF  }
0x9e: {  	s19 =	sld [smem:$0x3FDB];
	_ =	sdelay $0x1  }
0x9f: {  	s6 =	simm.s32 $_scs_section_size  }
0xa0: {  	s7 =	simm.s32 $_size__tile_overlayer_lowered;
	s8 =	simm.s32 $_tile_overlayer_lowered  }
0xa1: {  	s22 =	simm.s32 $0x1BFF;
	s21 =	sshll.u32 s8, $0x1;
	s5 =	sadd.s32 s6, s19  }
0xa2: {  	s9 =	simm.s32 $0x0;
	s20 =	sshll.u32 s7, $0x1;
	s7 =	sadd.s32 s21, s5  }
0xa3: {  	[timem:s9], [sflag:s22] =	dma.local [hbm:s7], s20  }
0xa4: {  	_ =	swait.ge [sflag:s22], s20  }
0xa5: {  	s6 =	ssub.s32 $0x0, s20;
	[sflag:s22] =	ssyncset.done $0x0  }
0xa6: {  	[sflag:s22] =	ssyncadd.s32 s6;
	_ =	sdelay $0x1  }
0xa7: {  	s23 =	simm.s32 $0x1B8B  }
0xa8: {  	_ =	swait.ge [sflag:s23], $0x1  }
0xa9: {  	[sflag:s23] =	ssyncset.done $0x0  }
0xaa: {  	s25 =	simm.s32 $0x1B8E;
	s24 =	sld [smem:$0x3FFE];
	[sflag:s23] =	ssyncadd.s32 $0xFFFFFFFF  }
0xab: {  	s26 =	simm.s32 $execute0_lowered;
	[smem:$0x3FD2] =	sst s25  }
0xac: {  	s7 =	sshll.u32 s26, $0x1;
	_ =	strace $0x80000046;
	[dreg:$0x1] =	wrdreg $0xFFFFFFFF  }
0xad: {  	s28 =	simm.s32 $_size_execute0_lowered;
	s5 =	sadd.s32 s5, s7;
	[dreg:$0x0] =	wrdreg $0x0  }
0xae: {  	s7 =	sshll.u32 s28, $0x1;
	[dreg:$0x2] =	wrdreg s5  }
0xaf: {  	[dreg:$0x3] =	wrdreg s7  }
0xb0: {  	[dreg:$0x4] =	wrdreg $0xC0  }
0xb1: {  	_ =	task [dreg:s9], $0x5FFFF  }
0xb2: {  	[dreg:$0x1] =	wrdreg $0xFFFFFFFF  }
0xb3: {  	[dreg:$0x0] =	wrdreg $0x60  }
0xb4: {  	[dreg:$0x2] =	wrdreg s24  }
0xb5: {  	[dreg:$0x3] =	wrdreg s15  }
0xb6: {  	[dreg:$0x4] =	wrdreg s16  }
0xb7: {  	[dreg:$0x5] =	wrdreg s17  }
0xb8: {  	[dreg:$0x6] =	wrdreg $0x9  }
0xb9: {  	_ =	task.clear_ibuf [dreg:s9], $0x7FFFF;
	_ =	strace $0x90000046  }
0xba: {  	s29 =	simm.s32 $0x9;
	_ =	strace $0x80000048  }
0xbb: {  	_ =	swait.ge [sflag:s29], $0x1  }
0xbc: {  	[sflag:s29] =	ssyncadd.s32 $0xFFFFFFFF  }
0xbd: {  	_ =	strace $0x90000048  }
0xbe: {  	_ =	sfence  }
0xbf: {  	s30 =	sld [smem:$0x0];
	_ =	sdelay $0x2  }
0xc0: {  	s31 =	sshll.u32 s1, $0xD;
	s1 =	sshrl.u32 s1, $0x2  }
0xc1: {  	s3 =	sand.u32 $0x4000, s31;
	s1 =	sadd.s32 s1, s30  }
0xc2: {  	s0 =	sor.u32 s3, s0;
	s1 =	sshll.u32 s1, $0x11  }
0xc3: {  	s0 =	sor.u32 s1, s0  }
0xc4: {  	s0 =	sadd.s32 $0x8F2B, s0  }
0xc5: {  	[sflag:s0] =	ssyncadd.remote.s32 $0x1  }
0xc6: {  	_ =	sfence.sel $0xFFFF  }
0xc7: {  	[dreg:$0x0] =	wrdreg $0xFFFFFFFF;
	(pc) =	sbr.abs _section_cstart, $3  }
0xc8: {  	[dreg:$0x1] =	wrdreg $0xFFFFFFFF  }
0xc9: {  	_ =	task.clear_ibuf [dreg:s9], $0x2FFFF;
	_ =	strace $0x9FFFFFFF  }
0xca: {  	(tm) =	ssettm $0x7FFFFFFF  }
0xcb: {  	_ =	shalt  }
tec
execute0_lowered:
.L_overlay_start_1:
0x0: {  	(tag) =	ssettag $0x1  }
0x1: {  	s7 =	rddreg [dreg:$0x0]  }
0x2: {  	s1 =	rddreg [dreg:$0x1]  }
0x3: {  	s2 =	rddreg [dreg:$0x2]  }
0x4: {  	s3 =	rddreg [dreg:$0x3]  }
0x5: {  	s0 =	rddreg [dreg:$0x4]  }
0x6: {  	s5 =	simm.s32 $0x0;
	s6 =	srdreg.scid;
	s4 =	stileid.u32  }
0x7: {  	s12 =	simm.s32 $0x80;
	s13 =	simm.s32 $0x100;
	s14 =	simm.s32 $0x180  }
0x8: {  	s15 =	simm.s32 $0x400;
	s16 =	simm.s32 $0x4180;
	s17 =	simm.s32 $0x1  }
0x9: {  	s18 =	simm.s32 $0x6180;
	[smem:$0x7FF] =	sst s5;
	s8 =	sand.u32 $0x1, s6  }
0xa: {  	v0 =	vlaneseq.u32;
	s6 =	sadd.s32 $0x1200, s7;
	s10 =	sshll.u32 s4, $0x1;
	s9 =	ssub.s32 $0x2, s8  }
0xb: {  	s7 =	sadd.s32 $0x101200, s7;
	v0 =	vmul.u32 $0x400, v0;
	s10 =	sor.u32 s8, s10;
	s11 =	sshrl.u32 s9, $0x1  }
0xc: {  	_ =	strace $0x80000047;
	s8 =	sshll.u32 s10, $0xA;
	s11 =	ssub.s32 s9, s11  }
0xd: {  	v1 =	vor.u32 $0x4000, v0;
	v2 =	vor.u32 $0x8000, v0;
	v3 =	vor.u32 $0xC000, v0;
	s9 =	sshll.u32 s10, $0xF;
	s10 =	smax.u32 s11, $0x1;
	s11 =	simm.s32 $0x2  }
.LBB2_1:
0xe: {  	s19 =	simm.s32 $0x0  }
.LBB2_2:
0xf: {  	s21 =	sshll.u32 s19, $0x8  }
0x10: {  	s20 =	sadd.s32 s8, s21  }
0x11: {  	s20 =	sshrl.u32 s20, $0x3  }
0x12: {  	s22 =	sadd.s32 s7, s20;
	s20 =	simm.s32 $0x0  }
0x13: {  	[tilespmem:s20], [sflag:$0x2] =	stream.linear.gather [hbm4b:s22+s20], $0x100, $0x38;
	[tilespmem:$0x8180] =	vst v63  }
0x14: {  	_ =	swait.ge [sflag:s11], $0x100  }
0x15: {  	[sflag:s11] =	ssyncset.done $0x0  }
0x16: {  	[sflag:s11] =	ssyncadd.s32 $0xFFFFFF00  }
0x17: {  	v4 =	vld [tilespmem:$0x0]  }
0x18: {  	v5 =	vld [tilespmem:$0x10]  }
0x19: {  	v6 =	vld [tilespmem:$0x20]  }
0x1a: {  	v7 =	vld [tilespmem:$0x30]  }
0x1b: {  	v8 =	vld [tilespmem:$0x80]  }
0x1c: {  	v9 =	vld [tilespmem:$0x90];
	v4 =	vadd.s32 v0, v4  }
0x1d: {  	[tilespmem:$0x100] =	vst v4;
	v4 =	vadd.s32 v1, v5;
	v5 =	vld [tilespmem:$0xA0]  }
0x1e: {  	v63 =	vld [tilespmem:$0xB0];
	[tilespmem:$0x110] =	vst v4;
	v4 =	vadd.s32 v2, v6  }
0x1f: {  	[tilespmem:$0x120] =	vst v4;
	v4 =	vadd.s32 v3, v7  }
0x20: {  	[tilespmem:$0x130] =	vst v4;
	v4 =	vadd.s32 v0, v8  }
0x21: {  	[tilespmem:$0x140] =	vst v4;
	v4 =	vadd.s32 v1, v9  }
0x22: {  	[tilespmem:$0x150] =	vst v4;
	v4 =	vadd.s32 v2, v5  }
0x23: {  	s21 =	sadd.s32 s9, s21;
	[tilespmem:$0x160] =	vst v4;
	v4 =	vadd.s32 v3, v63  }
0x24: {  	s21 =	sshrl.u32 s21, $0x3;
	[tilespmem:$0x170] =	vst v4  }
0x25: {  	[tilespmem:s14], [sflag:$0x1] =	stream.indirect.gather [hbm4b:s6+s12], $0x80, s13, s12, $0xb8;
	[tilespmem:$0x8180] =	vst v63  }
0x26: {  	s31 =	sadd.s32 s1, s21  }
0x27: {  	[tilespmem:s16], [sflag:$0x2] =	stream.strided.gather [hbm4b:s31+s13], $0x2000, s15, s13, $0x38;
	[tilespmem:$0x8180] =	vst v63  }
0x28: {  	_ =	swait.ge [sflag:s11], $0x2000  }
0x29: {  	[sflag:s11] =	ssyncset.done $0x0  }
0x2a: {  	[sflag:s11] =	ssyncadd.s32 $0xFFFFE000  }
0x2b: {  	_ =	swait.ge [sflag:s17], $0x4000  }
0x2c: {  	s23 =	simm.s32 $0x580;
	s24 =	simm.s32 $0x0;
	[sflag:s17] =	ssyncset.done $0x0  }
0x2d: {  	s25 =	simm.s32 $0x0;
	s22 =	simm.s32 $0xFFFFFF00;
	[sflag:s17] =	ssyncadd.s32 $0xFFFFC000  }
.LBB2_3:
0x2e: {  	s26 =	sadd.s32 $0x100, s22  }
0x2f: {  	s28 =	sand.u32 $0x1800, s25;
	s26 =	sand.u32 $0x80, s26  }
0x30: {  	v4 =	vld [tilespmem:s23+$0xFFFFFC00];
	s26 =	sor.u32 s26, s28  }
0x31: {  	v5 =	vld [tilespmem:s26+$0x4180];
	_ =	sdelay $0x4  }
0x32: {  	v6 =	vsub.f32 v4, v5;
	_ =	sdelay $0x1  }
0x33: {  	v5 =	vadd.f32 v6, v5  }
0x34: {  	[tilespmem:s26+$0x6180] =	vst v4  }
0x35: {  	[tilespmem:s26+$0x4180] =	vst v5;
	v5 =	vld [tilespmem:s26+$0x4190]  }
0x36: {  	v4 =	vld [tilespmem:s23+$0xFFFFFC10];
	_ =	sdelay $0x4  }
0x37: {  	v56 =	vsub.f32 v4, v5;
	_ =	sdelay $0x1  }
0x38: {  	v5 =	vadd.f32 v56, v5  }
0x39: {  	[tilespmem:s26+$0x6190] =	vst v4  }
0x3a: {  	[tilespmem:s26+$0x4190] =	vst v5;
	v5 =	vld [tilespmem:s26+$0x41A0]  }
0x3b: {  	v4 =	vld [tilespmem:s23+$0xFFFFFC20];
	_ =	sdelay $0x4  }
0x3c: {  	v57 =	vsub.f32 v4, v5;
	_ =	sdelay $0x1  }
0x3d: {  	v5 =	vadd.f32 v57, v5  }
0x3e: {  	[tilespmem:s26+$0x61A0] =	vst v4  }
0x3f: {  	[tilespmem:s26+$0x41A0] =	vst v5;
	v5 =	vld [tilespmem:s26+$0x41B0]  }
0x40: {  	v4 =	vld [tilespmem:s23+$0xFFFFFC30];
	_ =	sdelay $0x4  }
0x41: {  	v58 =	vsub.f32 v4, v5;
	_ =	sdelay $0x1  }
0x42: {  	v5 =	vadd.f32 v58, v5  }
0x43: {  	[tilespmem:s26+$0x61B0] =	vst v4  }
0x44: {  	[tilespmem:s26+$0x41B0] =	vst v5;
	v5 =	vld [tilespmem:s26+$0x41C0]  }
0x45: {  	v4 =	vld [tilespmem:s23+$0xFFFFFC80];
	_ =	sdelay $0x4  }
0x46: {  	v59 =	vsub.f32 v4, v5;
	_ =	sdelay $0x1  }
0x47: {  	v5 =	vadd.f32 v59, v5  }
0x48: {  	[tilespmem:s26+$0x61C0] =	vst v4  }
0x49: {  	[tilespmem:s26+$0x41C0] =	vst v5;
	v5 =	vld [tilespmem:s26+$0x41D0]  }
0x4a: {  	v4 =	vld [tilespmem:s23+$0xFFFFFC90];
	_ =	sdelay $0x4  }
0x4b: {  	v60 =	vsub.f32 v4, v5;
	_ =	sdelay $0x1  }
0x4c: {  	s30 =	sand.u32 $0x3, s20;
	v5 =	vadd.f32 v60, v5  }
0x4d: {  	s28 =	sshll.u32 s30, $0xB;
	[tilespmem:s26+$0x61D0] =	vst v4  }
0x4e: {  	s28 =	sadd.s32 s28, s24;
	[tilespmem:s26+$0x41D0] =	vst v5  }
0x4f: {  	s29 =	sor.u32 $0x60, s28;
	v4 =	vld [tilespmem:s23+$0xFFFFFCA0]  }
0x50: {  	v5 =	vld [tilespmem:s29+$0x4180];
	_ =	sdelay $0x4  }
0x51: {  	v61 =	vsub.f32 v4, v5;
	_ =	sdelay $0x1  }
0x52: {  	v5 =	vadd.f32 v61, v5  }
0x53: {  	[tilespmem:s29+$0x6180] =	vst v4  }
0x54: {  	[tilespmem:s29+$0x4180] =	vst v5  }
0x55: {  	s31 =	sor.u32 $0x70, s28;
	v4 =	vld [tilespmem:s23+$0xFFFFFCB0]  }
0x56: {  	v5 =	vld [tilespmem:s31+$0x4180];
	_ =	sdelay $0x4  }
0x57: {  	v62 =	vsub.f32 v4, v5;
	_ =	sdelay $0x1  }
0x58: {  	v5 =	vadd.f32 v62, v5  }
0x59: {  	[tilespmem:s31+$0x6180] =	vst v4  }
0x5a: {  	[tilespmem:s31+$0x4180] =	vst v5  }
0x5b: {  	v4 =	vld [tilespmem:s23+$0xFFFFFD00]  }
0x5c: {  	v5 =	vld [tilespmem:s26+$0x4280];
	_ =	sdelay $0x4  }
0x5d: {  	v63 =	vsub.f32 v4, v5;
	_ =	sdelay $0x1  }
0x5e: {  	v5 =	vadd.f32 v63, v5  }
0x5f: {  	[tilespmem:s26+$0x6280] =	vst v4  }
0x60: {  	[tilespmem:s26+$0x4280] =	vst v5;
	v5 =	vld [tilespmem:s26+$0x4290]  }
0x61: {  	v4 =	vld [tilespmem:s23+$0xFFFFFD10];
	_ =	sdelay $0x4  }
0x62: {  	v9 =	vsub.f32 v4, v5;
	_ =	sdelay $0x1  }
0x63: {  	v5 =	vadd.f32 v9, v5  }
0x64: {  	[tilespmem:s26+$0x6290] =	vst v4  }
0x65: {  	[tilespmem:s26+$0x4290] =	vst v5;
	v5 =	vld [tilespmem:s26+$0x42A0]  }
0x66: {  	v4 =	vld [tilespmem:s23+$0xFFFFFD20];
	_ =	sdelay $0x4  }
0x67: {  	v10 =	vsub.f32 v4, v5;
	_ =	sdelay $0x1  }
0x68: {  	v5 =	vadd.f32 v10, v5  }
0x69: {  	[tilespmem:s26+$0x62A0] =	vst v4  }
0x6a: {  	[tilespmem:s26+$0x42A0] =	vst v5;
	v5 =	vld [tilespmem:s26+$0x42B0]  }
0x6b: {  	v4 =	vld [tilespmem:s23+$0xFFFFFD30];
	_ =	sdelay $0x4  }
0x6c: {  	v11 =	vsub.f32 v4, v5;
	_ =	sdelay $0x1  }
0x6d: {  	v5 =	vadd.f32 v11, v5  }
0x6e: {  	[tilespmem:s26+$0x62B0] =	vst v4  }
0x6f: {  	[tilespmem:s26+$0x42B0] =	vst v5;
	v5 =	vld [tilespmem:s26+$0x42C0]  }
0x70: {  	v4 =	vld [tilespmem:s23+$0xFFFFFD80];
	_ =	sdelay $0x4  }
0x71: {  	v12 =	vsub.f32 v4, v5;
	_ =	sdelay $0x1  }
0x72: {  	v5 =	vadd.f32 v12, v5  }
0x73: {  	[tilespmem:s26+$0x62C0] =	vst v4  }
0x74: {  	[tilespmem:s26+$0x42C0] =	vst v5;
	v5 =	vld [tilespmem:s26+$0x42D0]  }
0x75: {  	v4 =	vld [tilespmem:s23+$0xFFFFFD90];
	_ =	sdelay $0x4  }
0x76: {  	v13 =	vsub.f32 v4, v5;
	_ =	sdelay $0x1  }
0x77: {  	v5 =	vadd.f32 v13, v5  }
0x78: {  	[tilespmem:s26+$0x62D0] =	vst v4  }
0x79: {  	[tilespmem:s26+$0x42D0] =	vst v5  }
0x7a: {  	s30 =	sor.u32 $0x160, s28;
	v4 =	vld [tilespmem:s23+$0xFFFFFDA0]  }
0x7b: {  	v5 =	vld [tilespmem:s30+$0x4180];
	_ =	sdelay $0x4  }
0x7c: {  	v14 =	vsub.f32 v4, v5;
	_ =	sdelay $0x1  }
0x7d: {  	v5 =	vadd.f32 v14, v5  }
0x7e: {  	[tilespmem:s30+$0x6180] =	vst v4  }
0x7f: {  	[tilespmem:s30+$0x4180] =	vst v5  }
0x80: {  	s31 =	sor.u32 $0x170, s28;
	v4 =	vld [tilespmem:s23+$0xFFFFFDB0]  }
0x81: {  	v5 =	vld [tilespmem:s31+$0x4180];
	_ =	sdelay $0x4  }
0x82: {  	v15 =	vsub.f32 v4, v5;
	_ =	sdelay $0x1  }
0x83: {  	v5 =	vadd.f32 v15, v5  }
0x84: {  	[tilespmem:s31+$0x6180] =	vst v4  }
0x85: {  	[tilespmem:s31+$0x4180] =	vst v5  }
0x86: {  	v4 =	vld [tilespmem:s23+$0xFFFFFE00]  }
0x87: {  	v5 =	vld [tilespmem:s26+$0x4380];
	_ =	sdelay $0x4  }
0x88: {  	v16 =	vsub.f32 v4, v5;
	_ =	sdelay $0x1  }
0x89: {  	v5 =	vadd.f32 v16, v5  }
0x8a: {  	[tilespmem:s26+$0x6380] =	vst v4  }
0x8b: {  	[tilespmem:s26+$0x4380] =	vst v5;
	v5 =	vld [tilespmem:s26+$0x4390]  }
0x8c: {  	v4 =	vld [tilespmem:s23+$0xFFFFFE10];
	_ =	sdelay $0x4  }
0x8d: {  	v17 =	vsub.f32 v4, v5;
	_ =	sdelay $0x1  }
0x8e: {  	v5 =	vadd.f32 v17, v5  }
0x8f: {  	[tilespmem:s26+$0x6390] =	vst v4  }
0x90: {  	[tilespmem:s26+$0x4390] =	vst v5;
	v5 =	vld [tilespmem:s26+$0x43A0]  }
0x91: {  	v4 =	vld [tilespmem:s23+$0xFFFFFE20];
	_ =	sdelay $0x4  }
0x92: {  	v18 =	vsub.f32 v4, v5;
	_ =	sdelay $0x1  }
0x93: {  	v5 =	vadd.f32 v18, v5  }
0x94: {  	[tilespmem:s26+$0x63A0] =	vst v4  }
0x95: {  	[tilespmem:s26+$0x43A0] =	vst v5;
	v5 =	vld [tilespmem:s26+$0x43B0]  }
0x96: {  	v4 =	vld [tilespmem:s23+$0xFFFFFE30];
	_ =	sdelay $0x4  }
0x97: {  	v19 =	vsub.f32 v4, v5;
	_ =	sdelay $0x1  }
0x98: {  	v5 =	vadd.f32 v19, v5  }
0x99: {  	[tilespmem:s26+$0x63B0] =	vst v4  }
0x9a: {  	[tilespmem:s26+$0x43B0] =	vst v5;
	v5 =	vld [tilespmem:s26+$0x43C0]  }
0x9b: {  	v4 =	vld [tilespmem:s23+$0xFFFFFE80];
	_ =	sdelay $0x4  }
0x9c: {  	v20 =	vsub.f32 v4, v5;
	_ =	sdelay $0x1  }
0x9d: {  	v5 =	vadd.f32 v20, v5  }
0x9e: {  	[tilespmem:s26+$0x63C0] =	vst v4  }
0x9f: {  	[tilespmem:s26+$0x43C0] =	vst v5;
	v5 =	vld [tilespmem:s26+$0x43D0]  }
0xa0: {  	v4 =	vld [tilespmem:s23+$0xFFFFFE90];
	_ =	sdelay $0x4  }
0xa1: {  	v21 =	vsub.f32 v4, v5;
	_ =	sdelay $0x1  }
0xa2: {  	v5 =	vadd.f32 v21, v5  }
0xa3: {  	[tilespmem:s26+$0x63D0] =	vst v4  }
0xa4: {  	[tilespmem:s26+$0x43D0] =	vst v5  }
0xa5: {  	s30 =	sor.u32 $0x260, s28;
	v4 =	vld [tilespmem:s23+$0xFFFFFEA0]  }
0xa6: {  	v5 =	vld [tilespmem:s30+$0x4180];
	_ =	sdelay $0x4  }
0xa7: {  	v22 =	vsub.f32 v4, v5;
	_ =	sdelay $0x1  }
0xa8: {  	v5 =	vadd.f32 v22, v5  }
0xa9: {  	[tilespmem:s30+$0x6180] =	vst v4  }
0xaa: {  	[tilespmem:s30+$0x4180] =	vst v5  }
0xab: {  	s31 =	sor.u32 $0x270, s28;
	v4 =	vld [tilespmem:s23+$0xFFFFFEB0]  }
0xac: {  	v5 =	vld [tilespmem:s31+$0x4180];
	_ =	sdelay $0x4  }
0xad: {  	v23 =	vsub.f32 v4, v5;
	_ =	sdelay $0x1  }
0xae: {  	v5 =	vadd.f32 v23, v5  }
0xaf: {  	[tilespmem:s31+$0x6180] =	vst v4  }
0xb0: {  	[tilespmem:s31+$0x4180] =	vst v5  }
0xb1: {  	v4 =	vld [tilespmem:s23+$0xFFFFFF00]  }
0xb2: {  	v5 =	vld [tilespmem:s26+$0x4480];
	_ =	sdelay $0x4  }
0xb3: {  	v24 =	vsub.f32 v4, v5;
	_ =	sdelay $0x1  }
0xb4: {  	v5 =	vadd.f32 v24, v5  }
0xb5: {  	[tilespmem:s26+$0x6480] =	vst v4  }
0xb6: {  	[tilespmem:s26+$0x4480] =	vst v5;
	v5 =	vld [tilespmem:s26+$0x4490]  }
0xb7: {  	v4 =	vld [tilespmem:s23+$0xFFFFFF10];
	_ =	sdelay $0x4  }
0xb8: {  	v25 =	vsub.f32 v4, v5;
	_ =	sdelay $0x1  }
0xb9: {  	v5 =	vadd.f32 v25, v5  }
0xba: {  	[tilespmem:s26+$0x6490] =	vst v4  }
0xbb: {  	[tilespmem:s26+$0x4490] =	vst v5;
	v5 =	vld [tilespmem:s26+$0x44A0]  }
0xbc: {  	v4 =	vld [tilespmem:s23+$0xFFFFFF20];
	_ =	sdelay $0x4  }
0xbd: {  	v26 =	vsub.f32 v4, v5;
	_ =	sdelay $0x1  }
0xbe: {  	v5 =	vadd.f32 v26, v5  }
0xbf: {  	[tilespmem:s26+$0x64A0] =	vst v4  }
0xc0: {  	[tilespmem:s26+$0x44A0] =	vst v5;
	v5 =	vld [tilespmem:s26+$0x44B0]  }
0xc1: {  	v4 =	vld [tilespmem:s23+$0xFFFFFF30];
	_ =	sdelay $0x4  }
0xc2: {  	v27 =	vsub.f32 v4, v5;
	_ =	sdelay $0x1  }
0xc3: {  	v5 =	vadd.f32 v27, v5  }
0xc4: {  	[tilespmem:s26+$0x64B0] =	vst v4  }
0xc5: {  	[tilespmem:s26+$0x44B0] =	vst v5;
	v5 =	vld [tilespmem:s26+$0x44C0]  }
0xc6: {  	v4 =	vld [tilespmem:s23+$0xFFFFFF80];
	_ =	sdelay $0x4  }
0xc7: {  	v28 =	vsub.f32 v4, v5;
	_ =	sdelay $0x1  }
0xc8: {  	v5 =	vadd.f32 v28, v5  }
0xc9: {  	[tilespmem:s26+$0x64C0] =	vst v4  }
0xca: {  	[tilespmem:s26+$0x44C0] =	vst v5;
	v5 =	vld [tilespmem:s26+$0x44D0]  }
0xcb: {  	v4 =	vld [tilespmem:s23+$0xFFFFFF90];
	_ =	sdelay $0x4  }
0xcc: {  	v29 =	vsub.f32 v4, v5;
	_ =	sdelay $0x1  }
0xcd: {  	v5 =	vadd.f32 v29, v5  }
0xce: {  	[tilespmem:s26+$0x64D0] =	vst v4  }
0xcf: {  	[tilespmem:s26+$0x44D0] =	vst v5  }
0xd0: {  	s30 =	sor.u32 $0x360, s28;
	v4 =	vld [tilespmem:s23+$0xFFFFFFA0]  }
0xd1: {  	v5 =	vld [tilespmem:s30+$0x4180];
	_ =	sdelay $0x4  }
0xd2: {  	v30 =	vsub.f32 v4, v5;
	_ =	sdelay $0x1  }
0xd3: {  	v5 =	vadd.f32 v30, v5  }
0xd4: {  	[tilespmem:s30+$0x6180] =	vst v4  }
0xd5: {  	[tilespmem:s30+$0x4180] =	vst v5  }
0xd6: {  	s31 =	sor.u32 $0x370, s28;
	v4 =	vld [tilespmem:s23+$0xFFFFFFB0]  }
0xd7: {  	v5 =	vld [tilespmem:s31+$0x4180];
	_ =	sdelay $0x4  }
0xd8: {  	v31 =	vsub.f32 v4, v5;
	_ =	sdelay $0x1  }
0xd9: {  	v5 =	vadd.f32 v31, v5  }
0xda: {  	[tilespmem:s31+$0x6180] =	vst v4  }
0xdb: {  	[tilespmem:s31+$0x4180] =	vst v5  }
0xdc: {  	v4 =	vld [tilespmem:s23+$0x0]  }
0xdd: {  	v5 =	vld [tilespmem:s26+$0x4580];
	_ =	sdelay $0x4  }
0xde: {  	v32 =	vsub.f32 v4, v5;
	_ =	sdelay $0x1  }
0xdf: {  	v5 =	vadd.f32 v32, v5  }
0xe0: {  	[tilespmem:s26+$0x6580] =	vst v4  }
0xe1: {  	[tilespmem:s26+$0x4580] =	vst v5;
	v5 =	vld [tilespmem:s26+$0x4590]  }
0xe2: {  	v4 =	vld [tilespmem:s23+$0x10];
	_ =	sdelay $0x4  }
0xe3: {  	v33 =	vsub.f32 v4, v5;
	_ =	sdelay $0x1  }
0xe4: {  	v5 =	vadd.f32 v33, v5  }
0xe5: {  	[tilespmem:s26+$0x6590] =	vst v4  }
0xe6: {  	[tilespmem:s26+$0x4590] =	vst v5;
	v5 =	vld [tilespmem:s26+$0x45A0]  }
0xe7: {  	v4 =	vld [tilespmem:s23+$0x20];
	_ =	sdelay $0x4  }
0xe8: {  	v34 =	vsub.f32 v4, v5;
	_ =	sdelay $0x1  }
0xe9: {  	v5 =	vadd.f32 v34, v5  }
0xea: {  	[tilespmem:s26+$0x65A0] =	vst v4  }
0xeb: {  	[tilespmem:s26+$0x45A0] =	vst v5;
	v5 =	vld [tilespmem:s26+$0x45B0]  }
0xec: {  	v4 =	vld [tilespmem:s23+$0x30];
	_ =	sdelay $0x4  }
0xed: {  	v35 =	vsub.f32 v4, v5;
	_ =	sdelay $0x1  }
0xee: {  	v5 =	vadd.f32 v35, v5  }
0xef: {  	[tilespmem:s26+$0x65B0] =	vst v4  }
0xf0: {  	[tilespmem:s26+$0x45B0] =	vst v5;
	v5 =	vld [tilespmem:s26+$0x45C0]  }
0xf1: {  	v4 =	vld [tilespmem:s23+$0x80];
	_ =	sdelay $0x4  }
0xf2: {  	v36 =	vsub.f32 v4, v5;
	_ =	sdelay $0x1  }
0xf3: {  	v5 =	vadd.f32 v36, v5  }
0xf4: {  	[tilespmem:s26+$0x65C0] =	vst v4  }
0xf5: {  	[tilespmem:s26+$0x45C0] =	vst v5;
	v5 =	vld [tilespmem:s26+$0x45D0]  }
0xf6: {  	v4 =	vld [tilespmem:s23+$0x90];
	_ =	sdelay $0x4  }
0xf7: {  	v37 =	vsub.f32 v4, v5;
	_ =	sdelay $0x1  }
0xf8: {  	v5 =	vadd.f32 v37, v5  }
0xf9: {  	[tilespmem:s26+$0x65D0] =	vst v4  }
0xfa: {  	[tilespmem:s26+$0x45D0] =	vst v5  }
0xfb: {  	s30 =	sor.u32 $0x460, s28;
	v4 =	vld [tilespmem:s23+$0xA0]  }
0xfc: {  	v5 =	vld [tilespmem:s30+$0x4180];
	_ =	sdelay $0x4  }
0xfd: {  	v38 =	vsub.f32 v4, v5;
	_ =	sdelay $0x1  }
0xfe: {  	v5 =	vadd.f32 v38, v5  }
0xff: {  	[tilespmem:s30+$0x6180] =	vst v4  }
0x100: {  	[tilespmem:s30+$0x4180] =	vst v5  }
0x101: {  	s31 =	sor.u32 $0x470, s28;
	v4 =	vld [tilespmem:s23+$0xB0]  }
0x102: {  	v5 =	vld [tilespmem:s31+$0x4180];
	_ =	sdelay $0x4  }
0x103: {  	v39 =	vsub.f32 v4, v5;
	_ =	sdelay $0x1  }
0x104: {  	v5 =	vadd.f32 v39, v5  }
0x105: {  	[tilespmem:s31+$0x6180] =	vst v4  }
0x106: {  	[tilespmem:s31+$0x4180] =	vst v5  }
0x107: {  	v4 =	vld [tilespmem:s23+$0x100]  }
0x108: {  	v5 =	vld [tilespmem:s26+$0x4680];
	_ =	sdelay $0x4  }
0x109: {  	v40 =	vsub.f32 v4, v5;
	_ =	sdelay $0x1  }
0x10a: {  	v5 =	vadd.f32 v40, v5  }
0x10b: {  	[tilespmem:s26+$0x6680] =	vst v4  }
0x10c: {  	[tilespmem:s26+$0x4680] =	vst v5;
	v5 =	vld [tilespmem:s26+$0x4690]  }
0x10d: {  	v4 =	vld [tilespmem:s23+$0x110];
	_ =	sdelay $0x4  }
0x10e: {  	v41 =	vsub.f32 v4, v5;
	_ =	sdelay $0x1  }
0x10f: {  	v5 =	vadd.f32 v41, v5  }
0x110: {  	[tilespmem:s26+$0x6690] =	vst v4  }
0x111: {  	[tilespmem:s26+$0x4690] =	vst v5;
	v5 =	vld [tilespmem:s26+$0x46A0]  }
0x112: {  	v4 =	vld [tilespmem:s23+$0x120];
	_ =	sdelay $0x4  }
0x113: {  	v42 =	vsub.f32 v4, v5;
	_ =	sdelay $0x1  }
0x114: {  	v5 =	vadd.f32 v42, v5  }
0x115: {  	[tilespmem:s26+$0x66A0] =	vst v4  }
0x116: {  	[tilespmem:s26+$0x46A0] =	vst v5;
	v5 =	vld [tilespmem:s26+$0x46B0]  }
0x117: {  	v4 =	vld [tilespmem:s23+$0x130];
	_ =	sdelay $0x4  }
0x118: {  	v43 =	vsub.f32 v4, v5;
	_ =	sdelay $0x1  }
0x119: {  	v5 =	vadd.f32 v43, v5  }
0x11a: {  	[tilespmem:s26+$0x66B0] =	vst v4  }
0x11b: {  	[tilespmem:s26+$0x46B0] =	vst v5;
	v5 =	vld [tilespmem:s26+$0x46C0]  }
0x11c: {  	v4 =	vld [tilespmem:s23+$0x180];
	_ =	sdelay $0x4  }
0x11d: {  	v44 =	vsub.f32 v4, v5;
	_ =	sdelay $0x1  }
0x11e: {  	v5 =	vadd.f32 v44, v5  }
0x11f: {  	[tilespmem:s26+$0x66C0] =	vst v4  }
0x120: {  	[tilespmem:s26+$0x46C0] =	vst v5;
	v5 =	vld [tilespmem:s26+$0x46D0]  }
0x121: {  	v4 =	vld [tilespmem:s23+$0x190];
	_ =	sdelay $0x4  }
0x122: {  	v45 =	vsub.f32 v4, v5;
	_ =	sdelay $0x1  }
0x123: {  	v5 =	vadd.f32 v45, v5  }
0x124: {  	[tilespmem:s26+$0x66D0] =	vst v4  }
0x125: {  	[tilespmem:s26+$0x46D0] =	vst v5  }
0x126: {  	s30 =	sor.u32 $0x560, s28;
	v4 =	vld [tilespmem:s23+$0x1A0]  }
0x127: {  	v5 =	vld [tilespmem:s30+$0x4180];
	_ =	sdelay $0x4  }
0x128: {  	v46 =	vsub.f32 v4, v5;
	_ =	sdelay $0x1  }
0x129: {  	v5 =	vadd.f32 v46, v5  }
0x12a: {  	[tilespmem:s30+$0x6180] =	vst v4  }
0x12b: {  	[tilespmem:s30+$0x4180] =	vst v5  }
0x12c: {  	s31 =	sor.u32 $0x570, s28;
	v4 =	vld [tilespmem:s23+$0x1B0]  }
0x12d: {  	v5 =	vld [tilespmem:s31+$0x4180];
	_ =	sdelay $0x4  }
0x12e: {  	v47 =	vsub.f32 v4, v5;
	_ =	sdelay $0x1  }
0x12f: {  	v5 =	vadd.f32 v47, v5  }
0x130: {  	[tilespmem:s31+$0x6180] =	vst v4  }
0x131: {  	[tilespmem:s31+$0x4180] =	vst v5  }
0x132: {  	v4 =	vld [tilespmem:s23+$0x200]  }
0x133: {  	v5 =	vld [tilespmem:s26+$0x4780];
	_ =	sdelay $0x4  }
0x134: {  	v48 =	vsub.f32 v4, v5;
	_ =	sdelay $0x1  }
0x135: {  	v5 =	vadd.f32 v48, v5  }
0x136: {  	[tilespmem:s26+$0x6780] =	vst v4  }
0x137: {  	[tilespmem:s26+$0x4780] =	vst v5;
	v5 =	vld [tilespmem:s26+$0x4790]  }
0x138: {  	v4 =	vld [tilespmem:s23+$0x210];
	_ =	sdelay $0x4  }
0x139: {  	v49 =	vsub.f32 v4, v5;
	_ =	sdelay $0x1  }
0x13a: {  	v5 =	vadd.f32 v49, v5  }
0x13b: {  	[tilespmem:s26+$0x6790] =	vst v4  }
0x13c: {  	[tilespmem:s26+$0x4790] =	vst v5;
	v5 =	vld [tilespmem:s26+$0x47A0]  }
0x13d: {  	v4 =	vld [tilespmem:s23+$0x220];
	_ =	sdelay $0x4  }
0x13e: {  	v50 =	vsub.f32 v4, v5;
	_ =	sdelay $0x1  }
0x13f: {  	v5 =	vadd.f32 v50, v5  }
0x140: {  	[tilespmem:s26+$0x67A0] =	vst v4  }
0x141: {  	[tilespmem:s26+$0x47A0] =	vst v5;
	v5 =	vld [tilespmem:s26+$0x47B0]  }
0x142: {  	v4 =	vld [tilespmem:s23+$0x230];
	_ =	sdelay $0x4  }
0x143: {  	v51 =	vsub.f32 v4, v5;
	_ =	sdelay $0x1  }
0x144: {  	v5 =	vadd.f32 v51, v5  }
0x145: {  	[tilespmem:s26+$0x67B0] =	vst v4  }
0x146: {  	[tilespmem:s26+$0x47B0] =	vst v5;
	v5 =	vld [tilespmem:s26+$0x47C0]  }
0x147: {  	v4 =	vld [tilespmem:s23+$0x280];
	_ =	sdelay $0x4  }
0x148: {  	v52 =	vsub.f32 v4, v5;
	_ =	sdelay $0x1  }
0x149: {  	v5 =	vadd.f32 v52, v5  }
0x14a: {  	[tilespmem:s26+$0x67C0] =	vst v4  }
0x14b: {  	[tilespmem:s26+$0x47C0] =	vst v5;
	v5 =	vld [tilespmem:s26+$0x47D0]  }
0x14c: {  	v4 =	vld [tilespmem:s23+$0x290];
	_ =	sdelay $0x4  }
0x14d: {  	v53 =	vsub.f32 v4, v5;
	_ =	sdelay $0x1  }
0x14e: {  	v5 =	vadd.f32 v53, v5  }
0x14f: {  	[tilespmem:s26+$0x67D0] =	vst v4  }
0x150: {  	[tilespmem:s26+$0x47D0] =	vst v5  }
0x151: {  	s30 =	sor.u32 $0x660, s28;
	v4 =	vld [tilespmem:s23+$0x2A0]  }
0x152: {  	v5 =	vld [tilespmem:s30+$0x4180];
	_ =	sdelay $0x4  }
0x153: {  	v54 =	vsub.f32 v4, v5;
	_ =	sdelay $0x1  }
0x154: {  	v5 =	vadd.f32 v54, v5  }
0x155: {  	[tilespmem:s30+$0x6180] =	vst v4  }
0x156: {  	[tilespmem:s30+$0x4180] =	vst v5  }
0x157: {  	s31 =	sor.u32 $0x670, s28;
	v4 =	vld [tilespmem:s23+$0x2B0]  }
0x158: {  	v5 =	vld [tilespmem:s31+$0x4180];
	_ =	sdelay $0x4  }
0x159: {  	v55 =	vsub.f32 v4, v5;
	_ =	sdelay $0x1  }
0x15a: {  	v5 =	vadd.f32 v55, v5  }
0x15b: {  	[tilespmem:s31+$0x6180] =	vst v4  }
0x15c: {  	[tilespmem:s31+$0x4180] =	vst v5  }
0x15d: {  	v4 =	vld [tilespmem:s23+$0x300]  }
0x15e: {  	v5 =	vld [tilespmem:s26+$0x4880];
	_ =	sdelay $0x4  }
0x15f: {  	v56 =	vsub.f32 v4, v5;
	_ =	sdelay $0x1  }
0x160: {  	v5 =	vadd.f32 v56, v5  }
0x161: {  	[tilespmem:s26+$0x6880] =	vst v4  }
0x162: {  	[tilespmem:s26+$0x4880] =	vst v5;
	v5 =	vld [tilespmem:s26+$0x4890]  }
0x163: {  	v4 =	vld [tilespmem:s23+$0x310];
	_ =	sdelay $0x4  }
0x164: {  	v57 =	vsub.f32 v4, v5;
	_ =	sdelay $0x1  }
0x165: {  	v5 =	vadd.f32 v57, v5  }
0x166: {  	[tilespmem:s26+$0x6890] =	vst v4  }
0x167: {  	[tilespmem:s26+$0x4890] =	vst v5;
	v5 =	vld [tilespmem:s26+$0x48A0]  }
0x168: {  	v4 =	vld [tilespmem:s23+$0x320];
	_ =	sdelay $0x4  }
0x169: {  	v58 =	vsub.f32 v4, v5;
	_ =	sdelay $0x1  }
0x16a: {  	v5 =	vadd.f32 v58, v5  }
0x16b: {  	[tilespmem:s26+$0x68A0] =	vst v4  }
0x16c: {  	[tilespmem:s26+$0x48A0] =	vst v5;
	v5 =	vld [tilespmem:s26+$0x48B0]  }
0x16d: {  	v4 =	vld [tilespmem:s23+$0x330];
	_ =	sdelay $0x4  }
0x16e: {  	v59 =	vsub.f32 v4, v5;
	_ =	sdelay $0x1  }
0x16f: {  	v5 =	vadd.f32 v59, v5  }
0x170: {  	[tilespmem:s26+$0x68B0] =	vst v4  }
0x171: {  	[tilespmem:s26+$0x48B0] =	vst v5;
	v5 =	vld [tilespmem:s26+$0x48C0]  }
0x172: {  	v4 =	vld [tilespmem:s23+$0x380];
	_ =	sdelay $0x4  }
0x173: {  	v60 =	vsub.f32 v4, v5;
	_ =	sdelay $0x1  }
0x174: {  	v5 =	vadd.f32 v60, v5  }
0x175: {  	[tilespmem:s26+$0x68C0] =	vst v4  }
0x176: {  	[tilespmem:s26+$0x48C0] =	vst v5;
	v5 =	vld [tilespmem:s26+$0x48D0]  }
0x177: {  	v4 =	vld [tilespmem:s23+$0x390];
	_ =	sdelay $0x4  }
0x178: {  	v61 =	vsub.f32 v4, v5;
	_ =	sdelay $0x1  }
0x179: {  	v5 =	vadd.f32 v61, v5  }
0x17a: {  	[tilespmem:s26+$0x68D0] =	vst v4  }
0x17b: {  	[tilespmem:s26+$0x48D0] =	vst v5  }
0x17c: {  	s30 =	sor.u32 $0x760, s28;
	v4 =	vld [tilespmem:s23+$0x3A0]  }
0x17d: {  	v5 =	vld [tilespmem:s30+$0x4180];
	_ =	sdelay $0x4  }
0x17e: {  	v62 =	vsub.f32 v4, v5;
	_ =	sdelay $0x1  }
0x17f: {  	v5 =	vadd.f32 v62, v5  }
0x180: {  	[tilespmem:s30+$0x6180] =	vst v4  }
0x181: {  	[tilespmem:s30+$0x4180] =	vst v5  }
0x182: {  	s31 =	sor.u32 $0x770, s28;
	v4 =	vld [tilespmem:s23+$0x3B0]  }
0x183: {  	v5 =	vld [tilespmem:s31+$0x4180];
	_ =	sdelay $0x3  }
0x184: {  	p0 =	sne.s32 s25, $0x3800  }
.Ltmp0:
0x185: {  	v63 =	vsub.f32 v4, v5;
	(pc) =	sbr.rel @p0 .LBB2_3-.Ltmp0, $4  }
0x186: {  	_ = 	snop  }
0x187: {  	v5 =	vadd.f32 v63, v5  }
0x188: {  	s20 =	sadd.s32 $0x1, s20;
	s22 =	sadd.s32 $0x20, s22;
	[tilespmem:s31+$0x6180] =	vst v4  }
0x189: {  	s25 =	sadd.s32 $0x800, s25;
	s24 =	sadd.s32 $0x20, s24;
	s23 =	sadd.s32 $0x800, s23;
	[tilespmem:s31+$0x4180] =	vst v5  }
0x18a: {  	s20 =	sadd.s32 s3, s21  }
0x18b: {  	[hbm4b:s20+s13] =	stream.strided.scatter [tilespmem:s18], [sflag:$0x2], $0x2000, s15, s13, $0x38;
	[tilespmem:$0x8180] =	vst v63  }
0x18c: {  	s19 =	sadd.s32 $0x1, s19;
	_ =	swait.ge [sflag:s11], $0x2000  }
0x18d: {  	p0 =	sne.s32 s19, $0x4;
	[sflag:s11] =	ssyncset.done $0x0  }
.Ltmp1:
0x18e: {  	s31 =	sadd.s32 s2, s21;
	[sflag:s11] =	ssyncadd.s32 $0xFFFFE000;
	(pc) =	sbr.rel @p0 .LBB2_2-.Ltmp1, $4  }
0x18f: {  	[hbm4b:s31+s13] =	stream.strided.scatter [tilespmem:s16], [sflag:$0x2], $0x2000, s15, s13, $0x38;
	[tilespmem:$0x8180] =	vst v63  }
0x190: {  	_ =	swait.ge [sflag:s11], $0x2000  }
0x191: {  	[sflag:s11] =	ssyncset.done $0x0  }
0x192: {  	[sflag:s11] =	ssyncadd.s32 $0xFFFFE000  }
0x193: {  	s5 =	sadd.s32 $0x1, s5  }
0x194: {  	p0 =	sne.s32 s5, s10  }
.Ltmp2:
0x195: {  	_ = 	snop;
	(pc) =	sbr.rel @p0 .LBB2_1-.Ltmp2, $1  }
0x196: {  	_ =	sdelay $0x3  }
0x197: {  	_ =	sfence.sel $0x180000  }
0x198: {  	[bflag:$0x0] =	sbarrier.arrive $0xFFFF  }
0x199: {  	p0 =	sne.s32 s4, $0x0;
	_ =	strace $0x90000047  }
0x19a: {  	s0 =	sadd.s32 @!p0 $0x100000, s0;
	[bflag:$0x2] =	sbarrier.arrive $0xFFFF  }
0x19b: {  	[sflag:s0] =	ssyncadd.tile.s32 @!p0 $0x1;
	_ =	shalt  }
.Lfunc_end2:
_tile_overlayer_lowered:
.L_overlay_start_2:
0x19c: {  	(tag) =	ssettag $0x2  }
0x19d: {  	s0 =	rddreg [dreg:$0x0];
	s2 =	stileid.u32  }
0x19e: {  	s1 =	rddreg [dreg:$0x1];
	p0 =	sne.s32 s2, $0x0  }
0x19f: {  	s3 =	rddreg [dreg:$0x2];
	[bflag:$0x3] =	sbarrier.arrive $0xFFFF;
	s2 =	simm.s32 @!p0 $0x1C02  }
0x1a0: {  	[timem:s3], [sflag:s2] =	dma.local @!p0 [hbm:s0], s1  }
0x1a1: {  	s0 =	simm.s32 @!p0 $0x2  }
0x1a2: {  	_ =	swait.ge @!p0 [sflag:s0], s1  }
0x1a3: {  	s1 =	ssub.s32 @!p0 $0x0, s1;
	[sflag:s0] =	ssyncset.done @!p0 $0x0  }
0x1a4: {  	[sflag:s0] =	ssyncadd.s32 @!p0 s1  }
0x1a5: {  	[bflag:$0x3] =	sbarrier.arrive $0xFFFF  }
0x1a6: {  	_ =	shalt  }

</sc_bundles>
